<compile_context>
chip_gen: v7x
topology: tpu7x:2x2x1
jax: 0.10.2.dev20260603
libtpu: 0.0.44.dev20260713+nightly
codegen_flags: <defaults>
</compile_context>

<pallas_src>
import jax
import jax.numpy as jnp
from jax import lax
from jax.experimental import pallas as pl
from jax.experimental.pallas import tpu as pltpu
from jax.experimental.pallas import tpu_sc as plsc

N = 10000
E = 320000
D = 128
DE = 16
NL = 21
TEMP = 0.1

NC = 2
NS = 16
NW = NC * NS
ET = E // NW
K = 64
KT = ET % K
NCH = ET // K
ZCH = N // K
ZR = N % K

LANES = 16
NB = 1000
EB = 6400


def _tc_nodes(coords_ref, win_ref, bin_ref, w1_ref, w2_ref, bmsg_ref,
              h_ref, a_ref, b_ref):
    h = jnp.maximum(
        jnp.dot(coords_ref[...], win_ref[...],
                preferred_element_type=jnp.float32) + bin_ref[...], 0.0)
    h_ref[...] = h
    a_ref[...] = jnp.dot(h, w1_ref[...], preferred_element_type=jnp.float32)
    b_ref[...] = (jnp.dot(h, w2_ref[...], preferred_element_type=jnp.float32)
                  + bmsg_ref[...])


def _tc_edgefeat(eft_ref, w3_ref, c_ref):
    c_ref[...] = lax.dot_general(
        eft_ref[...], w3_ref[...],
        dimension_numbers=(((0,), (0,)), ((), ())),
        preferred_element_type=jnp.float32)


def _tc_out(h_ref, a0_ref, a1_ref, u1_ref, u2_ref, bupd_ref,
            wout_ref, bout_ref, out_ref):
    agg = a0_ref[...] + a1_ref[...]
    h2 = jnp.maximum(
        jnp.dot(h_ref[...], u1_ref[...], preferred_element_type=jnp.float32)
        + jnp.dot(agg, u2_ref[...], preferred_element_type=jnp.float32)
        + bupd_ref[...], 0.0)
    out_ref[...] = (jnp.dot(h2, wout_ref[...],
                            preferred_element_type=jnp.float32)
                    + bout_ref[...]) * (1.0 / TEMP)


def _sc_edges(a_hbm, b_hbm, c_hbm, src_hbm, dst_hbm, out_hbm,
              srcv0, dstv0, bufa0, bufb0, bufc0,
              srcv1, dstv1, bufa1, bufb1, bufc1,
              srcvt, dstvt,
              aggs, sema0, semb0, semc0, sema1, semb1, semc1, semi0, semi1):
    cid = lax.axis_index("c")
    sid = lax.axis_index("s")
    wid = cid * NS + sid
    tile_base = wid * ET

    srcv = (srcv0, srcv1)
    dstv = (dstv0, dstv1)
    bufa = (bufa0, bufa1)
    bufb = (bufb0, bufb1)
    bufc = (bufc0, bufc1)
    sema = (sema0, sema1)
    semb = (semb0, semb1)
    semc = (semc0, semc1)
    semi = (semi0, semi1)

    zero16 = jnp.zeros((LANES,), jnp.float32)

    def zfill(i, carry):
        for j in range(D // LANES):
            bufc0[i, pl.ds(j * LANES, LANES)] = zero16
        return carry

    lax.fori_loop(0, K, zfill, 0)
    for t in range((ZCH + NS - 1) // NS):
        c = sid + NS * t
        @pl.when(c < ZCH)
        def _():
            pltpu.sync_copy(bufc0, aggs.at[pl.ds(c * K, K)])
    @pl.when(sid == 0)
    def _():
        pltpu.sync_copy(bufc0.at[pl.ds(0, ZR)], aggs.at[pl.ds(ZCH * K, ZR)])
    plsc.subcore_barrier()

    def fire_idx(ch, b):
        base = tile_base + ch * K
        pltpu.async_copy(src_hbm.at[pl.ds(base, K)], srcv[b], semi[b])
        pltpu.async_copy(dst_hbm.at[pl.ds(base, K)], dstv[b], semi[b])

    def wait_idx(b):
        pltpu.make_async_copy(src_hbm.at[pl.ds(0, K)], srcv[b], semi[b]).wait()
        pltpu.make_async_copy(dst_hbm.at[pl.ds(0, K)], dstv[b], semi[b]).wait()

    def fire_gathers(ch, b):
        base = tile_base + ch * K
        pltpu.async_copy(a_hbm.at[srcv[b]], bufa[b], sema[b])
        pltpu.async_copy(b_hbm.at[dstv[b]], bufb[b], semb[b])
        pltpu.async_copy(c_hbm.at[pl.ds(base, K)], bufc[b], semc[b])

    def drain(b):
        pltpu.make_async_copy(a_hbm.at[pl.ds(0, K)], bufa[b], sema[b]).wait()
        pltpu.make_async_copy(b_hbm.at[pl.ds(0, K)], bufb[b], semb[b]).wait()
        pltpu.make_async_copy(c_hbm.at[pl.ds(0, K)], bufc[b], semc[b]).wait()

    def consume(b):
        def row(i, c2):
            for j in range(D // LANES):
                s = pl.ds(j * LANES, LANES)
                bufc[b][i, s] = jnp.maximum(
                    bufa[b][i, s] + bufb[b][i, s] + bufc[b][i, s], 0.0)
            return c2

        lax.fori_loop(0, K, row, 0)
        pltpu.sync_copy(bufc[b], aggs.at[dstv[b]], add=True)

    fire_idx(0, 0)
    wait_idx(0)
    fire_gathers(0, 0)
    fire_idx(1, 1)

    def pair(i, carry):
        for b in range(2):
            s = 2 * i + b
            nb = 1 - b
            @pl.when(s + 1 < NCH)
            def _():
                wait_idx(nb)
                fire_gathers(s + 1, nb)
            drain(b)
            consume(b)
            @pl.when(s + 2 < NCH)
            def _():
                fire_idx(s + 2, b)
        return carry

    lax.fori_loop(0, NCH // 2, pair, 0)

    tbase = tile_base + NCH * K
    pltpu.sync_copy(src_hbm.at[pl.ds(tbase, KT)], srcvt)
    pltpu.sync_copy(dst_hbm.at[pl.ds(tbase, KT)], dstvt)
    cpa = pltpu.async_copy(a_hbm.at[srcvt], bufa0.at[pl.ds(0, KT)], sema0)
    cpb = pltpu.async_copy(b_hbm.at[dstvt], bufb0.at[pl.ds(0, KT)], semb0)
    cpc = pltpu.async_copy(c_hbm.at[pl.ds(tbase, KT)],
                           bufc0.at[pl.ds(0, KT)], semc0)
    cpa.wait()
    cpb.wait()
    cpc.wait()

    def trow(i, c2):
        for j in range(D // LANES):
            s = pl.ds(j * LANES, LANES)
            bufc0[i, s] = jnp.maximum(bufa0[i, s] + bufb0[i, s] + bufc0[i, s],
                                      0.0)
        return c2

    lax.fori_loop(0, KT, trow, 0)
    pltpu.sync_copy(bufc0.at[pl.ds(0, KT)], aggs.at[dstvt], add=True)

    plsc.subcore_barrier()
    for t in range((ZCH + NS - 1) // NS):
        c = sid + NS * t
        @pl.when(c < ZCH)
        def _():
            pltpu.sync_copy(aggs.at[pl.ds(c * K, K)],
                            out_hbm.at[cid, pl.ds(c * K, K)])
    @pl.when(sid == 0)
    def _():
        pltpu.sync_copy(aggs.at[pl.ds(ZCH * K, ZR)],
                        out_hbm.at[cid, pl.ds(ZCH * K, ZR)])


def kernel(coords, edge_index, edge_features,
           W_in, b_in, W_msg, b_msg, W_upd, b_upd, W_out, b_out):
    coords8 = jnp.pad(coords, ((0, 0), (0, 5)))
    win8 = jnp.pad(W_in, ((0, 5), (0, 0)))
    W1 = W_msg[:D]
    W2 = W_msg[D:2 * D]
    W3 = W_msg[2 * D:]
    U1 = W_upd[:D]
    U2 = W_upd[D:]
    src = edge_index[0].astype(jnp.int32)
    dst = edge_index[1].astype(jnp.int32)
    b_in2 = b_in.reshape(1, D)
    b_msg2 = b_msg.reshape(1, D)
    b_upd2 = b_upd.reshape(1, D)
    b_out2 = b_out.reshape(1, NL)

    full = lambda i: (0, 0)
    rows = lambda i: (i, 0)

    h, A, B = pl.pallas_call(
        _tc_nodes,
        grid=(N // NB,),
        in_specs=[
            pl.BlockSpec((NB, 8), rows),
            pl.BlockSpec((8, D), full),
            pl.BlockSpec((1, D), full),
            pl.BlockSpec((D, D), full),
            pl.BlockSpec((D, D), full),
            pl.BlockSpec((1, D), full),
        ],
        out_specs=[
            pl.BlockSpec((NB, D), rows),
            pl.BlockSpec((NB, D), rows),
            pl.BlockSpec((NB, D), rows),
        ],
        out_shape=[
            jax.ShapeDtypeStruct((N, D), jnp.float32),
            jax.ShapeDtypeStruct((N, D), jnp.float32),
            jax.ShapeDtypeStruct((N, D), jnp.float32),
        ],
    )(coords8, win8, b_in2, W1, W2, b_msg2)

    eft = edge_features.T
    C = pl.pallas_call(
        _tc_edgefeat,
        grid=(E // EB,),
        in_specs=[
            pl.BlockSpec((DE, EB), lambda i: (0, i)),
            pl.BlockSpec((DE, D), full),
        ],
        out_specs=pl.BlockSpec((EB, D), rows),
        out_shape=jax.ShapeDtypeStruct((E, D), jnp.float32),
    )(eft, W3)

    mesh = plsc.VectorSubcoreMesh(core_axis_name="c", subcore_axis_name="s",
                                  num_cores=NC, num_subcores=NS)
    agg2 = pl.kernel(
        _sc_edges,
        out_type=jax.ShapeDtypeStruct((NC, N, D), jnp.float32),
        mesh=mesh,
        scratch_types=[
            pltpu.VMEM((K,), jnp.int32),
            pltpu.VMEM((K,), jnp.int32),
            pltpu.VMEM((K, D), jnp.float32),
            pltpu.VMEM((K, D), jnp.float32),
            pltpu.VMEM((K, D), jnp.float32),
            pltpu.VMEM((K,), jnp.int32),
            pltpu.VMEM((K,), jnp.int32),
            pltpu.VMEM((K, D), jnp.float32),
            pltpu.VMEM((K, D), jnp.float32),
            pltpu.VMEM((K, D), jnp.float32),
            pltpu.VMEM((KT,), jnp.int32),
            pltpu.VMEM((KT,), jnp.int32),
            pltpu.VMEM_SHARED((N, D), jnp.float32),
            pltpu.SemaphoreType.DMA,
            pltpu.SemaphoreType.DMA,
            pltpu.SemaphoreType.DMA,
            pltpu.SemaphoreType.DMA,
            pltpu.SemaphoreType.DMA,
            pltpu.SemaphoreType.DMA,
            pltpu.SemaphoreType.DMA,
            pltpu.SemaphoreType.DMA,
        ],
    )(A, B, C, src, dst)

    logits = pl.pallas_call(
        _tc_out,
        grid=(N // NB,),
        in_specs=[
            pl.BlockSpec((NB, D), rows),
            pl.BlockSpec((NB, D), rows),
            pl.BlockSpec((NB, D), rows),
            pl.BlockSpec((D, D), full),
            pl.BlockSpec((D, D), full),
            pl.BlockSpec((1, D), full),
            pl.BlockSpec((D, NL), full),
            pl.BlockSpec((1, NL), full),
        ],
        out_specs=pl.BlockSpec((NB, NL), rows),
        out_shape=jax.ShapeDtypeStruct((N, NL), jnp.float32),
    )(h, agg2[0], agg2[1], U1, U2, b_upd2, W_out, b_out2)

    return logits

# --- scband reference (transcript-rebuilt; emitter-appended) ---
"""Pipeline reference for scband-dynamic-batched-protein-mpnn-46720654245929 (READ-ONLY COPY).

The authoritative reference and input builder live on the scoring server;
editing this copy changes nothing except your own understanding.
"""

import jax, jax.numpy as jnp
import numpy as np

N = 10000       # total residues (nodes) in dynamic batch
E = 320000      # k-NN edges, avg_degree=32
D = 128         # hidden dim of base ProteinMPNN
DE = 16         # edge feature dim
NL = 21         # amino-acid logits
TEMP = 0.1      # sampling temperature (forward_batch default)


def setup_inputs(seed: int = 0) -> dict:
    key = jax.random.key(seed)
    ks = jax.random.split(key, 13)
    s = 0.05
    coords = jax.random.normal(ks[0], (N, 3), dtype=jnp.float32)
    edge_index = jax.random.randint(ks[1], (2, E), 0, N)
    edge_features = jax.random.normal(ks[2], (E, DE), dtype=jnp.float32)
    # learned parameters of the (simplified but faithful) base ProteinMPNN
    W_in = jax.random.normal(ks[3], (3, D), dtype=jnp.float32) * s
    b_in = jnp.zeros((D,), dtype=jnp.float32)
    W_msg = jax.random.normal(ks[4], (2 * D + DE, D), dtype=jnp.float32) * s
    b_msg = jnp.zeros((D,), dtype=jnp.float32)
    W_upd = jax.random.normal(ks[5], (2 * D, D), dtype=jnp.float32) * s
    b_upd = jnp.zeros((D,), dtype=jnp.float32)
    W_out = jax.random.normal(ks[6], (D, NL), dtype=jnp.float32) * s
    b_out = jnp.zeros((NL,), dtype=jnp.float32)
    return {
        "coords": coords,
        "edge_index": edge_index,
        "edge_features": edge_features,
        "W_in": W_in, "b_in": b_in,
        "W_msg": W_msg, "b_msg": b_msg,
        "W_upd": W_upd, "b_upd": b_upd,
        "W_out": W_out, "b_out": b_out,
    }


def reference(coords, edge_index, edge_features,
              W_in, b_in, W_msg, b_msg, W_upd, b_upd, W_out, b_out):
    # Node embedding from backbone coordinates
    h = jax.nn.relu(coords @ W_in + b_in)                       # [N, D]
    src = edge_index[0]
    dst = edge_index[1]
    # Message passing: gather endpoint features + edge features
    h_src = jnp.take(h, src, axis=0)                            # [E, D] gather
    h_dst = jnp.take(h, dst, axis=0)                            # [E, D] gather
    m_in = jnp.concatenate([h_src, h_dst, edge_features], axis=-1)  # [E, 2D+DE]
    m = jax.nn.relu(m_in @ W_msg + b_msg)                       # [E, D]
    # Scatter-add aggregation onto destination residues
    agg = jax.ops.segment_sum(m, dst, num_segments=N)           # [N, D]
    # Node update
    h2 = jax.nn.relu(jnp.concatenate([h, agg], axis=-1) @ W_upd + b_upd)  # [N, D]
    # Per-residue amino-acid logits, temperature-scaled as in forward_batch
    logits = (h2 @ W_out + b_out) / TEMP                        # [N, 21]
    return logits

if __name__ == "__main__":
    import jax
    _d = setup_inputs()
    print(jax.jit(kernel)(*tuple(_d.values())))

</pallas_src>

<mosaic_0001>
#map = affine_map<(d0, d1) -> (0, 0)>
#map1 = affine_map<(d0, d1) -> (0)>
#map2 = affine_map<(d0, d1) -> (0, 0, 0)>
module attributes {stable_mosaic.version = 14 : i64} {
  func.func @_sc_edges(%arg0: i32, %arg1: i32, %arg2: memref<10000x128xf32, #tpu.memory_space<hbm>>, %arg3: memref<10000x128xf32, #tpu.memory_space<hbm>>, %arg4: memref<320000x128xf32, #tpu.memory_space<hbm>>, %arg5: memref<320000xi32, #tpu.memory_space<hbm>>, %arg6: memref<320000xi32, #tpu.memory_space<hbm>>, %arg7: memref<2x10000x128xf32, #tpu.memory_space<hbm>>, %arg8: memref<64xi32, #tpu.memory_space<vmem>>, %arg9: memref<64xi32, #tpu.memory_space<vmem>>, %arg10: memref<64x128xf32, #tpu.memory_space<vmem>>, %arg11: memref<64x128xf32, #tpu.memory_space<vmem>>, %arg12: memref<64x128xf32, #tpu.memory_space<vmem>>, %arg13: memref<64xi32, #tpu.memory_space<vmem>>, %arg14: memref<64xi32, #tpu.memory_space<vmem>>, %arg15: memref<64x128xf32, #tpu.memory_space<vmem>>, %arg16: memref<64x128xf32, #tpu.memory_space<vmem>>, %arg17: memref<64x128xf32, #tpu.memory_space<vmem>>, %arg18: memref<16xi32, #tpu.memory_space<vmem>>, %arg19: memref<16xi32, #tpu.memory_space<vmem>>, %arg20: memref<10000x128xf32, #tpu.memory_space<vmem_shared>>, %arg21: memref<!tpu.dma_semaphore, #tpu.memory_space<semaphore_mem>>, %arg22: memref<!tpu.dma_semaphore, #tpu.memory_space<semaphore_mem>>, %arg23: memref<!tpu.dma_semaphore, #tpu.memory_space<semaphore_mem>>, %arg24: memref<!tpu.dma_semaphore, #tpu.memory_space<semaphore_mem>>, %arg25: memref<!tpu.dma_semaphore, #tpu.memory_space<semaphore_mem>>, %arg26: memref<!tpu.dma_semaphore, #tpu.memory_space<semaphore_mem>>, %arg27: memref<!tpu.dma_semaphore, #tpu.memory_space<semaphore_mem>>, %arg28: memref<!tpu.dma_semaphore, #tpu.memory_space<semaphore_mem>>) attributes {dimension_semantics = [#tpu.dimension_semantics<core_parallel>, #tpu.dimension_semantics<subcore_parallel>], iteration_bounds = array<i64: 2, 16>, scalar_prefetch = 0 : i64, scratch_operands = 21 : i64, tpu.core_type = #tpu.core_type<sc_vector_subcore>, window_params = [{transform_indices = #map}, {transform_indices = #map}, {transform_indices = #map}, {transform_indices = #map1}, {transform_indices = #map1}, {transform_indices = #map2}]} {
    %mul3A = arith.constant 16 : i32
    %mul3A_0 = arith.muli %arg0, %mul3A : i32
    %add3A = arith.addi %mul3A_0, %arg1 : i32
    %mul3A_1 = arith.constant 10000 : i32
    %mul3A_2 = arith.muli %add3A, %mul3A_1 : i32
    %broadcast_in_dim3A = arith.constant 0.000000e+00 : f32
    %broadcast_in_dim3A_3 = vector.broadcast %broadcast_in_dim3A : f32 to vector<16xf32>
    %scan3A = arith.constant 0 : i32
    %scan3A_4 = arith.constant 0 : i32
    %scan3A_5 = arith.constant 64 : i32
    %scan3A_6 = arith.addi %scan3A_4, %scan3A_5 : i32
    %scan3A_7 = arith.constant 1 : i32
    scf.for %scan3A_244 = %scan3A_4 to %scan3A_6 step %scan3A_7  : i32 {
      %swap3A = arith.index_cast %scan3A_244 : i32 to index
      %swap3A_245 = arith.constant 0 : index
      %swap3A_246 = tpu.vector_load %arg12[%swap3A, %swap3A_245] {strides = array<i32>} : memref<64x128xf32, #tpu.memory_space<vmem>>, vector<1x16xf32>,
      %swap3A_247 = vector.shape_cast %swap3A_246 : vector<1x16xf32> to vector<16xf32>
      %swap3A_248 = vector.shape_cast %broadcast_in_dim3A_3 : vector<16xf32> to vector<1x16xf32>
      tpu.vector_store %arg12[%swap3A, %swap3A_245], %swap3A_248 {strides = array<i32>} : memref<64x128xf32, #tpu.memory_space<vmem>>, vector<1x16xf32>,
      %swap3A_249 = arith.index_cast %scan3A_244 : i32 to index
      %swap3A_250 = arith.constant 16 : index
      %swap3A_251 = tpu.vector_load %arg12[%swap3A_249, %swap3A_250] {strides = array<i32>} : memref<64x128xf32, #tpu.memory_space<vmem>>, vector<1x16xf32>,
      %swap3A_252 = vector.shape_cast %swap3A_251 : vector<1x16xf32> to vector<16xf32>
      %swap3A_253 = vector.shape_cast %broadcast_in_dim3A_3 : vector<16xf32> to vector<1x16xf32>
      tpu.vector_store %arg12[%swap3A_249, %swap3A_250], %swap3A_253 {strides = array<i32>} : memref<64x128xf32, #tpu.memory_space<vmem>>, vector<1x16xf32>,
      %swap3A_254 = arith.index_cast %scan3A_244 : i32 to index
      %swap3A_255 = arith.constant 32 : index
      %swap3A_256 = tpu.vector_load %arg12[%swap3A_254, %swap3A_255] {strides = array<i32>} : memref<64x128xf32, #tpu.memory_space<vmem>>, vector<1x16xf32>,
      %swap3A_257 = vector.shape_cast %swap3A_256 : vector<1x16xf32> to vector<16xf32>
      %swap3A_258 = vector.shape_cast %broadcast_in_dim3A_3 : vector<16xf32> to vector<1x16xf32>
      tpu.vector_store %arg12[%swap3A_254, %swap3A_255], %swap3A_258 {strides = array<i32>} : memref<64x128xf32, #tpu.memory_space<vmem>>, vector<1x16xf32>,
      %swap3A_259 = arith.index_cast %scan3A_244 : i32 to index
      %swap3A_260 = arith.constant 48 : index
      %swap3A_261 = tpu.vector_load %arg12[%swap3A_259, %swap3A_260] {strides = array<i32>} : memref<64x128xf32, #tpu.memory_space<vmem>>, vector<1x16xf32>,
      %swap3A_262 = vector.shape_cast %swap3A_261 : vector<1x16xf32> to vector<16xf32>
      %swap3A_263 = vector.shape_cast %broadcast_in_dim3A_3 : vector<16xf32> to vector<1x16xf32>
      tpu.vector_store %arg12[%swap3A_259, %swap3A_260], %swap3A_263 {strides = array<i32>} : memref<64x128xf32, #tpu.memory_space<vmem>>, vector<1x16xf32>,
      %swap3A_264 = arith.index_cast %scan3A_244 : i32 to index
      %swap3A_265 = arith.constant 64 : index
      %swap3A_266 = tpu.vector_load %arg12[%swap3A_264, %swap3A_265] {strides = array<i32>} : memref<64x128xf32, #tpu.memory_space<vmem>>, vector<1x16xf32>,
      %swap3A_267 = vector.shape_cast %swap3A_266 : vector<1x16xf32> to vector<16xf32>
      %swap3A_268 = vector.shape_cast %broadcast_in_dim3A_3 : vector<16xf32> to vector<1x16xf32>
      tpu.vector_store %arg12[%swap3A_264, %swap3A_265], %swap3A_268 {strides = array<i32>} : memref<64x128xf32, #tpu.memory_space<vmem>>, vector<1x16xf32>,
      %swap3A_269 = arith.index_cast %scan3A_244 : i32 to index
      %swap3A_270 = arith.constant 80 : index
      %swap3A_271 = tpu.vector_load %arg12[%swap3A_269, %swap3A_270] {strides = array<i32>} : memref<64x128xf32, #tpu.memory_space<vmem>>, vector<1x16xf32>,
      %swap3A_272 = vector.shape_cast %swap3A_271 : vector<1x16xf32> to vector<16xf32>
      %swap3A_273 = vector.shape_cast %broadcast_in_dim3A_3 : vector<16xf32> to vector<1x16xf32>
      tpu.vector_store %arg12[%swap3A_269, %swap3A_270], %swap3A_273 {strides = array<i32>} : memref<64x128xf32, #tpu.memory_space<vmem>>, vector<1x16xf32>,
      %swap3A_274 = arith.index_cast %scan3A_244 : i32 to index
      %swap3A_275 = arith.constant 96 : index
      %swap3A_276 = tpu.vector_load %arg12[%swap3A_274, %swap3A_275] {strides = array<i32>} : memref<64x128xf32, #tpu.memory_space<vmem>>, vector<1x16xf32>,
      %swap3A_277 = vector.shape_cast %swap3A_276 : vector<1x16xf32> to vector<16xf32>
      %swap3A_278 = vector.shape_cast %broadcast_in_dim3A_3 : vector<16xf32> to vector<1x16xf32>
      tpu.vector_store %arg12[%swap3A_274, %swap3A_275], %swap3A_278 {strides = array<i32>} : memref<64x128xf32, #tpu.memory_space<vmem>>, vector<1x16xf32>,
      %swap3A_279 = arith.index_cast %scan3A_244 : i32 to index
      %swap3A_280 = arith.constant 112 : index
      %swap3A_281 = tpu.vector_load %arg12[%swap3A_279, %swap3A_280] {strides = array<i32>} : memref<64x128xf32, #tpu.memory_space<vmem>>, vector<1x16xf32>,
      %swap3A_282 = vector.shape_cast %swap3A_281 : vector<1x16xf32> to vector<16xf32>
      %swap3A_283 = vector.shape_cast %broadcast_in_dim3A_3 : vector<16xf32> to vector<1x16xf32>
      tpu.vector_store %arg12[%swap3A_279, %swap3A_280], %swap3A_283 {strides = array<i32>} : memref<64x128xf32, #tpu.memory_space<vmem>>, vector<1x16xf32>,
    }
    %scan3A_8 = arith.constant 64 : i32
    %add3A_9 = arith.constant 0 : i32
    %add3A_10 = arith.addi %arg1, %add3A_9 : i32
    %lt3A = arith.constant 156 : i32
    %lt3A_11 = arith.cmpi slt, %add3A_10, %lt3A : i32
    %convert_element_type3A = arith.extui %lt3A_11 : i1 to i32
    %cond3A = arith.constant 0 : i32
    %cond3A_12 = arith.cmpi ne, %convert_element_type3A, %cond3A : i32
    scf.if %cond3A_12 {
      %mul3A_244 = arith.constant 64 : i32
      %mul3A_245 = arith.muli %add3A_10, %mul3A_244 : i32
      "tpu.region"() ({
        %run_scoped3A = tpu.sem_alloc : memref<!tpu.dma_semaphore, #tpu.memory_space<semaphore_mem>>
        %dma_start3A_246 = arith.constant 0 : i32
        %dma_start3A_247 = tpu.memref_slice %arg20[%mul3A_245, %dma_start3A_246] : memref<10000x128xf32, #tpu.memory_space<vmem_shared>> -> memref<64x128xf32, #tpu.memory_space<vmem_shared>>
        %dma_start3A_248 = arith.constant 0 : i32
        %dma_start3A_249 = tpu.memref_slice %arg20[%mul3A_245, %dma_start3A_248] : memref<10000x128xf32, #tpu.memory_space<vmem_shared>> -> memref<64x128xf32, #tpu.memory_space<vmem_shared>>
        tpu.enqueue_dma source(%arg12 : memref<64x128xf32, #tpu.memory_space<vmem>>) target(%dma_start3A_249 : memref<64x128xf32, #tpu.memory_space<vmem_shared>>) target_semaphore(%run_scoped3A : memref<!tpu.dma_semaphore, #tpu.memory_space<semaphore_mem>>)
        %dma_wait3A_250 = arith.constant 0 : i32
        %dma_wait3A_251 = tpu.memref_slice %arg20[%mul3A_245, %dma_wait3A_250] : memref<10000x128xf32, #tpu.memory_space<vmem_shared>> -> memref<64x128xf32, #tpu.memory_space<vmem_shared>>
        %dma_wait3A_252 = arith.constant 0 : i32
        %dma_wait3A_253 = tpu.memref_slice %arg20[%mul3A_245, %dma_wait3A_252] : memref<10000x128xf32, #tpu.memory_space<vmem_shared>> -> memref<64x128xf32, #tpu.memory_space<vmem_shared>>
        tpu.wait_dma2 semaphore(%run_scoped3A : memref<!tpu.dma_semaphore, #tpu.memory_space<semaphore_mem>>) src(%arg12 : memref<64x128xf32, #tpu.memory_space<vmem>>) dst(%dma_wait3A_253 : memref<64x128xf32, #tpu.memory_space<vmem_shared>>)
        tpu.yield
      }) : () -> ()
    } else {
    }
    %add3A_13 = arith.constant 16 : i32
    %add3A_14 = arith.addi %arg1, %add3A_13 : i32
    %lt3A_15 = arith.constant 156 : i32
    %lt3A_16 = arith.cmpi slt, %add3A_14, %lt3A_15 : i32
    %convert_element_type3A_17 = arith.extui %lt3A_16 : i1 to i32
    %cond3A_18 = arith.constant 0 : i32
    %cond3A_19 = arith.cmpi ne, %convert_element_type3A_17, %cond3A_18 : i32
    scf.if %cond3A_19 {
      %mul3A_244 = arith.constant 64 : i32
      %mul3A_245 = arith.muli %add3A_14, %mul3A_244 : i32
      "tpu.region"() ({
        %run_scoped3A = tpu.sem_alloc : memref<!tpu.dma_semaphore, #tpu.memory_space<semaphore_mem>>
        %dma_start3A_246 = arith.constant 0 : i32
        %dma_start3A_247 = tpu.memref_slice %arg20[%mul3A_245, %dma_start3A_246] : memref<10000x128xf32, #tpu.memory_space<vmem_shared>> -> memref<64x128xf32, #tpu.memory_space<vmem_shared>>
        %dma_start3A_248 = arith.constant 0 : i32
        %dma_start3A_249 = tpu.memref_slice %arg20[%mul3A_245, %dma_start3A_248] : memref<10000x128xf32, #tpu.memory_space<vmem_shared>> -> memref<64x128xf32, #tpu.memory_space<vmem_shared>>
        tpu.enqueue_dma source(%arg12 : memref<64x128xf32, #tpu.memory_space<vmem>>) target(%dma_start3A_249 : memref<64x128xf32, #tpu.memory_space<vmem_shared>>) target_semaphore(%run_scoped3A : memref<!tpu.dma_semaphore, #tpu.memory_space<semaphore_mem>>)
        %dma_wait3A_250 = arith.constant 0 : i32
        %dma_wait3A_251 = tpu.memref_slice %arg20[%mul3A_245, %dma_wait3A_250] : memref<10000x128xf32, #tpu.memory_space<vmem_shared>> -> memref<64x128xf32, #tpu.memory_space<vmem_shared>>
        %dma_wait3A_252 = arith.constant 0 : i32
        %dma_wait3A_253 = tpu.memref_slice %arg20[%mul3A_245, %dma_wait3A_252] : memref<10000x128xf32, #tpu.memory_space<vmem_shared>> -> memref<64x128xf32, #tpu.memory_space<vmem_shared>>
        tpu.wait_dma2 semaphore(%run_scoped3A : memref<!tpu.dma_semaphore, #tpu.memory_space<semaphore_mem>>) src(%arg12 : memref<64x128xf32, #tpu.memory_space<vmem>>) dst(%dma_wait3A_253 : memref<64x128xf32, #tpu.memory_space<vmem_shared>>)
        tpu.yield
      }) : () -> ()
    } else {
    }
    %add3A_20 = arith.constant 32 : i32
    %add3A_21 = arith.addi %arg1, %add3A_20 : i32
    %lt3A_22 = arith.constant 156 : i32
    %lt3A_23 = arith.cmpi slt, %add3A_21, %lt3A_22 : i32
    %convert_element_type3A_24 = arith.extui %lt3A_23 : i1 to i32
    %cond3A_25 = arith.constant 0 : i32
    %cond3A_26 = arith.cmpi ne, %convert_element_type3A_24, %cond3A_25 : i32
    scf.if %cond3A_26 {
      %mul3A_244 = arith.constant 64 : i32
      %mul3A_245 = arith.muli %add3A_21, %mul3A_244 : i32
      "tpu.region"() ({
        %run_scoped3A = tpu.sem_alloc : memref<!tpu.dma_semaphore, #tpu.memory_space<semaphore_mem>>
        %dma_start3A_246 = arith.constant 0 : i32
        %dma_start3A_247 = tpu.memref_slice %arg20[%mul3A_245, %dma_start3A_246] : memref<10000x128xf32, #tpu.memory_space<vmem_shared>> -> memref<64x128xf32, #tpu.memory_space<vmem_shared>>
        %dma_start3A_248 = arith.constant 0 : i32
        %dma_start3A_249 = tpu.memref_slice %arg20[%mul3A_245, %dma_start3A_248] : memref<10000x128xf32, #tpu.memory_space<vmem_shared>> -> memref<64x128xf32, #tpu.memory_space<vmem_shared>>
        tpu.enqueue_dma source(%arg12 : memref<64x128xf32, #tpu.memory_space<vmem>>) target(%dma_start3A_249 : memref<64x128xf32, #tpu.memory_space<vmem_shared>>) target_semaphore(%run_scoped3A : memref<!tpu.dma_semaphore, #tpu.memory_space<semaphore_mem>>)
        %dma_wait3A_250 = arith.constant 0 : i32
        %dma_wait3A_251 = tpu.memref_slice %arg20[%mul3A_245, %dma_wait3A_250] : memref<10000x128xf32, #tpu.memory_space<vmem_shared>> -> memref<64x128xf32, #tpu.memory_space<vmem_shared>>
        %dma_wait3A_252 = arith.constant 0 : i32
        %dma_wait3A_253 = tpu.memref_slice %arg20[%mul3A_245, %dma_wait3A_252] : memref<10000x128xf32, #tpu.memory_space<vmem_shared>> -> memref<64x128xf32, #tpu.memory_space<vmem_shared>>
        tpu.wait_dma2 semaphore(%run_scoped3A : memref<!tpu.dma_semaphore, #tpu.memory_space<semaphore_mem>>) src(%arg12 : memref<64x128xf32, #tpu.memory_space<vmem>>) dst(%dma_wait3A_253 : memref<64x128xf32, #tpu.memory_space<vmem_shared>>)
        tpu.yield
      }) : () -> ()
    } else {
    }
    %add3A_27 = arith.constant 48 : i32
    %add3A_28 = arith.addi %arg1, %add3A_27 : i32
    %lt3A_29 = arith.constant 156 : i32
    %lt3A_30 = arith.cmpi slt, %add3A_28, %lt3A_29 : i32
    %convert_element_type3A_31 = arith.extui %lt3A_30 : i1 to i32
    %cond3A_32 = arith.constant 0 : i32
    %cond3A_33 = arith.cmpi ne, %convert_element_type3A_31, %cond3A_32 : i32
    scf.if %cond3A_33 {
      %mul3A_244 = arith.constant 64 : i32
      %mul3A_245 = arith.muli %add3A_28, %mul3A_244 : i32
      "tpu.region"() ({
        %run_scoped3A = tpu.sem_alloc : memref<!tpu.dma_semaphore, #tpu.memory_space<semaphore_mem>>
        %dma_start3A_246 = arith.constant 0 : i32
        %dma_start3A_247 = tpu.memref_slice %arg20[%mul3A_245, %dma_start3A_246] : memref<10000x128xf32, #tpu.memory_space<vmem_shared>> -> memref<64x128xf32, #tpu.memory_space<vmem_shared>>
        %dma_start3A_248 = arith.constant 0 : i32
        %dma_start3A_249 = tpu.memref_slice %arg20[%mul3A_245, %dma_start3A_248] : memref<10000x128xf32, #tpu.memory_space<vmem_shared>> -> memref<64x128xf32, #tpu.memory_space<vmem_shared>>
        tpu.enqueue_dma source(%arg12 : memref<64x128xf32, #tpu.memory_space<vmem>>) target(%dma_start3A_249 : memref<64x128xf32, #tpu.memory_space<vmem_shared>>) target_semaphore(%run_scoped3A : memref<!tpu.dma_semaphore, #tpu.memory_space<semaphore_mem>>)
        %dma_wait3A_250 = arith.constant 0 : i32
        %dma_wait3A_251 = tpu.memref_slice %arg20[%mul3A_245, %dma_wait3A_250] : memref<10000x128xf32, #tpu.memory_space<vmem_shared>> -> memref<64x128xf32, #tpu.memory_space<vmem_shared>>
        %dma_wait3A_252 = arith.constant 0 : i32
        %dma_wait3A_253 = tpu.memref_slice %arg20[%mul3A_245, %dma_wait3A_252] : memref<10000x128xf32, #tpu.memory_space<vmem_shared>> -> memref<64x128xf32, #tpu.memory_space<vmem_shared>>
        tpu.wait_dma2 semaphore(%run_scoped3A : memref<!tpu.dma_semaphore, #tpu.memory_space<semaphore_mem>>) src(%arg12 : memref<64x128xf32, #tpu.memory_space<vmem>>) dst(%dma_wait3A_253 : memref<64x128xf32, #tpu.memory_space<vmem_shared>>)
        tpu.yield
      }) : () -> ()
    } else {
    }
    %add3A_34 = arith.constant 64 : i32
    %add3A_35 = arith.addi %arg1, %add3A_34 : i32
    %lt3A_36 = arith.constant 156 : i32
    %lt3A_37 = arith.cmpi slt, %add3A_35, %lt3A_36 : i32
    %convert_element_type3A_38 = arith.extui %lt3A_37 : i1 to i32
    %cond3A_39 = arith.constant 0 : i32
    %cond3A_40 = arith.cmpi ne, %convert_element_type3A_38, %cond3A_39 : i32
    scf.if %cond3A_40 {
      %mul3A_244 = arith.constant 64 : i32
      %mul3A_245 = arith.muli %add3A_35, %mul3A_244 : i32
      "tpu.region"() ({
        %run_scoped3A = tpu.sem_alloc : memref<!tpu.dma_semaphore, #tpu.memory_space<semaphore_mem>>
        %dma_start3A_246 = arith.constant 0 : i32
        %dma_start3A_247 = tpu.memref_slice %arg20[%mul3A_245, %dma_start3A_246] : memref<10000x128xf32, #tpu.memory_space<vmem_shared>> -> memref<64x128xf32, #tpu.memory_space<vmem_shared>>
        %dma_start3A_248 = arith.constant 0 : i32
        %dma_start3A_249 = tpu.memref_slice %arg20[%mul3A_245, %dma_start3A_248] : memref<10000x128xf32, #tpu.memory_space<vmem_shared>> -> memref<64x128xf32, #tpu.memory_space<vmem_shared>>
        tpu.enqueue_dma source(%arg12 : memref<64x128xf32, #tpu.memory_space<vmem>>) target(%dma_start3A_249 : memref<64x128xf32, #tpu.memory_space<vmem_shared>>) target_semaphore(%run_scoped3A : memref<!tpu.dma_semaphore, #tpu.memory_space<semaphore_mem>>)
        %dma_wait3A_250 = arith.constant 0 : i32
        %dma_wait3A_251 = tpu.memref_slice %arg20[%mul3A_245, %dma_wait3A_250] : memref<10000x128xf32, #tpu.memory_space<vmem_shared>> -> memref<64x128xf32, #tpu.memory_space<vmem_shared>>
        %dma_wait3A_252 = arith.constant 0 : i32
        %dma_wait3A_253 = tpu.memref_slice %arg20[%mul3A_245, %dma_wait3A_252] : memref<10000x128xf32, #tpu.memory_space<vmem_shared>> -> memref<64x128xf32, #tpu.memory_space<vmem_shared>>
        tpu.wait_dma2 semaphore(%run_scoped3A : memref<!tpu.dma_semaphore, #tpu.memory_space<semaphore_mem>>) src(%arg12 : memref<64x128xf32, #tpu.memory_space<vmem>>) dst(%dma_wait3A_253 : memref<64x128xf32, #tpu.memory_space<vmem_shared>>)
        tpu.yield
      }) : () -> ()
    } else {
    }
    %add3A_41 = arith.constant 80 : i32
    %add3A_42 = arith.addi %arg1, %add3A_41 : i32
    %lt3A_43 = arith.constant 156 : i32
    %lt3A_44 = arith.cmpi slt, %add3A_42, %lt3A_43 : i32
    %convert_element_type3A_45 = arith.extui %lt3A_44 : i1 to i32
    %cond3A_46 = arith.constant 0 : i32
    %cond3A_47 = arith.cmpi ne, %convert_element_type3A_45, %cond3A_46 : i32
    scf.if %cond3A_47 {
      %mul3A_244 = arith.constant 64 : i32
      %mul3A_245 = arith.muli %add3A_42, %mul3A_244 : i32
      "tpu.region"() ({
        %run_scoped3A = tpu.sem_alloc : memref<!tpu.dma_semaphore, #tpu.memory_space<semaphore_mem>>
        %dma_start3A_246 = arith.constant 0 : i32
        %dma_start3A_247 = tpu.memref_slice %arg20[%mul3A_245, %dma_start3A_246] : memref<10000x128xf32, #tpu.memory_space<vmem_shared>> -> memref<64x128xf32, #tpu.memory_space<vmem_shared>>
        %dma_start3A_248 = arith.constant 0 : i32
        %dma_start3A_249 = tpu.memref_slice %arg20[%mul3A_245, %dma_start3A_248] : memref<10000x128xf32, #tpu.memory_space<vmem_shared>> -> memref<64x128xf32, #tpu.memory_space<vmem_shared>>
        tpu.enqueue_dma source(%arg12 : memref<64x128xf32, #tpu.memory_space<vmem>>) target(%dma_start3A_249 : memref<64x128xf32, #tpu.memory_space<vmem_shared>>) target_semaphore(%run_scoped3A : memref<!tpu.dma_semaphore, #tpu.memory_space<semaphore_mem>>)
        %dma_wait3A_250 = arith.constant 0 : i32
        %dma_wait3A_251 = tpu.memref_slice %arg20[%mul3A_245, %dma_wait3A_250] : memref<10000x128xf32, #tpu.memory_space<vmem_shared>> -> memref<64x128xf32, #tpu.memory_space<vmem_shared>>
        %dma_wait3A_252 = arith.constant 0 : i32
        %dma_wait3A_253 = tpu.memref_slice %arg20[%mul3A_245, %dma_wait3A_252] : memref<10000x128xf32, #tpu.memory_space<vmem_shared>> -> memref<64x128xf32, #tpu.memory_space<vmem_shared>>
        tpu.wait_dma2 semaphore(%run_scoped3A : memref<!tpu.dma_semaphore, #tpu.memory_space<semaphore_mem>>) src(%arg12 : memref<64x128xf32, #tpu.memory_space<vmem>>) dst(%dma_wait3A_253 : memref<64x128xf32, #tpu.memory_space<vmem_shared>>)
        tpu.yield
      }) : () -> ()
    } else {
    }
    %add3A_48 = arith.constant 96 : i32
    %add3A_49 = arith.addi %arg1, %add3A_48 : i32
    %lt3A_50 = arith.constant 156 : i32
    %lt3A_51 = arith.cmpi slt, %add3A_49, %lt3A_50 : i32
    %convert_element_type3A_52 = arith.extui %lt3A_51 : i1 to i32
    %cond3A_53 = arith.constant 0 : i32
    %cond3A_54 = arith.cmpi ne, %convert_element_type3A_52, %cond3A_53 : i32
    scf.if %cond3A_54 {
      %mul3A_244 = arith.constant 64 : i32
      %mul3A_245 = arith.muli %add3A_49, %mul3A_244 : i32
      "tpu.region"() ({
        %run_scoped3A = tpu.sem_alloc : memref<!tpu.dma_semaphore, #tpu.memory_space<semaphore_mem>>
        %dma_start3A_246 = arith.constant 0 : i32
        %dma_start3A_247 = tpu.memref_slice %arg20[%mul3A_245, %dma_start3A_246] : memref<10000x128xf32, #tpu.memory_space<vmem_shared>> -> memref<64x128xf32, #tpu.memory_space<vmem_shared>>
        %dma_start3A_248 = arith.constant 0 : i32
        %dma_start3A_249 = tpu.memref_slice %arg20[%mul3A_245, %dma_start3A_248] : memref<10000x128xf32, #tpu.memory_space<vmem_shared>> -> memref<64x128xf32, #tpu.memory_space<vmem_shared>>
        tpu.enqueue_dma source(%arg12 : memref<64x128xf32, #tpu.memory_space<vmem>>) target(%dma_start3A_249 : memref<64x128xf32, #tpu.memory_space<vmem_shared>>) target_semaphore(%run_scoped3A : memref<!tpu.dma_semaphore, #tpu.memory_space<semaphore_mem>>)
        %dma_wait3A_250 = arith.constant 0 : i32
        %dma_wait3A_251 = tpu.memref_slice %arg20[%mul3A_245, %dma_wait3A_250] : memref<10000x128xf32, #tpu.memory_space<vmem_shared>> -> memref<64x128xf32, #tpu.memory_space<vmem_shared>>
        %dma_wait3A_252 = arith.constant 0 : i32
        %dma_wait3A_253 = tpu.memref_slice %arg20[%mul3A_245, %dma_wait3A_252] : memref<10000x128xf32, #tpu.memory_space<vmem_shared>> -> memref<64x128xf32, #tpu.memory_space<vmem_shared>>
        tpu.wait_dma2 semaphore(%run_scoped3A : memref<!tpu.dma_semaphore, #tpu.memory_space<semaphore_mem>>) src(%arg12 : memref<64x128xf32, #tpu.memory_space<vmem>>) dst(%dma_wait3A_253 : memref<64x128xf32, #tpu.memory_space<vmem_shared>>)
        tpu.yield
      }) : () -> ()
    } else {
    }
    %add3A_55 = arith.constant 112 : i32
    %add3A_56 = arith.addi %arg1, %add3A_55 : i32
    %lt3A_57 = arith.constant 156 : i32
    %lt3A_58 = arith.cmpi slt, %add3A_56, %lt3A_57 : i32
    %convert_element_type3A_59 = arith.extui %lt3A_58 : i1 to i32
    %cond3A_60 = arith.constant 0 : i32
    %cond3A_61 = arith.cmpi ne, %convert_element_type3A_59, %cond3A_60 : i32
    scf.if %cond3A_61 {
      %mul3A_244 = arith.constant 64 : i32
      %mul3A_245 = arith.muli %add3A_56, %mul3A_244 : i32
      "tpu.region"() ({
        %run_scoped3A = tpu.sem_alloc : memref<!tpu.dma_semaphore, #tpu.memory_space<semaphore_mem>>
        %dma_start3A_246 = arith.constant 0 : i32
        %dma_start3A_247 = tpu.memref_slice %arg20[%mul3A_245, %dma_start3A_246] : memref<10000x128xf32, #tpu.memory_space<vmem_shared>> -> memref<64x128xf32, #tpu.memory_space<vmem_shared>>
        %dma_start3A_248 = arith.constant 0 : i32
        %dma_start3A_249 = tpu.memref_slice %arg20[%mul3A_245, %dma_start3A_248] : memref<10000x128xf32, #tpu.memory_space<vmem_shared>> -> memref<64x128xf32, #tpu.memory_space<vmem_shared>>
        tpu.enqueue_dma source(%arg12 : memref<64x128xf32, #tpu.memory_space<vmem>>) target(%dma_start3A_249 : memref<64x128xf32, #tpu.memory_space<vmem_shared>>) target_semaphore(%run_scoped3A : memref<!tpu.dma_semaphore, #tpu.memory_space<semaphore_mem>>)
        %dma_wait3A_250 = arith.constant 0 : i32
        %dma_wait3A_251 = tpu.memref_slice %arg20[%mul3A_245, %dma_wait3A_250] : memref<10000x128xf32, #tpu.memory_space<vmem_shared>> -> memref<64x128xf32, #tpu.memory_space<vmem_shared>>
        %dma_wait3A_252 = arith.constant 0 : i32
        %dma_wait3A_253 = tpu.memref_slice %arg20[%mul3A_245, %dma_wait3A_252] : memref<10000x128xf32, #tpu.memory_space<vmem_shared>> -> memref<64x128xf32, #tpu.memory_space<vmem_shared>>
        tpu.wait_dma2 semaphore(%run_scoped3A : memref<!tpu.dma_semaphore, #tpu.memory_space<semaphore_mem>>) src(%arg12 : memref<64x128xf32, #tpu.memory_space<vmem>>) dst(%dma_wait3A_253 : memref<64x128xf32, #tpu.memory_space<vmem_shared>>)
        tpu.yield
      }) : () -> ()
    } else {
    }
    %add3A_62 = arith.constant 128 : i32
    %add3A_63 = arith.addi %arg1, %add3A_62 : i32
    %lt3A_64 = arith.constant 156 : i32
    %lt3A_65 = arith.cmpi slt, %add3A_63, %lt3A_64 : i32
    %convert_element_type3A_66 = arith.extui %lt3A_65 : i1 to i32
    %cond3A_67 = arith.constant 0 : i32
    %cond3A_68 = arith.cmpi ne, %convert_element_type3A_66, %cond3A_67 : i32
    scf.if %cond3A_68 {
      %mul3A_244 = arith.constant 64 : i32
      %mul3A_245 = arith.muli %add3A_63, %mul3A_244 : i32
      "tpu.region"() ({
        %run_scoped3A = tpu.sem_alloc : memref<!tpu.dma_semaphore, #tpu.memory_space<semaphore_mem>>
        %dma_start3A_246 = arith.constant 0 : i32
        %dma_start3A_247 = tpu.memref_slice %arg20[%mul3A_245, %dma_start3A_246] : memref<10000x128xf32, #tpu.memory_space<vmem_shared>> -> memref<64x128xf32, #tpu.memory_space<vmem_shared>>
        %dma_start3A_248 = arith.constant 0 : i32
        %dma_start3A_249 = tpu.memref_slice %arg20[%mul3A_245, %dma_start3A_248] : memref<10000x128xf32, #tpu.memory_space<vmem_shared>> -> memref<64x128xf32, #tpu.memory_space<vmem_shared>>
        tpu.enqueue_dma source(%arg12 : memref<64x128xf32, #tpu.memory_space<vmem>>) target(%dma_start3A_249 : memref<64x128xf32, #tpu.memory_space<vmem_shared>>) target_semaphore(%run_scoped3A : memref<!tpu.dma_semaphore, #tpu.memory_space<semaphore_mem>>)
        %dma_wait3A_250 = arith.constant 0 : i32
        %dma_wait3A_251 = tpu.memref_slice %arg20[%mul3A_245, %dma_wait3A_250] : memref<10000x128xf32, #tpu.memory_space<vmem_shared>> -> memref<64x128xf32, #tpu.memory_space<vmem_shared>>
        %dma_wait3A_252 = arith.constant 0 : i32
        %dma_wait3A_253 = tpu.memref_slice %arg20[%mul3A_245, %dma_wait3A_252] : memref<10000x128xf32, #tpu.memory_space<vmem_shared>> -> memref<64x128xf32, #tpu.memory_space<vmem_shared>>
        tpu.wait_dma2 semaphore(%run_scoped3A : memref<!tpu.dma_semaphore, #tpu.memory_space<semaphore_mem>>) src(%arg12 : memref<64x128xf32, #tpu.memory_space<vmem>>) dst(%dma_wait3A_253 : memref<64x128xf32, #tpu.memory_space<vmem_shared>>)
        tpu.yield
      }) : () -> ()
    } else {
    }
    %add3A_69 = arith.constant 144 : i32
    %add3A_70 = arith.addi %arg1, %add3A_69 : i32
    %lt3A_71 = arith.constant 156 : i32
    %lt3A_72 = arith.cmpi slt, %add3A_70, %lt3A_71 : i32
    %convert_element_type3A_73 = arith.extui %lt3A_72 : i1 to i32
    %cond3A_74 = arith.constant 0 : i32
    %cond3A_75 = arith.cmpi ne, %convert_element_type3A_73, %cond3A_74 : i32
    scf.if %cond3A_75 {
      %mul3A_244 = arith.constant 64 : i32
      %mul3A_245 = arith.muli %add3A_70, %mul3A_244 : i32
      "tpu.region"() ({
        %run_scoped3A = tpu.sem_alloc : memref<!tpu.dma_semaphore, #tpu.memory_space<semaphore_mem>>
        %dma_start3A_246 = arith.constant 0 : i32
        %dma_start3A_247 = tpu.memref_slice %arg20[%mul3A_245, %dma_start3A_246] : memref<10000x128xf32, #tpu.memory_space<vmem_shared>> -> memref<64x128xf32, #tpu.memory_space<vmem_shared>>
        %dma_start3A_248 = arith.constant 0 : i32
        %dma_start3A_249 = tpu.memref_slice %arg20[%mul3A_245, %dma_start3A_248] : memref<10000x128xf32, #tpu.memory_space<vmem_shared>> -> memref<64x128xf32, #tpu.memory_space<vmem_shared>>
        tpu.enqueue_dma source(%arg12 : memref<64x128xf32, #tpu.memory_space<vmem>>) target(%dma_start3A_249 : memref<64x128xf32, #tpu.memory_space<vmem_shared>>) target_semaphore(%run_scoped3A : memref<!tpu.dma_semaphore, #tpu.memory_space<semaphore_mem>>)
        %dma_wait3A_250 = arith.constant 0 : i32
        %dma_wait3A_251 = tpu.memref_slice %arg20[%mul3A_245, %dma_wait3A_250] : memref<10000x128xf32, #tpu.memory_space<vmem_shared>> -> memref<64x128xf32, #tpu.memory_space<vmem_shared>>
        %dma_wait3A_252 = arith.constant 0 : i32
        %dma_wait3A_253 = tpu.memref_slice %arg20[%mul3A_245, %dma_wait3A_252] : memref<10000x128xf32, #tpu.memory_space<vmem_shared>> -> memref<64x128xf32, #tpu.memory_space<vmem_shared>>
        tpu.wait_dma2 semaphore(%run_scoped3A : memref<!tpu.dma_semaphore, #tpu.memory_space<semaphore_mem>>) src(%arg12 : memref<64x128xf32, #tpu.memory_space<vmem>>) dst(%dma_wait3A_253 : memref<64x128xf32, #tpu.memory_space<vmem_shared>>)
        tpu.yield
      }) : () -> ()
    } else {
    }
    %eq3A = arith.constant 0 : i32
    %eq3A_76 = arith.cmpi eq, %arg1, %eq3A : i32
    %convert_element_type3A_77 = arith.extui %eq3A_76 : i1 to i32
    %cond3A_78 = arith.constant 0 : i32
    %cond3A_79 = arith.cmpi ne, %convert_element_type3A_77, %cond3A_78 : i32
    scf.if %cond3A_79 {
      "tpu.region"() ({
        %run_scoped3A = tpu.sem_alloc : memref<!tpu.dma_semaphore, #tpu.memory_space<semaphore_mem>>
        %dma_start3A_244 = arith.constant 0 : i32
        %dma_start3A_245 = arith.constant 0 : i32
        %dma_start3A_246 = tpu.memref_slice %arg12[%dma_start3A_244, %dma_start3A_245] : memref<64x128xf32, #tpu.memory_space<vmem>> -> memref<16x128xf32, #tpu.memory_space<vmem>>
        %dma_start3A_247 = arith.constant 9984 : i32
        %dma_start3A_248 = arith.constant 0 : i32
        %dma_start3A_249 = tpu.memref_slice %arg20[%dma_start3A_247, %dma_start3A_248] : memref<10000x128xf32, #tpu.memory_space<vmem_shared>> -> memref<16x128xf32, #tpu.memory_space<vmem_shared>>
        %dma_start3A_250 = arith.constant 9984 : i32
        %dma_start3A_251 = arith.constant 0 : i32
        %dma_start3A_252 = tpu.memref_slice %arg20[%dma_start3A_250, %dma_start3A_251] : memref<10000x128xf32, #tpu.memory_space<vmem_shared>> -> memref<16x128xf32, #tpu.memory_space<vmem_shared>>
        %dma_start3A_253 = arith.constant 0 : i32
        %dma_start3A_254 = arith.constant 0 : i32
        %dma_start3A_255 = tpu.memref_slice %arg12[%dma_start3A_253, %dma_start3A_254] : memref<64x128xf32, #tpu.memory_space<vmem>> -> memref<16x128xf32, #tpu.memory_space<vmem>>
        tpu.enqueue_dma source(%dma_start3A_255 : memref<16x128xf32, #tpu.memory_space<vmem>>) target(%dma_start3A_252 : memref<16x128xf32, #tpu.memory_space<vmem_shared>>) target_semaphore(%run_scoped3A : memref<!tpu.dma_semaphore, #tpu.memory_space<semaphore_mem>>)
        %dma_wait3A_256 = arith.constant 0 : i32
        %dma_wait3A_257 = arith.constant 0 : i32
        %dma_wait3A_258 = tpu.memref_slice %arg12[%dma_wait3A_256, %dma_wait3A_257] : memref<64x128xf32, #tpu.memory_space<vmem>> -> memref<16x128xf32, #tpu.memory_space<vmem>>
        %dma_wait3A_259 = arith.constant 9984 : i32
        %dma_wait3A_260 = arith.constant 0 : i32
        %dma_wait3A_261 = tpu.memref_slice %arg20[%dma_wait3A_259, %dma_wait3A_260] : memref<10000x128xf32, #tpu.memory_space<vmem_shared>> -> memref<16x128xf32, #tpu.memory_space<vmem_shared>>
        %dma_wait3A_262 = arith.constant 9984 : i32
        %dma_wait3A_263 = arith.constant 0 : i32
        %dma_wait3A_264 = tpu.memref_slice %arg20[%dma_wait3A_262, %dma_wait3A_263] : memref<10000x128xf32, #tpu.memory_space<vmem_shared>> -> memref<16x128xf32, #tpu.memory_space<vmem_shared>>
        %dma_wait3A_265 = arith.constant 0 : i32
        %dma_wait3A_266 = arith.constant 0 : i32
        %dma_wait3A_267 = tpu.memref_slice %arg12[%dma_wait3A_265, %dma_wait3A_266] : memref<64x128xf32, #tpu.memory_space<vmem>> -> memref<16x128xf32, #tpu.memory_space<vmem>>
        tpu.wait_dma2 semaphore(%run_scoped3A : memref<!tpu.dma_semaphore, #tpu.memory_space<semaphore_mem>>) src(%dma_wait3A_267 : memref<16x128xf32, #tpu.memory_space<vmem>>) dst(%dma_wait3A_264 : memref<16x128xf32, #tpu.memory_space<vmem_shared>>)
        tpu.yield
      }) : () -> ()
    } else {
    }
    %barrier3A = arith.constant 0 : index
    tpu.barrier barrier_id(%barrier3A)
    %add3A_80 = arith.constant 0 : i32
    %add3A_81 = arith.addi %mul3A_2, %add3A_80 : i32
    %dma_start3A = tpu.memref_slice %arg5[%add3A_81] : memref<320000xi32, #tpu.memory_space<hbm>> -> memref<64xi32, #tpu.memory_space<hbm>>
    %dma_start3A_82 = tpu.memref_slice %arg5[%add3A_81] : memref<320000xi32, #tpu.memory_space<hbm>> -> memref<64xi32, #tpu.memory_space<hbm>>
    tpu.enqueue_dma source(%dma_start3A_82 : memref<64xi32, #tpu.memory_space<hbm>>) target(%arg8 : memref<64xi32, #tpu.memory_space<vmem>>) target_semaphore(%arg27 : memref<!tpu.dma_semaphore, #tpu.memory_space<semaphore_mem>>)
    %dma_start3A_83 = tpu.memref_slice %arg6[%add3A_81] : memref<320000xi32, #tpu.memory_space<hbm>> -> memref<64xi32, #tpu.memory_space<hbm>>
    %dma_start3A_84 = tpu.memref_slice %arg6[%add3A_81] : memref<320000xi32, #tpu.memory_space<hbm>> -> memref<64xi32, #tpu.memory_space<hbm>>
    tpu.enqueue_dma source(%dma_start3A_84 : memref<64xi32, #tpu.memory_space<hbm>>) target(%arg9 : memref<64xi32, #tpu.memory_space<vmem>>) target_semaphore(%arg27 : memref<!tpu.dma_semaphore, #tpu.memory_space<semaphore_mem>>)
    %dma_wait3A = arith.constant 0 : i32
    %dma_wait3A_85 = tpu.memref_slice %arg5[%dma_wait3A] : memref<320000xi32, #tpu.memory_space<hbm>> -> memref<64xi32, #tpu.memory_space<hbm>>
    %dma_wait3A_86 = arith.constant 0 : i32
    %dma_wait3A_87 = tpu.memref_slice %arg5[%dma_wait3A_86] : memref<320000xi32, #tpu.memory_space<hbm>> -> memref<64xi32, #tpu.memory_space<hbm>>
    tpu.wait_dma2 semaphore(%arg27 : memref<!tpu.dma_semaphore, #tpu.memory_space<semaphore_mem>>) src(%dma_wait3A_87 : memref<64xi32, #tpu.memory_space<hbm>>) dst(%arg8 : memref<64xi32, #tpu.memory_space<vmem>>)
    %dma_wait3A_88 = arith.constant 0 : i32
    %dma_wait3A_89 = tpu.memref_slice %arg6[%dma_wait3A_88] : memref<320000xi32, #tpu.memory_space<hbm>> -> memref<64xi32, #tpu.memory_space<hbm>>
    %dma_wait3A_90 = arith.constant 0 : i32
    %dma_wait3A_91 = tpu.memref_slice %arg6[%dma_wait3A_90] : memref<320000xi32, #tpu.memory_space<hbm>> -> memref<64xi32, #tpu.memory_space<hbm>>
    tpu.wait_dma2 semaphore(%arg27 : memref<!tpu.dma_semaphore, #tpu.memory_space<semaphore_mem>>) src(%dma_wait3A_91 : memref<64xi32, #tpu.memory_space<hbm>>) dst(%arg9 : memref<64xi32, #tpu.memory_space<vmem>>)
    %add3A_92 = arith.constant 0 : i32
    %add3A_93 = arith.addi %mul3A_2, %add3A_92 : i32
    %dma_start3A_94 = arith.constant 0 : i32
    %dma_start3A_95 = arith.constant 0 : i32
    %dma_start3A_96 = tpu.memref_slice %arg2[%dma_start3A_94, %dma_start3A_95] : memref<10000x128xf32, #tpu.memory_space<hbm>> -> memref<10000x128xf32, #tpu.memory_space<hbm>>
    tpu.enqueue_indirect_dma source(%dma_start3A_96 : memref<10000x128xf32, #tpu.memory_space<hbm>>) target(%arg10 : memref<64x128xf32, #tpu.memory_space<vmem>>) offsets(%arg8 : memref<64xi32, #tpu.memory_space<vmem>>) semaphore(%arg21 : memref<!tpu.dma_semaphore, #tpu.memory_space<semaphore_mem>>)
    %dma_start3A_97 = arith.constant 0 : i32
    %dma_start3A_98 = arith.constant 0 : i32
    %dma_start3A_99 = tpu.memref_slice %arg3[%dma_start3A_97, %dma_start3A_98] : memref<10000x128xf32, #tpu.memory_space<hbm>> -> memref<10000x128xf32, #tpu.memory_space<hbm>>
    tpu.enqueue_indirect_dma source(%dma_start3A_99 : memref<10000x128xf32, #tpu.memory_space<hbm>>) target(%arg11 : memref<64x128xf32, #tpu.memory_space<vmem>>) offsets(%arg9 : memref<64xi32, #tpu.memory_space<vmem>>) semaphore(%arg22 : memref<!tpu.dma_semaphore, #tpu.memory_space<semaphore_mem>>)
    %dma_start3A_100 = arith.constant 0 : i32
    %dma_start3A_101 = tpu.memref_slice %arg4[%add3A_93, %dma_start3A_100] : memref<320000x128xf32, #tpu.memory_space<hbm>> -> memref<64x128xf32, #tpu.memory_space<hbm>>
    %dma_start3A_102 = arith.constant 0 : i32
    %dma_start3A_103 = tpu.memref_slice %arg4[%add3A_93, %dma_start3A_102] : memref<320000x128xf32, #tpu.memory_space<hbm>> -> memref<64x128xf32, #tpu.memory_space<hbm>>
    tpu.enqueue_dma source(%dma_start3A_103 : memref<64x128xf32, #tpu.memory_space<hbm>>) target(%arg12 : memref<64x128xf32, #tpu.memory_space<vmem>>) target_semaphore(%arg23 : memref<!tpu.dma_semaphore, #tpu.memory_space<semaphore_mem>>)
    %add3A_104 = arith.constant 64 : i32
    %add3A_105 = arith.addi %mul3A_2, %add3A_104 : i32
    %dma_start3A_106 = tpu.memref_slice %arg5[%add3A_105] : memref<320000xi32, #tpu.memory_space<hbm>> -> memref<64xi32, #tpu.memory_space<hbm>>
    %dma_start3A_107 = tpu.memref_slice %arg5[%add3A_105] : memref<320000xi32, #tpu.memory_space<hbm>> -> memref<64xi32, #tpu.memory_space<hbm>>
    tpu.enqueue_dma source(%dma_start3A_107 : memref<64xi32, #tpu.memory_space<hbm>>) target(%arg13 : memref<64xi32, #tpu.memory_space<vmem>>) target_semaphore(%arg28 : memref<!tpu.dma_semaphore, #tpu.memory_space<semaphore_mem>>)
    %dma_start3A_108 = tpu.memref_slice %arg6[%add3A_105] : memref<320000xi32, #tpu.memory_space<hbm>> -> memref<64xi32, #tpu.memory_space<hbm>>
    %dma_start3A_109 = tpu.memref_slice %arg6[%add3A_105] : memref<320000xi32, #tpu.memory_space<hbm>> -> memref<64xi32, #tpu.memory_space<hbm>>
    tpu.enqueue_dma source(%dma_start3A_109 : memref<64xi32, #tpu.memory_space<hbm>>) target(%arg14 : memref<64xi32, #tpu.memory_space<vmem>>) target_semaphore(%arg28 : memref<!tpu.dma_semaphore, #tpu.memory_space<semaphore_mem>>)
    %scan3A_110 = arith.constant 0 : i32
    %scan3A_111 = arith.constant 0 : i32
    %scan3A_112 = arith.constant 78 : i32
    %scan3A_113 = arith.addi %scan3A_111, %scan3A_112 : i32
    %scan3A_114 = arith.constant 1 : i32
    scf.for %scan3A_244 = %scan3A_111 to %scan3A_113 step %scan3A_114  : i32 {
      %mul3A_245 = arith.constant 2 : i32
      %mul3A_246 = arith.muli %mul3A_245, %scan3A_244 : i32
      %add3A_247 = arith.constant 0 : i32
      %add3A_248 = arith.addi %mul3A_246, %add3A_247 : i32
      %add3A_249 = arith.constant 1 : i32
      %add3A_250 = arith.addi %add3A_248, %add3A_249 : i32
      %lt3A_251 = arith.constant 156 : i32
      %lt3A_252 = arith.cmpi slt, %add3A_250, %lt3A_251 : i32
      %convert_element_type3A_253 = arith.extui %lt3A_252 : i1 to i32
      %cond3A_254 = arith.constant 0 : i32
      %cond3A_255 = arith.cmpi ne, %convert_element_type3A_253, %cond3A_254 : i32
      scf.if %cond3A_255 {
        %dma_wait3A_329 = arith.constant 0 : i32
        %dma_wait3A_330 = tpu.memref_slice %arg5[%dma_wait3A_329] : memref<320000xi32, #tpu.memory_space<hbm>> -> memref<64xi32, #tpu.memory_space<hbm>>
        %dma_wait3A_331 = arith.constant 0 : i32
        %dma_wait3A_332 = tpu.memref_slice %arg5[%dma_wait3A_331] : memref<320000xi32, #tpu.memory_space<hbm>> -> memref<64xi32, #tpu.memory_space<hbm>>
        tpu.wait_dma2 semaphore(%arg28 : memref<!tpu.dma_semaphore, #tpu.memory_space<semaphore_mem>>) src(%dma_wait3A_332 : memref<64xi32, #tpu.memory_space<hbm>>) dst(%arg13 : memref<64xi32, #tpu.memory_space<vmem>>)
        %dma_wait3A_333 = arith.constant 0 : i32
        %dma_wait3A_334 = tpu.memref_slice %arg6[%dma_wait3A_333] : memref<320000xi32, #tpu.memory_space<hbm>> -> memref<64xi32, #tpu.memory_space<hbm>>
        %dma_wait3A_335 = arith.constant 0 : i32
        %dma_wait3A_336 = tpu.memref_slice %arg6[%dma_wait3A_335] : memref<320000xi32, #tpu.memory_space<hbm>> -> memref<64xi32, #tpu.memory_space<hbm>>
        tpu.wait_dma2 semaphore(%arg28 : memref<!tpu.dma_semaphore, #tpu.memory_space<semaphore_mem>>) src(%dma_wait3A_336 : memref<64xi32, #tpu.memory_space<hbm>>) dst(%arg14 : memref<64xi32, #tpu.memory_space<vmem>>)
        %add3A_337 = arith.constant 1 : i32
        %add3A_338 = arith.addi %add3A_248, %add3A_337 : i32
        %mul3A_339 = arith.constant 64 : i32
        %mul3A_340 = arith.muli %add3A_338, %mul3A_339 : i32
        %add3A_341 = arith.addi %mul3A_2, %mul3A_340 : i32
        %dma_start3A_342 = arith.constant 0 : i32
        %dma_start3A_343 = arith.constant 0 : i32
        %dma_start3A_344 = tpu.memref_slice %arg2[%dma_start3A_342, %dma_start3A_343] : memref<10000x128xf32, #tpu.memory_space<hbm>> -> memref<10000x128xf32, #tpu.memory_space<hbm>>
        tpu.enqueue_indirect_dma source(%dma_start3A_344 : memref<10000x128xf32, #tpu.memory_space<hbm>>) target(%arg15 : memref<64x128xf32, #tpu.memory_space<vmem>>) offsets(%arg13 : memref<64xi32, #tpu.memory_space<vmem>>) semaphore(%arg24 : memref<!tpu.dma_semaphore, #tpu.memory_space<semaphore_mem>>)
        %dma_start3A_345 = arith.constant 0 : i32
        %dma_start3A_346 = arith.constant 0 : i32
        %dma_start3A_347 = tpu.memref_slice %arg3[%dma_start3A_345, %dma_start3A_346] : memref<10000x128xf32, #tpu.memory_space<hbm>> -> memref<10000x128xf32, #tpu.memory_space<hbm>>
        tpu.enqueue_indirect_dma source(%dma_start3A_347 : memref<10000x128xf32, #tpu.memory_space<hbm>>) target(%arg16 : memref<64x128xf32, #tpu.memory_space<vmem>>) offsets(%arg14 : memref<64xi32, #tpu.memory_space<vmem>>) semaphore(%arg25 : memref<!tpu.dma_semaphore, #tpu.memory_space<semaphore_mem>>)
        %dma_start3A_348 = arith.constant 0 : i32
        %dma_start3A_349 = tpu.memref_slice %arg4[%add3A_341, %dma_start3A_348] : memref<320000x128xf32, #tpu.memory_space<hbm>> -> memref<64x128xf32, #tpu.memory_space<hbm>>
        %dma_start3A_350 = arith.constant 0 : i32
        %dma_start3A_351 = tpu.memref_slice %arg4[%add3A_341, %dma_start3A_350] : memref<320000x128xf32, #tpu.memory_space<hbm>> -> memref<64x128xf32, #tpu.memory_space<hbm>>
        tpu.enqueue_dma source(%dma_start3A_351 : memref<64x128xf32, #tpu.memory_space<hbm>>) target(%arg17 : memref<64x128xf32, #tpu.memory_space<vmem>>) target_semaphore(%arg26 : memref<!tpu.dma_semaphore, #tpu.memory_space<semaphore_mem>>)
      } else {
      }
      %dma_wait3A_256 = arith.constant 0 : i32
      %dma_wait3A_257 = arith.constant 0 : i32
      %dma_wait3A_258 = tpu.memref_slice %arg2[%dma_wait3A_256, %dma_wait3A_257] : memref<10000x128xf32, #tpu.memory_space<hbm>> -> memref<64x128xf32, #tpu.memory_space<hbm>>
      %dma_wait3A_259 = arith.constant 0 : i32
      %dma_wait3A_260 = arith.constant 0 : i32
      %dma_wait3A_261 = tpu.memref_slice %arg2[%dma_wait3A_259, %dma_wait3A_260] : memref<10000x128xf32, #tpu.memory_space<hbm>> -> memref<64x128xf32, #tpu.memory_space<hbm>>
      tpu.wait_dma2 semaphore(%arg21 : memref<!tpu.dma_semaphore, #tpu.memory_space<semaphore_mem>>) src(%dma_wait3A_261 : memref<64x128xf32, #tpu.memory_space<hbm>>) dst(%arg10 : memref<64x128xf32, #tpu.memory_space<vmem>>)
      %dma_wait3A_262 = arith.constant 0 : i32
      %dma_wait3A_263 = arith.constant 0 : i32
      %dma_wait3A_264 = tpu.memref_slice %arg3[%dma_wait3A_262, %dma_wait3A_263] : memref<10000x128xf32, #tpu.memory_space<hbm>> -> memref<64x128xf32, #tpu.memory_space<hbm>>
      %dma_wait3A_265 = arith.constant 0 : i32
      %dma_wait3A_266 = arith.constant 0 : i32
      %dma_wait3A_267 = tpu.memref_slice %arg3[%dma_wait3A_265, %dma_wait3A_266] : memref<10000x128xf32, #tpu.memory_space<hbm>> -> memref<64x128xf32, #tpu.memory_space<hbm>>
      tpu.wait_dma2 semaphore(%arg22 : memref<!tpu.dma_semaphore, #tpu.memory_space<semaphore_mem>>) src(%dma_wait3A_267 : memref<64x128xf32, #tpu.memory_space<hbm>>) dst(%arg11 : memref<64x128xf32, #tpu.memory_space<vmem>>)
      %dma_wait3A_268 = arith.constant 0 : i32
      %dma_wait3A_269 = arith.constant 0 : i32
      %dma_wait3A_270 = tpu.memref_slice %arg4[%dma_wait3A_268, %dma_wait3A_269] : memref<320000x128xf32, #tpu.memory_space<hbm>> -> memref<64x128xf32, #tpu.memory_space<hbm>>
      %dma_wait3A_271 = arith.constant 0 : i32
      %dma_wait3A_272 = arith.constant 0 : i32
      %dma_wait3A_273 = tpu.memref_slice %arg4[%dma_wait3A_271, %dma_wait3A_272] : memref<320000x128xf32, #tpu.memory_space<hbm>> -> memref<64x128xf32, #tpu.memory_space<hbm>>
      tpu.wait_dma2 semaphore(%arg23 : memref<!tpu.dma_semaphore, #tpu.memory_space<semaphore_mem>>) src(%dma_wait3A_273 : memref<64x128xf32, #tpu.memory_space<hbm>>) dst(%arg12 : memref<64x128xf32, #tpu.memory_space<vmem>>)
      %scan3A_274 = arith.constant 0 : i32
      %scan3A_275 = arith.constant 0 : i32
      %scan3A_276 = arith.constant 64 : i32
      %scan3A_277 = arith.addi %scan3A_275, %scan3A_276 : i32
      %scan3A_278 = arith.constant 1 : i32
      scf.for %scan3A_329 = %scan3A_275 to %scan3A_277 step %scan3A_278  : i32 {
        %get3A = arith.index_cast %scan3A_329 : i32 to index
        %get3A_330 = arith.constant 0 : index
        %get3A_331 = tpu.vector_load %arg10[%get3A, %get3A_330] {strides = array<i32>} : memref<64x128xf32, #tpu.memory_space<vmem>>, vector<1x16xf32>,
        %get3A_332 = vector.shape_cast %get3A_331 : vector<1x16xf32> to vector<16xf32>
        %get3A_333 = arith.index_cast %scan3A_329 : i32 to index
        %get3A_334 = arith.constant 0 : index
        %get3A_335 = tpu.vector_load %arg11[%get3A_333, %get3A_334] {strides = array<i32>} : memref<64x128xf32, #tpu.memory_space<vmem>>, vector<1x16xf32>,
        %get3A_336 = vector.shape_cast %get3A_335 : vector<1x16xf32> to vector<16xf32>
        %add3A_337 = arith.addf %get3A_332, %get3A_336 : vector<16xf32>
        %get3A_338 = arith.index_cast %scan3A_329 : i32 to index
        %get3A_339 = arith.constant 0 : index
        %get3A_340 = tpu.vector_load %arg12[%get3A_338, %get3A_339] {strides = array<i32>} : memref<64x128xf32, #tpu.memory_space<vmem>>, vector<1x16xf32>,
        %get3A_341 = vector.shape_cast %get3A_340 : vector<1x16xf32> to vector<16xf32>
        %add3A_342 = arith.addf %add3A_337, %get3A_341 : vector<16xf32>
        %max3A = arith.constant 0.000000e+00 : f32
        %max3A_343 = vector.broadcast %max3A : f32 to vector<16xf32>
        %max3A_344 = arith.maximumf %add3A_342, %max3A_343 : vector<16xf32>
        %swap3A = arith.index_cast %scan3A_329 : i32 to index
        %swap3A_345 = arith.constant 0 : index
        %swap3A_346 = tpu.vector_load %arg12[%swap3A, %swap3A_345] {strides = array<i32>} : memref<64x128xf32, #tpu.memory_space<vmem>>, vector<1x16xf32>,
        %swap3A_347 = vector.shape_cast %swap3A_346 : vector<1x16xf32> to vector<16xf32>
        %swap3A_348 = vector.shape_cast %max3A_344 : vector<16xf32> to vector<1x16xf32>
        tpu.vector_store %arg12[%swap3A, %swap3A_345], %swap3A_348 {strides = array<i32>} : memref<64x128xf32, #tpu.memory_space<vmem>>, vector<1x16xf32>,
        %get3A_349 = arith.index_cast %scan3A_329 : i32 to index
        %get3A_350 = arith.constant 16 : index
        %get3A_351 = tpu.vector_load %arg10[%get3A_349, %get3A_350] {strides = array<i32>} : memref<64x128xf32, #tpu.memory_space<vmem>>, vector<1x16xf32>,
        %get3A_352 = vector.shape_cast %get3A_351 : vector<1x16xf32> to vector<16xf32>
        %get3A_353 = arith.index_cast %scan3A_329 : i32 to index
        %get3A_354 = arith.constant 16 : index
        %get3A_355 = tpu.vector_load %arg11[%get3A_353, %get3A_354] {strides = array<i32>} : memref<64x128xf32, #tpu.memory_space<vmem>>, vector<1x16xf32>,
        %get3A_356 = vector.shape_cast %get3A_355 : vector<1x16xf32> to vector<16xf32>
        %add3A_357 = arith.addf %get3A_352, %get3A_356 : vector<16xf32>
        %get3A_358 = arith.index_cast %scan3A_329 : i32 to index
        %get3A_359 = arith.constant 16 : index
        %get3A_360 = tpu.vector_load %arg12[%get3A_358, %get3A_359] {strides = array<i32>} : memref<64x128xf32, #tpu.memory_space<vmem>>, vector<1x16xf32>,
        %get3A_361 = vector.shape_cast %get3A_360 : vector<1x16xf32> to vector<16xf32>
        %add3A_362 = arith.addf %add3A_357, %get3A_361 : vector<16xf32>
        %max3A_363 = arith.constant 0.000000e+00 : f32
        %max3A_364 = vector.broadcast %max3A_363 : f32 to vector<16xf32>
        %max3A_365 = arith.maximumf %add3A_362, %max3A_364 : vector<16xf32>
        %swap3A_366 = arith.index_cast %scan3A_329 : i32 to index
        %swap3A_367 = arith.constant 16 : index
        %swap3A_368 = tpu.vector_load %arg12[%swap3A_366, %swap3A_367] {strides = array<i32>} : memref<64x128xf32, #tpu.memory_space<vmem>>, vector<1x16xf32>,
        %swap3A_369 = vector.shape_cast %swap3A_368 : vector<1x16xf32> to vector<16xf32>
        %swap3A_370 = vector.shape_cast %max3A_365 : vector<16xf32> to vector<1x16xf32>
        tpu.vector_store %arg12[%swap3A_366, %swap3A_367], %swap3A_370 {strides = array<i32>} : memref<64x128xf32, #tpu.memory_space<vmem>>, vector<1x16xf32>,
        %get3A_371 = arith.index_cast %scan3A_329 : i32 to index
        %get3A_372 = arith.constant 32 : index
        %get3A_373 = tpu.vector_load %arg10[%get3A_371, %get3A_372] {strides = array<i32>} : memref<64x128xf32, #tpu.memory_space<vmem>>, vector<1x16xf32>,
        %get3A_374 = vector.shape_cast %get3A_373 : vector<1x16xf32> to vector<16xf32>
        %get3A_375 = arith.index_cast %scan3A_329 : i32 to index
        %get3A_376 = arith.constant 32 : index
        %get3A_377 = tpu.vector_load %arg11[%get3A_375, %get3A_376] {strides = array<i32>} : memref<64x128xf32, #tpu.memory_space<vmem>>, vector<1x16xf32>,
        %get3A_378 = vector.shape_cast %get3A_377 : vector<1x16xf32> to vector<16xf32>
        %add3A_379 = arith.addf %get3A_374, %get3A_378 : vector<16xf32>
        %get3A_380 = arith.index_cast %scan3A_329 : i32 to index
        %get3A_381 = arith.constant 32 : index
        %get3A_382 = tpu.vector_load %arg12[%get3A_380, %get3A_381] {strides = array<i32>} : memref<64x128xf32, #tpu.memory_space<vmem>>, vector<1x16xf32>,
        %get3A_383 = vector.shape_cast %get3A_382 : vector<1x16xf32> to vector<16xf32>
        %add3A_384 = arith.addf %add3A_379, %get3A_383 : vector<16xf32>
        %max3A_385 = arith.constant 0.000000e+00 : f32
        %max3A_386 = vector.broadcast %max3A_385 : f32 to vector<16xf32>
        %max3A_387 = arith.maximumf %add3A_384, %max3A_386 : vector<16xf32>
        %swap3A_388 = arith.index_cast %scan3A_329 : i32 to index
        %swap3A_389 = arith.constant 32 : index
        %swap3A_390 = tpu.vector_load %arg12[%swap3A_388, %swap3A_389] {strides = array<i32>} : memref<64x128xf32, #tpu.memory_space<vmem>>, vector<1x16xf32>,
        %swap3A_391 = vector.shape_cast %swap3A_390 : vector<1x16xf32> to vector<16xf32>
        %swap3A_392 = vector.shape_cast %max3A_387 : vector<16xf32> to vector<1x16xf32>
        tpu.vector_store %arg12[%swap3A_388, %swap3A_389], %swap3A_392 {strides = array<i32>} : memref<64x128xf32, #tpu.memory_space<vmem>>, vector<1x16xf32>,
        %get3A_393 = arith.index_cast %scan3A_329 : i32 to index
        %get3A_394 = arith.constant 48 : index
        %get3A_395 = tpu.vector_load %arg10[%get3A_393, %get3A_394] {strides = array<i32>} : memref<64x128xf32, #tpu.memory_space<vmem>>, vector<1x16xf32>,
        %get3A_396 = vector.shape_cast %get3A_395 : vector<1x16xf32> to vector<16xf32>
        %get3A_397 = arith.index_cast %scan3A_329 : i32 to index
        %get3A_398 = arith.constant 48 : index
        %get3A_399 = tpu.vector_load %arg11[%get3A_397, %get3A_398] {strides = array<i32>} : memref<64x128xf32, #tpu.memory_space<vmem>>, vector<1x16xf32>,
        %get3A_400 = vector.shape_cast %get3A_399 : vector<1x16xf32> to vector<16xf32>
        %add3A_401 = arith.addf %get3A_396, %get3A_400 : vector<16xf32>
        %get3A_402 = arith.index_cast %scan3A_329 : i32 to index
        %get3A_403 = arith.constant 48 : index
        %get3A_404 = tpu.vector_load %arg12[%get3A_402, %get3A_403] {strides = array<i32>} : memref<64x128xf32, #tpu.memory_space<vmem>>, vector<1x16xf32>,
        %get3A_405 = vector.shape_cast %get3A_404 : vector<1x16xf32> to vector<16xf32>
        %add3A_406 = arith.addf %add3A_401, %get3A_405 : vector<16xf32>
        %max3A_407 = arith.constant 0.000000e+00 : f32
        %max3A_408 = vector.broadcast %max3A_407 : f32 to vector<16xf32>
        %max3A_409 = arith.maximumf %add3A_406, %max3A_408 : vector<16xf32>
        %swap3A_410 = arith.index_cast %scan3A_329 : i32 to index
        %swap3A_411 = arith.constant 48 : index
        %swap3A_412 = tpu.vector_load %arg12[%swap3A_410, %swap3A_411] {strides = array<i32>} : memref<64x128xf32, #tpu.memory_space<vmem>>, vector<1x16xf32>,
        %swap3A_413 = vector.shape_cast %swap3A_412 : vector<1x16xf32> to vector<16xf32>
        %swap3A_414 = vector.shape_cast %max3A_409 : vector<16xf32> to vector<1x16xf32>
        tpu.vector_store %arg12[%swap3A_410, %swap3A_411], %swap3A_414 {strides = array<i32>} : memref<64x128xf32, #tpu.memory_space<vmem>>, vector<1x16xf32>,
        %get3A_415 = arith.index_cast %scan3A_329 : i32 to index
        %get3A_416 = arith.constant 64 : index
        %get3A_417 = tpu.vector_load %arg10[%get3A_415, %get3A_416] {strides = array<i32>} : memref<64x128xf32, #tpu.memory_space<vmem>>, vector<1x16xf32>,
        %get3A_418 = vector.shape_cast %get3A_417 : vector<1x16xf32> to vector<16xf32>
        %get3A_419 = arith.index_cast %scan3A_329 : i32 to index
        %get3A_420 = arith.constant 64 : index
        %get3A_421 = tpu.vector_load %arg11[%get3A_419, %get3A_420] {strides = array<i32>} : memref<64x128xf32, #tpu.memory_space<vmem>>, vector<1x16xf32>,
        %get3A_422 = vector.shape_cast %get3A_421 : vector<1x16xf32> to vector<16xf32>
        %add3A_423 = arith.addf %get3A_418, %get3A_422 : vector<16xf32>
        %get3A_424 = arith.index_cast %scan3A_329 : i32 to index
        %get3A_425 = arith.constant 64 : index
        %get3A_426 = tpu.vector_load %arg12[%get3A_424, %get3A_425] {strides = array<i32>} : memref<64x128xf32, #tpu.memory_space<vmem>>, vector<1x16xf32>,
        %get3A_427 = vector.shape_cast %get3A_426 : vector<1x16xf32> to vector<16xf32>
        %add3A_428 = arith.addf %add3A_423, %get3A_427 : vector<16xf32>
        %max3A_429 = arith.constant 0.000000e+00 : f32
        %max3A_430 = vector.broadcast %max3A_429 : f32 to vector<16xf32>
        %max3A_431 = arith.maximumf %add3A_428, %max3A_430 : vector<16xf32>
        %swap3A_432 = arith.index_cast %scan3A_329 : i32 to index
        %swap3A_433 = arith.constant 64 : index
        %swap3A_434 = tpu.vector_load %arg12[%swap3A_432, %swap3A_433] {strides = array<i32>} : memref<64x128xf32, #tpu.memory_space<vmem>>, vector<1x16xf32>,
        %swap3A_435 = vector.shape_cast %swap3A_434 : vector<1x16xf32> to vector<16xf32>
        %swap3A_436 = vector.shape_cast %max3A_431 : vector<16xf32> to vector<1x16xf32>
        tpu.vector_store %arg12[%swap3A_432, %swap3A_433], %swap3A_436 {strides = array<i32>} : memref<64x128xf32, #tpu.memory_space<vmem>>, vector<1x16xf32>,
        %get3A_437 = arith.index_cast %scan3A_329 : i32 to index
        %get3A_438 = arith.constant 80 : index
        %get3A_439 = tpu.vector_load %arg10[%get3A_437, %get3A_438] {strides = array<i32>} : memref<64x128xf32, #tpu.memory_space<vmem>>, vector<1x16xf32>,
        %get3A_440 = vector.shape_cast %get3A_439 : vector<1x16xf32> to vector<16xf32>
        %get3A_441 = arith.index_cast %scan3A_329 : i32 to index
        %get3A_442 = arith.constant 80 : index
        %get3A_443 = tpu.vector_load %arg11[%get3A_441, %get3A_442] {strides = array<i32>} : memref<64x128xf32, #tpu.memory_space<vmem>>, vector<1x16xf32>,
        %get3A_444 = vector.shape_cast %get3A_443 : vector<1x16xf32> to vector<16xf32>
        %add3A_445 = arith.addf %get3A_440, %get3A_444 : vector<16xf32>
        %get3A_446 = arith.index_cast %scan3A_329 : i32 to index
        %get3A_447 = arith.constant 80 : index
        %get3A_448 = tpu.vector_load %arg12[%get3A_446, %get3A_447] {strides = array<i32>} : memref<64x128xf32, #tpu.memory_space<vmem>>, vector<1x16xf32>,
        %get3A_449 = vector.shape_cast %get3A_448 : vector<1x16xf32> to vector<16xf32>
        %add3A_450 = arith.addf %add3A_445, %get3A_449 : vector<16xf32>
        %max3A_451 = arith.constant 0.000000e+00 : f32
        %max3A_452 = vector.broadcast %max3A_451 : f32 to vector<16xf32>
        %max3A_453 = arith.maximumf %add3A_450, %max3A_452 : vector<16xf32>
        %swap3A_454 = arith.index_cast %scan3A_329 : i32 to index
        %swap3A_455 = arith.constant 80 : index
        %swap3A_456 = tpu.vector_load %arg12[%swap3A_454, %swap3A_455] {strides = array<i32>} : memref<64x128xf32, #tpu.memory_space<vmem>>, vector<1x16xf32>,
        %swap3A_457 = vector.shape_cast %swap3A_456 : vector<1x16xf32> to vector<16xf32>
        %swap3A_458 = vector.shape_cast %max3A_453 : vector<16xf32> to vector<1x16xf32>
        tpu.vector_store %arg12[%swap3A_454, %swap3A_455], %swap3A_458 {strides = array<i32>} : memref<64x128xf32, #tpu.memory_space<vmem>>, vector<1x16xf32>,
        %get3A_459 = arith.index_cast %scan3A_329 : i32 to index
        %get3A_460 = arith.constant 96 : index
        %get3A_461 = tpu.vector_load %arg10[%get3A_459, %get3A_460] {strides = array<i32>} : memref<64x128xf32, #tpu.memory_space<vmem>>, vector<1x16xf32>,
        %get3A_462 = vector.shape_cast %get3A_461 : vector<1x16xf32> to vector<16xf32>
        %get3A_463 = arith.index_cast %scan3A_329 : i32 to index
        %get3A_464 = arith.constant 96 : index
        %get3A_465 = tpu.vector_load %arg11[%get3A_463, %get3A_464] {strides = array<i32>} : memref<64x128xf32, #tpu.memory_space<vmem>>, vector<1x16xf32>,
        %get3A_466 = vector.shape_cast %get3A_465 : vector<1x16xf32> to vector<16xf32>
        %add3A_467 = arith.addf %get3A_462, %get3A_466 : vector<16xf32>
        %get3A_468 = arith.index_cast %scan3A_329 : i32 to index
        %get3A_469 = arith.constant 96 : index
        %get3A_470 = tpu.vector_load %arg12[%get3A_468, %get3A_469] {strides = array<i32>} : memref<64x128xf32, #tpu.memory_space<vmem>>, vector<1x16xf32>,
        %get3A_471 = vector.shape_cast %get3A_470 : vector<1x16xf32> to vector<16xf32>
        %add3A_472 = arith.addf %add3A_467, %get3A_471 : vector<16xf32>
        %max3A_473 = arith.constant 0.000000e+00 : f32
        %max3A_474 = vector.broadcast %max3A_473 : f32 to vector<16xf32>
        %max3A_475 = arith.maximumf %add3A_472, %max3A_474 : vector<16xf32>
        %swap3A_476 = arith.index_cast %scan3A_329 : i32 to index
        %swap3A_477 = arith.constant 96 : index
        %swap3A_478 = tpu.vector_load %arg12[%swap3A_476, %swap3A_477] {strides = array<i32>} : memref<64x128xf32, #tpu.memory_space<vmem>>, vector<1x16xf32>,
        %swap3A_479 = vector.shape_cast %swap3A_478 : vector<1x16xf32> to vector<16xf32>
        %swap3A_480 = vector.shape_cast %max3A_475 : vector<16xf32> to vector<1x16xf32>
        tpu.vector_store %arg12[%swap3A_476, %swap3A_477], %swap3A_480 {strides = array<i32>} : memref<64x128xf32, #tpu.memory_space<vmem>>, vector<1x16xf32>,
        %get3A_481 = arith.index_cast %scan3A_329 : i32 to index
        %get3A_482 = arith.constant 112 : index
        %get3A_483 = tpu.vector_load %arg10[%get3A_481, %get3A_482] {strides = array<i32>} : memref<64x128xf32, #tpu.memory_space<vmem>>, vector<1x16xf32>,
        %get3A_484 = vector.shape_cast %get3A_483 : vector<1x16xf32> to vector<16xf32>
        %get3A_485 = arith.index_cast %scan3A_329 : i32 to index
        %get3A_486 = arith.constant 112 : index
        %get3A_487 = tpu.vector_load %arg11[%get3A_485, %get3A_486] {strides = array<i32>} : memref<64x128xf32, #tpu.memory_space<vmem>>, vector<1x16xf32>,
        %get3A_488 = vector.shape_cast %get3A_487 : vector<1x16xf32> to vector<16xf32>
        %add3A_489 = arith.addf %get3A_484, %get3A_488 : vector<16xf32>
        %get3A_490 = arith.index_cast %scan3A_329 : i32 to index
        %get3A_491 = arith.constant 112 : index
        %get3A_492 = tpu.vector_load %arg12[%get3A_490, %get3A_491] {strides = array<i32>} : memref<64x128xf32, #tpu.memory_space<vmem>>, vector<1x16xf32>,
        %get3A_493 = vector.shape_cast %get3A_492 : vector<1x16xf32> to vector<16xf32>
        %add3A_494 = arith.addf %add3A_489, %get3A_493 : vector<16xf32>
        %max3A_495 = arith.constant 0.000000e+00 : f32
        %max3A_496 = vector.broadcast %max3A_495 : f32 to vector<16xf32>
        %max3A_497 = arith.maximumf %add3A_494, %max3A_496 : vector<16xf32>
        %swap3A_498 = arith.index_cast %scan3A_329 : i32 to index
        %swap3A_499 = arith.constant 112 : index
        %swap3A_500 = tpu.vector_load %arg12[%swap3A_498, %swap3A_499] {strides = array<i32>} : memref<64x128xf32, #tpu.memory_space<vmem>>, vector<1x16xf32>,
        %swap3A_501 = vector.shape_cast %swap3A_500 : vector<1x16xf32> to vector<16xf32>
        %swap3A_502 = vector.shape_cast %max3A_497 : vector<16xf32> to vector<1x16xf32>
        tpu.vector_store %arg12[%swap3A_498, %swap3A_499], %swap3A_502 {strides = array<i32>} : memref<64x128xf32, #tpu.memory_space<vmem>>, vector<1x16xf32>,
      }
      %scan3A_279 = arith.constant 64 : i32
      "tpu.region"() ({
        %run_scoped3A = tpu.sem_alloc : memref<!tpu.dma_semaphore, #tpu.memory_space<semaphore_mem>>
        %dma_start3A_329 = arith.constant 0 : i32
        %dma_start3A_330 = arith.constant 0 : i32
        %dma_start3A_331 = tpu.memref_slice %arg20[%dma_start3A_329, %dma_start3A_330] : memref<10000x128xf32, #tpu.memory_space<vmem_shared>> -> memref<10000x128xf32, #tpu.memory_space<vmem_shared>>
        tpu.enqueue_indirect_dma source(%arg12 : memref<64x128xf32, #tpu.memory_space<vmem>>) target(%dma_start3A_331 : memref<10000x128xf32, #tpu.memory_space<vmem_shared>>) offsets(%arg9 : memref<64xi32, #tpu.memory_space<vmem>>) semaphore(%run_scoped3A : memref<!tpu.dma_semaphore, #tpu.memory_space<semaphore_mem>>) {add = true}
        %dma_wait3A_332 = arith.constant 0 : i32
        %dma_wait3A_333 = arith.constant 0 : i32
        %dma_wait3A_334 = tpu.memref_slice %arg20[%dma_wait3A_332, %dma_wait3A_333] : memref<10000x128xf32, #tpu.memory_space<vmem_shared>> -> memref<10000x128xf32, #tpu.memory_space<vmem_shared>>
        tpu.wait_indirect_dma semaphore(%run_scoped3A : memref<!tpu.dma_semaphore, #tpu.memory_space<semaphore_mem>>) src(%arg12 : memref<64x128xf32, #tpu.memory_space<vmem>>) dst(%dma_wait3A_334 : memref<10000x128xf32, #tpu.memory_space<vmem_shared>>)
        tpu.yield
      }) : () -> ()
      %add3A_280 = arith.constant 2 : i32
      %add3A_281 = arith.addi %add3A_248, %add3A_280 : i32
      %lt3A_282 = arith.constant 156 : i32
      %lt3A_283 = arith.cmpi slt, %add3A_281, %lt3A_282 : i32
      %convert_element_type3A_284 = arith.extui %lt3A_283 : i1 to i32
      %cond3A_285 = arith.constant 0 : i32
      %cond3A_286 = arith.cmpi ne, %convert_element_type3A_284, %cond3A_285 : i32
      scf.if %cond3A_286 {
        %add3A_329 = arith.constant 2 : i32
        %add3A_330 = arith.addi %add3A_248, %add3A_329 : i32
        %mul3A_331 = arith.constant 64 : i32
        %mul3A_332 = arith.muli %add3A_330, %mul3A_331 : i32
        %add3A_333 = arith.addi %mul3A_2, %mul3A_332 : i32
        %dma_start3A_334 = tpu.memref_slice %arg5[%add3A_333] : memref<320000xi32, #tpu.memory_space<hbm>> -> memref<64xi32, #tpu.memory_space<hbm>>
        %dma_start3A_335 = tpu.memref_slice %arg5[%add3A_333] : memref<320000xi32, #tpu.memory_space<hbm>> -> memref<64xi32, #tpu.memory_space<hbm>>
        tpu.enqueue_dma source(%dma_start3A_335 : memref<64xi32, #tpu.memory_space<hbm>>) target(%arg8 : memref<64xi32, #tpu.memory_space<vmem>>) target_semaphore(%arg27 : memref<!tpu.dma_semaphore, #tpu.memory_space<semaphore_mem>>)
        %dma_start3A_336 = tpu.memref_slice %arg6[%add3A_333] : memref<320000xi32, #tpu.memory_space<hbm>> -> memref<64xi32, #tpu.memory_space<hbm>>
        %dma_start3A_337 = tpu.memref_slice %arg6[%add3A_333] : memref<320000xi32, #tpu.memory_space<hbm>> -> memref<64xi32, #tpu.memory_space<hbm>>
        tpu.enqueue_dma source(%dma_start3A_337 : memref<64xi32, #tpu.memory_space<hbm>>) target(%arg9 : memref<64xi32, #tpu.memory_space<vmem>>) target_semaphore(%arg27 : memref<!tpu.dma_semaphore, #tpu.memory_space<semaphore_mem>>)
      } else {
      }
      %mul3A_287 = arith.constant 2 : i32
      %mul3A_288 = arith.muli %mul3A_287, %scan3A_244 : i32
      %add3A_289 = arith.constant 1 : i32
      %add3A_290 = arith.addi %mul3A_288, %add3A_289 : i32
      %add3A_291 = arith.constant 1 : i32
      %add3A_292 = arith.addi %add3A_290, %add3A_291 : i32
      %lt3A_293 = arith.constant 156 : i32
      %lt3A_294 = arith.cmpi slt, %add3A_292, %lt3A_293 : i32
      %convert_element_type3A_295 = arith.extui %lt3A_294 : i1 to i32
      %cond3A_296 = arith.constant 0 : i32
      %cond3A_297 = arith.cmpi ne, %convert_element_type3A_295, %cond3A_296 : i32
      scf.if %cond3A_297 {
        %dma_wait3A_329 = arith.constant 0 : i32
        %dma_wait3A_330 = tpu.memref_slice %arg5[%dma_wait3A_329] : memref<320000xi32, #tpu.memory_space<hbm>> -> memref<64xi32, #tpu.memory_space<hbm>>
        %dma_wait3A_331 = arith.constant 0 : i32
        %dma_wait3A_332 = tpu.memref_slice %arg5[%dma_wait3A_331] : memref<320000xi32, #tpu.memory_space<hbm>> -> memref<64xi32, #tpu.memory_space<hbm>>
        tpu.wait_dma2 semaphore(%arg27 : memref<!tpu.dma_semaphore, #tpu.memory_space<semaphore_mem>>) src(%dma_wait3A_332 : memref<64xi32, #tpu.memory_space<hbm>>) dst(%arg8 : memref<64xi32, #tpu.memory_space<vmem>>)
        %dma_wait3A_333 = arith.constant 0 : i32
        %dma_wait3A_334 = tpu.memref_slice %arg6[%dma_wait3A_333] : memref<320000xi32, #tpu.memory_space<hbm>> -> memref<64xi32, #tpu.memory_space<hbm>>
        %dma_wait3A_335 = arith.constant 0 : i32
        %dma_wait3A_336 = tpu.memref_slice %arg6[%dma_wait3A_335] : memref<320000xi32, #tpu.memory_space<hbm>> -> memref<64xi32, #tpu.memory_space<hbm>>
        tpu.wait_dma2 semaphore(%arg27 : memref<!tpu.dma_semaphore, #tpu.memory_space<semaphore_mem>>) src(%dma_wait3A_336 : memref<64xi32, #tpu.memory_space<hbm>>) dst(%arg9 : memref<64xi32, #tpu.memory_space<vmem>>)
        %add3A_337 = arith.constant 1 : i32
        %add3A_338 = arith.addi %add3A_290, %add3A_337 : i32
        %mul3A_339 = arith.constant 64 : i32
        %mul3A_340 = arith.muli %add3A_338, %mul3A_339 : i32
        %add3A_341 = arith.addi %mul3A_2, %mul3A_340 : i32
        %dma_start3A_342 = arith.constant 0 : i32
        %dma_start3A_343 = arith.constant 0 : i32
        %dma_start3A_344 = tpu.memref_slice %arg2[%dma_start3A_342, %dma_start3A_343] : memref<10000x128xf32, #tpu.memory_space<hbm>> -> memref<10000x128xf32, #tpu.memory_space<hbm>>
        tpu.enqueue_indirect_dma source(%dma_start3A_344 : memref<10000x128xf32, #tpu.memory_space<hbm>>) target(%arg10 : memref<64x128xf32, #tpu.memory_space<vmem>>) offsets(%arg8 : memref<64xi32, #tpu.memory_space<vmem>>) semaphore(%arg21 : memref<!tpu.dma_semaphore, #tpu.memory_space<semaphore_mem>>)
        %dma_start3A_345 = arith.constant 0 : i32
        %dma_start3A_346 = arith.constant 0 : i32
        %dma_start3A_347 = tpu.memref_slice %arg3[%dma_start3A_345, %dma_start3A_346] : memref<10000x128xf32, #tpu.memory_space<hbm>> -> memref<10000x128xf32, #tpu.memory_space<hbm>>
        tpu.enqueue_indirect_dma source(%dma_start3A_347 : memref<10000x128xf32, #tpu.memory_space<hbm>>) target(%arg11 : memref<64x128xf32, #tpu.memory_space<vmem>>) offsets(%arg9 : memref<64xi32, #tpu.memory_space<vmem>>) semaphore(%arg22 : memref<!tpu.dma_semaphore, #tpu.memory_space<semaphore_mem>>)
        %dma_start3A_348 = arith.constant 0 : i32
        %dma_start3A_349 = tpu.memref_slice %arg4[%add3A_341, %dma_start3A_348] : memref<320000x128xf32, #tpu.memory_space<hbm>> -> memref<64x128xf32, #tpu.memory_space<hbm>>
        %dma_start3A_350 = arith.constant 0 : i32
        %dma_start3A_351 = tpu.memref_slice %arg4[%add3A_341, %dma_start3A_350] : memref<320000x128xf32, #tpu.memory_space<hbm>> -> memref<64x128xf32, #tpu.memory_space<hbm>>
        tpu.enqueue_dma source(%dma_start3A_351 : memref<64x128xf32, #tpu.memory_space<hbm>>) target(%arg12 : memref<64x128xf32, #tpu.memory_space<vmem>>) target_semaphore(%arg23 : memref<!tpu.dma_semaphore, #tpu.memory_space<semaphore_mem>>)
      } else {
      }
      %dma_wait3A_298 = arith.constant 0 : i32
      %dma_wait3A_299 = arith.constant 0 : i32
      %dma_wait3A_300 = tpu.memref_slice %arg2[%dma_wait3A_298, %dma_wait3A_299] : memref<10000x128xf32, #tpu.memory_space<hbm>> -> memref<64x128xf32, #tpu.memory_space<hbm>>
      %dma_wait3A_301 = arith.constant 0 : i32
      %dma_wait3A_302 = arith.constant 0 : i32
      %dma_wait3A_303 = tpu.memref_slice %arg2[%dma_wait3A_301, %dma_wait3A_302] : memref<10000x128xf32, #tpu.memory_space<hbm>> -> memref<64x128xf32, #tpu.memory_space<hbm>>
      tpu.wait_dma2 semaphore(%arg24 : memref<!tpu.dma_semaphore, #tpu.memory_space<semaphore_mem>>) src(%dma_wait3A_303 : memref<64x128xf32, #tpu.memory_space<hbm>>) dst(%arg15 : memref<64x128xf32, #tpu.memory_space<vmem>>)
      %dma_wait3A_304 = arith.constant 0 : i32
      %dma_wait3A_305 = arith.constant 0 : i32
      %dma_wait3A_306 = tpu.memref_slice %arg3[%dma_wait3A_304, %dma_wait3A_305] : memref<10000x128xf32, #tpu.memory_space<hbm>> -> memref<64x128xf32, #tpu.memory_space<hbm>>
      %dma_wait3A_307 = arith.constant 0 : i32
      %dma_wait3A_308 = arith.constant 0 : i32
      %dma_wait3A_309 = tpu.memref_slice %arg3[%dma_wait3A_307, %dma_wait3A_308] : memref<10000x128xf32, #tpu.memory_space<hbm>> -> memref<64x128xf32, #tpu.memory_space<hbm>>
      tpu.wait_dma2 semaphore(%arg25 : memref<!tpu.dma_semaphore, #tpu.memory_space<semaphore_mem>>) src(%dma_wait3A_309 : memref<64x128xf32, #tpu.memory_space<hbm>>) dst(%arg16 : memref<64x128xf32, #tpu.memory_space<vmem>>)
      %dma_wait3A_310 = arith.constant 0 : i32
      %dma_wait3A_311 = arith.constant 0 : i32
      %dma_wait3A_312 = tpu.memref_slice %arg4[%dma_wait3A_310, %dma_wait3A_311] : memref<320000x128xf32, #tpu.memory_space<hbm>> -> memref<64x128xf32, #tpu.memory_space<hbm>>
      %dma_wait3A_313 = arith.constant 0 : i32
      %dma_wait3A_314 = arith.constant 0 : i32
      %dma_wait3A_315 = tpu.memref_slice %arg4[%dma_wait3A_313, %dma_wait3A_314] : memref<320000x128xf32, #tpu.memory_space<hbm>> -> memref<64x128xf32, #tpu.memory_space<hbm>>
      tpu.wait_dma2 semaphore(%arg26 : memref<!tpu.dma_semaphore, #tpu.memory_space<semaphore_mem>>) src(%dma_wait3A_315 : memref<64x128xf32, #tpu.memory_space<hbm>>) dst(%arg17 : memref<64x128xf32, #tpu.memory_space<vmem>>)
      %scan3A_316 = arith.constant 0 : i32
      %scan3A_317 = arith.constant 0 : i32
      %scan3A_318 = arith.constant 64 : i32
      %scan3A_319 = arith.addi %scan3A_317, %scan3A_318 : i32
      %scan3A_320 = arith.constant 1 : i32
      scf.for %scan3A_329 = %scan3A_317 to %scan3A_319 step %scan3A_320  : i32 {
        %get3A = arith.index_cast %scan3A_329 : i32 to index
        %get3A_330 = arith.constant 0 : index
        %get3A_331 = tpu.vector_load %arg15[%get3A, %get3A_330] {strides = array<i32>} : memref<64x128xf32, #tpu.memory_space<vmem>>, vector<1x16xf32>,
        %get3A_332 = vector.shape_cast %get3A_331 : vector<1x16xf32> to vector<16xf32>
        %get3A_333 = arith.index_cast %scan3A_329 : i32 to index
        %get3A_334 = arith.constant 0 : index
        %get3A_335 = tpu.vector_load %arg16[%get3A_333, %get3A_334] {strides = array<i32>} : memref<64x128xf32, #tpu.memory_space<vmem>>, vector<1x16xf32>,
        %get3A_336 = vector.shape_cast %get3A_335 : vector<1x16xf32> to vector<16xf32>
        %add3A_337 = arith.addf %get3A_332, %get3A_336 : vector<16xf32>
        %get3A_338 = arith.index_cast %scan3A_329 : i32 to index
        %get3A_339 = arith.constant 0 : index
        %get3A_340 = tpu.vector_load %arg17[%get3A_338, %get3A_339] {strides = array<i32>} : memref<64x128xf32, #tpu.memory_space<vmem>>, vector<1x16xf32>,
        %get3A_341 = vector.shape_cast %get3A_340 : vector<1x16xf32> to vector<16xf32>
        %add3A_342 = arith.addf %add3A_337, %get3A_341 : vector<16xf32>
        %max3A = arith.constant 0.000000e+00 : f32
        %max3A_343 = vector.broadcast %max3A : f32 to vector<16xf32>
        %max3A_344 = arith.maximumf %add3A_342, %max3A_343 : vector<16xf32>
        %swap3A = arith.index_cast %scan3A_329 : i32 to index
        %swap3A_345 = arith.constant 0 : index
        %swap3A_346 = tpu.vector_load %arg17[%swap3A, %swap3A_345] {strides = array<i32>} : memref<64x128xf32, #tpu.memory_space<vmem>>, vector<1x16xf32>,
        %swap3A_347 = vector.shape_cast %swap3A_346 : vector<1x16xf32> to vector<16xf32>
        %swap3A_348 = vector.shape_cast %max3A_344 : vector<16xf32> to vector<1x16xf32>
        tpu.vector_store %arg17[%swap3A, %swap3A_345], %swap3A_348 {strides = array<i32>} : memref<64x128xf32, #tpu.memory_space<vmem>>, vector<1x16xf32>,
        %get3A_349 = arith.index_cast %scan3A_329 : i32 to index
        %get3A_350 = arith.constant 16 : index
        %get3A_351 = tpu.vector_load %arg15[%get3A_349, %get3A_350] {strides = array<i32>} : memref<64x128xf32, #tpu.memory_space<vmem>>, vector<1x16xf32>,
        %get3A_352 = vector.shape_cast %get3A_351 : vector<1x16xf32> to vector<16xf32>
        %get3A_353 = arith.index_cast %scan3A_329 : i32 to index
        %get3A_354 = arith.constant 16 : index
        %get3A_355 = tpu.vector_load %arg16[%get3A_353, %get3A_354] {strides = array<i32>} : memref<64x128xf32, #tpu.memory_space<vmem>>, vector<1x16xf32>,
        %get3A_356 = vector.shape_cast %get3A_355 : vector<1x16xf32> to vector<16xf32>
        %add3A_357 = arith.addf %get3A_352, %get3A_356 : vector<16xf32>
        %get3A_358 = arith.index_cast %scan3A_329 : i32 to index
        %get3A_359 = arith.constant 16 : index
        %get3A_360 = tpu.vector_load %arg17[%get3A_358, %get3A_359] {strides = array<i32>} : memref<64x128xf32, #tpu.memory_space<vmem>>, vector<1x16xf32>,
        %get3A_361 = vector.shape_cast %get3A_360 : vector<1x16xf32> to vector<16xf32>
        %add3A_362 = arith.addf %add3A_357, %get3A_361 : vector<16xf32>
        %max3A_363 = arith.constant 0.000000e+00 : f32
        %max3A_364 = vector.broadcast %max3A_363 : f32 to vector<16xf32>
        %max3A_365 = arith.maximumf %add3A_362, %max3A_364 : vector<16xf32>
        %swap3A_366 = arith.index_cast %scan3A_329 : i32 to index
        %swap3A_367 = arith.constant 16 : index
        %swap3A_368 = tpu.vector_load %arg17[%swap3A_366, %swap3A_367] {strides = array<i32>} : memref<64x128xf32, #tpu.memory_space<vmem>>, vector<1x16xf32>,
        %swap3A_369 = vector.shape_cast %swap3A_368 : vector<1x16xf32> to vector<16xf32>
        %swap3A_370 = vector.shape_cast %max3A_365 : vector<16xf32> to vector<1x16xf32>
        tpu.vector_store %arg17[%swap3A_366, %swap3A_367], %swap3A_370 {strides = array<i32>} : memref<64x128xf32, #tpu.memory_space<vmem>>, vector<1x16xf32>,
        %get3A_371 = arith.index_cast %scan3A_329 : i32 to index
        %get3A_372 = arith.constant 32 : index
        %get3A_373 = tpu.vector_load %arg15[%get3A_371, %get3A_372] {strides = array<i32>} : memref<64x128xf32, #tpu.memory_space<vmem>>, vector<1x16xf32>,
        %get3A_374 = vector.shape_cast %get3A_373 : vector<1x16xf32> to vector<16xf32>
        %get3A_375 = arith.index_cast %scan3A_329 : i32 to index
        %get3A_376 = arith.constant 32 : index
        %get3A_377 = tpu.vector_load %arg16[%get3A_375, %get3A_376] {strides = array<i32>} : memref<64x128xf32, #tpu.memory_space<vmem>>, vector<1x16xf32>,
        %get3A_378 = vector.shape_cast %get3A_377 : vector<1x16xf32> to vector<16xf32>
        %add3A_379 = arith.addf %get3A_374, %get3A_378 : vector<16xf32>
        %get3A_380 = arith.index_cast %scan3A_329 : i32 to index
        %get3A_381 = arith.constant 32 : index
        %get3A_382 = tpu.vector_load %arg17[%get3A_380, %get3A_381] {strides = array<i32>} : memref<64x128xf32, #tpu.memory_space<vmem>>, vector<1x16xf32>,
        %get3A_383 = vector.shape_cast %get3A_382 : vector<1x16xf32> to vector<16xf32>
        %add3A_384 = arith.addf %add3A_379, %get3A_383 : vector<16xf32>
        %max3A_385 = arith.constant 0.000000e+00 : f32
        %max3A_386 = vector.broadcast %max3A_385 : f32 to vector<16xf32>
        %max3A_387 = arith.maximumf %add3A_384, %max3A_386 : vector<16xf32>
        %swap3A_388 = arith.index_cast %scan3A_329 : i32 to index
        %swap3A_389 = arith.constant 32 : index
        %swap3A_390 = tpu.vector_load %arg17[%swap3A_388, %swap3A_389] {strides = array<i32>} : memref<64x128xf32, #tpu.memory_space<vmem>>, vector<1x16xf32>,
        %swap3A_391 = vector.shape_cast %swap3A_390 : vector<1x16xf32> to vector<16xf32>
        %swap3A_392 = vector.shape_cast %max3A_387 : vector<16xf32> to vector<1x16xf32>
        tpu.vector_store %arg17[%swap3A_388, %swap3A_389], %swap3A_392 {strides = array<i32>} : memref<64x128xf32, #tpu.memory_space<vmem>>, vector<1x16xf32>,
        %get3A_393 = arith.index_cast %scan3A_329 : i32 to index
        %get3A_394 = arith.constant 48 : index
        %get3A_395 = tpu.vector_load %arg15[%get3A_393, %get3A_394] {strides = array<i32>} : memref<64x128xf32, #tpu.memory_space<vmem>>, vector<1x16xf32>,
        %get3A_396 = vector.shape_cast %get3A_395 : vector<1x16xf32> to vector<16xf32>
        %get3A_397 = arith.index_cast %scan3A_329 : i32 to index
        %get3A_398 = arith.constant 48 : index
        %get3A_399 = tpu.vector_load %arg16[%get3A_397, %get3A_398] {strides = array<i32>} : memref<64x128xf32, #tpu.memory_space<vmem>>, vector<1x16xf32>,
        %get3A_400 = vector.shape_cast %get3A_399 : vector<1x16xf32> to vector<16xf32>
        %add3A_401 = arith.addf %get3A_396, %get3A_400 : vector<16xf32>
        %get3A_402 = arith.index_cast %scan3A_329 : i32 to index
        %get3A_403 = arith.constant 48 : index
        %get3A_404 = tpu.vector_load %arg17[%get3A_402, %get3A_403] {strides = array<i32>} : memref<64x128xf32, #tpu.memory_space<vmem>>, vector<1x16xf32>,
        %get3A_405 = vector.shape_cast %get3A_404 : vector<1x16xf32> to vector<16xf32>
        %add3A_406 = arith.addf %add3A_401, %get3A_405 : vector<16xf32>
        %max3A_407 = arith.constant 0.000000e+00 : f32
        %max3A_408 = vector.broadcast %max3A_407 : f32 to vector<16xf32>
        %max3A_409 = arith.maximumf %add3A_406, %max3A_408 : vector<16xf32>
        %swap3A_410 = arith.index_cast %scan3A_329 : i32 to index
        %swap3A_411 = arith.constant 48 : index
        %swap3A_412 = tpu.vector_load %arg17[%swap3A_410, %swap3A_411] {strides = array<i32>} : memref<64x128xf32, #tpu.memory_space<vmem>>, vector<1x16xf32>,
        %swap3A_413 = vector.shape_cast %swap3A_412 : vector<1x16xf32> to vector<16xf32>
        %swap3A_414 = vector.shape_cast %max3A_409 : vector<16xf32> to vector<1x16xf32>
        tpu.vector_store %arg17[%swap3A_410, %swap3A_411], %swap3A_414 {strides = array<i32>} : memref<64x128xf32, #tpu.memory_space<vmem>>, vector<1x16xf32>,
        %get3A_415 = arith.index_cast %scan3A_329 : i32 to index
        %get3A_416 = arith.constant 64 : index
        %get3A_417 = tpu.vector_load %arg15[%get3A_415, %get3A_416] {strides = array<i32>} : memref<64x128xf32, #tpu.memory_space<vmem>>, vector<1x16xf32>,
        %get3A_418 = vector.shape_cast %get3A_417 : vector<1x16xf32> to vector<16xf32>
        %get3A_419 = arith.index_cast %scan3A_329 : i32 to index
        %get3A_420 = arith.constant 64 : index
        %get3A_421 = tpu.vector_load %arg16[%get3A_419, %get3A_420] {strides = array<i32>} : memref<64x128xf32, #tpu.memory_space<vmem>>, vector<1x16xf32>,
        %get3A_422 = vector.shape_cast %get3A_421 : vector<1x16xf32> to vector<16xf32>
        %add3A_423 = arith.addf %get3A_418, %get3A_422 : vector<16xf32>
        %get3A_424 = arith.index_cast %scan3A_329 : i32 to index
        %get3A_425 = arith.constant 64 : index
        %get3A_426 = tpu.vector_load %arg17[%get3A_424, %get3A_425] {strides = array<i32>} : memref<64x128xf32, #tpu.memory_space<vmem>>, vector<1x16xf32>,
        %get3A_427 = vector.shape_cast %get3A_426 : vector<1x16xf32> to vector<16xf32>
        %add3A_428 = arith.addf %add3A_423, %get3A_427 : vector<16xf32>
        %max3A_429 = arith.constant 0.000000e+00 : f32
        %max3A_430 = vector.broadcast %max3A_429 : f32 to vector<16xf32>
        %max3A_431 = arith.maximumf %add3A_428, %max3A_430 : vector<16xf32>
        %swap3A_432 = arith.index_cast %scan3A_329 : i32 to index
        %swap3A_433 = arith.constant 64 : index
        %swap3A_434 = tpu.vector_load %arg17[%swap3A_432, %swap3A_433] {strides = array<i32>} : memref<64x128xf32, #tpu.memory_space<vmem>>, vector<1x16xf32>,
        %swap3A_435 = vector.shape_cast %swap3A_434 : vector<1x16xf32> to vector<16xf32>
        %swap3A_436 = vector.shape_cast %max3A_431 : vector<16xf32> to vector<1x16xf32>
        tpu.vector_store %arg17[%swap3A_432, %swap3A_433], %swap3A_436 {strides = array<i32>} : memref<64x128xf32, #tpu.memory_space<vmem>>, vector<1x16xf32>,
        %get3A_437 = arith.index_cast %scan3A_329 : i32 to index
        %get3A_438 = arith.constant 80 : index
        %get3A_439 = tpu.vector_load %arg15[%get3A_437, %get3A_438] {strides = array<i32>} : memref<64x128xf32, #tpu.memory_space<vmem>>, vector<1x16xf32>,
        %get3A_440 = vector.shape_cast %get3A_439 : vector<1x16xf32> to vector<16xf32>
        %get3A_441 = arith.index_cast %scan3A_329 : i32 to index
        %get3A_442 = arith.constant 80 : index
        %get3A_443 = tpu.vector_load %arg16[%get3A_441, %get3A_442] {strides = array<i32>} : memref<64x128xf32, #tpu.memory_space<vmem>>, vector<1x16xf32>,
        %get3A_444 = vector.shape_cast %get3A_443 : vector<1x16xf32> to vector<16xf32>
        %add3A_445 = arith.addf %get3A_440, %get3A_444 : vector<16xf32>
        %get3A_446 = arith.index_cast %scan3A_329 : i32 to index
        %get3A_447 = arith.constant 80 : index
        %get3A_448 = tpu.vector_load %arg17[%get3A_446, %get3A_447] {strides = array<i32>} : memref<64x128xf32, #tpu.memory_space<vmem>>, vector<1x16xf32>,
        %get3A_449 = vector.shape_cast %get3A_448 : vector<1x16xf32> to vector<16xf32>
        %add3A_450 = arith.addf %add3A_445, %get3A_449 : vector<16xf32>
        %max3A_451 = arith.constant 0.000000e+00 : f32
        %max3A_452 = vector.broadcast %max3A_451 : f32 to vector<16xf32>
        %max3A_453 = arith.maximumf %add3A_450, %max3A_452 : vector<16xf32>
        %swap3A_454 = arith.index_cast %scan3A_329 : i32 to index
        %swap3A_455 = arith.constant 80 : index
        %swap3A_456 = tpu.vector_load %arg17[%swap3A_454, %swap3A_455] {strides = array<i32>} : memref<64x128xf32, #tpu.memory_space<vmem>>, vector<1x16xf32>,
        %swap3A_457 = vector.shape_cast %swap3A_456 : vector<1x16xf32> to vector<16xf32>
        %swap3A_458 = vector.shape_cast %max3A_453 : vector<16xf32> to vector<1x16xf32>
        tpu.vector_store %arg17[%swap3A_454, %swap3A_455], %swap3A_458 {strides = array<i32>} : memref<64x128xf32, #tpu.memory_space<vmem>>, vector<1x16xf32>,
        %get3A_459 = arith.index_cast %scan3A_329 : i32 to index
        %get3A_460 = arith.constant 96 : index
        %get3A_461 = tpu.vector_load %arg15[%get3A_459, %get3A_460] {strides = array<i32>} : memref<64x128xf32, #tpu.memory_space<vmem>>, vector<1x16xf32>,
        %get3A_462 = vector.shape_cast %get3A_461 : vector<1x16xf32> to vector<16xf32>
        %get3A_463 = arith.index_cast %scan3A_329 : i32 to index
        %get3A_464 = arith.constant 96 : index
        %get3A_465 = tpu.vector_load %arg16[%get3A_463, %get3A_464] {strides = array<i32>} : memref<64x128xf32, #tpu.memory_space<vmem>>, vector<1x16xf32>,
        %get3A_466 = vector.shape_cast %get3A_465 : vector<1x16xf32> to vector<16xf32>
        %add3A_467 = arith.addf %get3A_462, %get3A_466 : vector<16xf32>
        %get3A_468 = arith.index_cast %scan3A_329 : i32 to index
        %get3A_469 = arith.constant 96 : index
        %get3A_470 = tpu.vector_load %arg17[%get3A_468, %get3A_469] {strides = array<i32>} : memref<64x128xf32, #tpu.memory_space<vmem>>, vector<1x16xf32>,
        %get3A_471 = vector.shape_cast %get3A_470 : vector<1x16xf32> to vector<16xf32>
        %add3A_472 = arith.addf %add3A_467, %get3A_471 : vector<16xf32>
        %max3A_473 = arith.constant 0.000000e+00 : f32
        %max3A_474 = vector.broadcast %max3A_473 : f32 to vector<16xf32>
        %max3A_475 = arith.maximumf %add3A_472, %max3A_474 : vector<16xf32>
        %swap3A_476 = arith.index_cast %scan3A_329 : i32 to index
        %swap3A_477 = arith.constant 96 : index
        %swap3A_478 = tpu.vector_load %arg17[%swap3A_476, %swap3A_477] {strides = array<i32>} : memref<64x128xf32, #tpu.memory_space<vmem>>, vector<1x16xf32>,
        %swap3A_479 = vector.shape_cast %swap3A_478 : vector<1x16xf32> to vector<16xf32>
        %swap3A_480 = vector.shape_cast %max3A_475 : vector<16xf32> to vector<1x16xf32>
        tpu.vector_store %arg17[%swap3A_476, %swap3A_477], %swap3A_480 {strides = array<i32>} : memref<64x128xf32, #tpu.memory_space<vmem>>, vector<1x16xf32>,
        %get3A_481 = arith.index_cast %scan3A_329 : i32 to index
        %get3A_482 = arith.constant 112 : index
        %get3A_483 = tpu.vector_load %arg15[%get3A_481, %get3A_482] {strides = array<i32>} : memref<64x128xf32, #tpu.memory_space<vmem>>, vector<1x16xf32>,
        %get3A_484 = vector.shape_cast %get3A_483 : vector<1x16xf32> to vector<16xf32>
        %get3A_485 = arith.index_cast %scan3A_329 : i32 to index
        %get3A_486 = arith.constant 112 : index
        %get3A_487 = tpu.vector_load %arg16[%get3A_485, %get3A_486] {strides = array<i32>} : memref<64x128xf32, #tpu.memory_space<vmem>>, vector<1x16xf32>,
        %get3A_488 = vector.shape_cast %get3A_487 : vector<1x16xf32> to vector<16xf32>
        %add3A_489 = arith.addf %get3A_484, %get3A_488 : vector<16xf32>
        %get3A_490 = arith.index_cast %scan3A_329 : i32 to index
        %get3A_491 = arith.constant 112 : index
        %get3A_492 = tpu.vector_load %arg17[%get3A_490, %get3A_491] {strides = array<i32>} : memref<64x128xf32, #tpu.memory_space<vmem>>, vector<1x16xf32>,
        %get3A_493 = vector.shape_cast %get3A_492 : vector<1x16xf32> to vector<16xf32>
        %add3A_494 = arith.addf %add3A_489, %get3A_493 : vector<16xf32>
        %max3A_495 = arith.constant 0.000000e+00 : f32
        %max3A_496 = vector.broadcast %max3A_495 : f32 to vector<16xf32>
        %max3A_497 = arith.maximumf %add3A_494, %max3A_496 : vector<16xf32>
        %swap3A_498 = arith.index_cast %scan3A_329 : i32 to index
        %swap3A_499 = arith.constant 112 : index
        %swap3A_500 = tpu.vector_load %arg17[%swap3A_498, %swap3A_499] {strides = array<i32>} : memref<64x128xf32, #tpu.memory_space<vmem>>, vector<1x16xf32>,
        %swap3A_501 = vector.shape_cast %swap3A_500 : vector<1x16xf32> to vector<16xf32>
        %swap3A_502 = vector.shape_cast %max3A_497 : vector<16xf32> to vector<1x16xf32>
        tpu.vector_store %arg17[%swap3A_498, %swap3A_499], %swap3A_502 {strides = array<i32>} : memref<64x128xf32, #tpu.memory_space<vmem>>, vector<1x16xf32>,
      }
      %scan3A_321 = arith.constant 64 : i32
      "tpu.region"() ({
        %run_scoped3A = tpu.sem_alloc : memref<!tpu.dma_semaphore, #tpu.memory_space<semaphore_mem>>
        %dma_start3A_329 = arith.constant 0 : i32
        %dma_start3A_330 = arith.constant 0 : i32
        %dma_start3A_331 = tpu.memref_slice %arg20[%dma_start3A_329, %dma_start3A_330] : memref<10000x128xf32, #tpu.memory_space<vmem_shared>> -> memref<10000x128xf32, #tpu.memory_space<vmem_shared>>
        tpu.enqueue_indirect_dma source(%arg17 : memref<64x128xf32, #tpu.memory_space<vmem>>) target(%dma_start3A_331 : memref<10000x128xf32, #tpu.memory_space<vmem_shared>>) offsets(%arg14 : memref<64xi32, #tpu.memory_space<vmem>>) semaphore(%run_scoped3A : memref<!tpu.dma_semaphore, #tpu.memory_space<semaphore_mem>>) {add = true}
        %dma_wait3A_332 = arith.constant 0 : i32
        %dma_wait3A_333 = arith.constant 0 : i32
        %dma_wait3A_334 = tpu.memref_slice %arg20[%dma_wait3A_332, %dma_wait3A_333] : memref<10000x128xf32, #tpu.memory_space<vmem_shared>> -> memref<10000x128xf32, #tpu.memory_space<vmem_shared>>
        tpu.wait_indirect_dma semaphore(%run_scoped3A : memref<!tpu.dma_semaphore, #tpu.memory_space<semaphore_mem>>) src(%arg17 : memref<64x128xf32, #tpu.memory_space<vmem>>) dst(%dma_wait3A_334 : memref<10000x128xf32, #tpu.memory_space<vmem_shared>>)
        tpu.yield
      }) : () -> ()
      %add3A_322 = arith.constant 2 : i32
      %add3A_323 = arith.addi %add3A_290, %add3A_322 : i32
      %lt3A_324 = arith.constant 156 : i32
      %lt3A_325 = arith.cmpi slt, %add3A_323, %lt3A_324 : i32
      %convert_element_type3A_326 = arith.extui %lt3A_325 : i1 to i32
      %cond3A_327 = arith.constant 0 : i32
      %cond3A_328 = arith.cmpi ne, %convert_element_type3A_326, %cond3A_327 : i32
      scf.if %cond3A_328 {
        %add3A_329 = arith.constant 2 : i32
        %add3A_330 = arith.addi %add3A_290, %add3A_329 : i32
        %mul3A_331 = arith.constant 64 : i32
        %mul3A_332 = arith.muli %add3A_330, %mul3A_331 : i32
        %add3A_333 = arith.addi %mul3A_2, %mul3A_332 : i32
        %dma_start3A_334 = tpu.memref_slice %arg5[%add3A_333] : memref<320000xi32, #tpu.memory_space<hbm>> -> memref<64xi32, #tpu.memory_space<hbm>>
        %dma_start3A_335 = tpu.memref_slice %arg5[%add3A_333] : memref<320000xi32, #tpu.memory_space<hbm>> -> memref<64xi32, #tpu.memory_space<hbm>>
        tpu.enqueue_dma source(%dma_start3A_335 : memref<64xi32, #tpu.memory_space<hbm>>) target(%arg13 : memref<64xi32, #tpu.memory_space<vmem>>) target_semaphore(%arg28 : memref<!tpu.dma_semaphore, #tpu.memory_space<semaphore_mem>>)
        %dma_start3A_336 = tpu.memref_slice %arg6[%add3A_333] : memref<320000xi32, #tpu.memory_space<hbm>> -> memref<64xi32, #tpu.memory_space<hbm>>
        %dma_start3A_337 = tpu.memref_slice %arg6[%add3A_333] : memref<320000xi32, #tpu.memory_space<hbm>> -> memref<64xi32, #tpu.memory_space<hbm>>
        tpu.enqueue_dma source(%dma_start3A_337 : memref<64xi32, #tpu.memory_space<hbm>>) target(%arg14 : memref<64xi32, #tpu.memory_space<vmem>>) target_semaphore(%arg28 : memref<!tpu.dma_semaphore, #tpu.memory_space<semaphore_mem>>)
      } else {
      }
    }
    %scan3A_115 = arith.constant 78 : i32
    %add3A_116 = arith.constant 9984 : i32
    %add3A_117 = arith.addi %mul3A_2, %add3A_116 : i32
    "tpu.region"() ({
      %run_scoped3A = tpu.sem_alloc : memref<!tpu.dma_semaphore, #tpu.memory_space<semaphore_mem>>
      %dma_start3A_244 = tpu.memref_slice %arg5[%add3A_117] : memref<320000xi32, #tpu.memory_space<hbm>> -> memref<16xi32, #tpu.memory_space<hbm>>
      %dma_start3A_245 = tpu.memref_slice %arg5[%add3A_117] : memref<320000xi32, #tpu.memory_space<hbm>> -> memref<16xi32, #tpu.memory_space<hbm>>
      tpu.enqueue_dma source(%dma_start3A_245 : memref<16xi32, #tpu.memory_space<hbm>>) target(%arg18 : memref<16xi32, #tpu.memory_space<vmem>>) target_semaphore(%run_scoped3A : memref<!tpu.dma_semaphore, #tpu.memory_space<semaphore_mem>>)
      %dma_wait3A_246 = tpu.memref_slice %arg5[%add3A_117] : memref<320000xi32, #tpu.memory_space<hbm>> -> memref<16xi32, #tpu.memory_space<hbm>>
      %dma_wait3A_247 = tpu.memref_slice %arg5[%add3A_117] : memref<320000xi32, #tpu.memory_space<hbm>> -> memref<16xi32, #tpu.memory_space<hbm>>
      tpu.wait_dma2 semaphore(%run_scoped3A : memref<!tpu.dma_semaphore, #tpu.memory_space<semaphore_mem>>) src(%dma_wait3A_247 : memref<16xi32, #tpu.memory_space<hbm>>) dst(%arg18 : memref<16xi32, #tpu.memory_space<vmem>>)
      tpu.yield
    }) : () -> ()
    "tpu.region"() ({
      %run_scoped3A = tpu.sem_alloc : memref<!tpu.dma_semaphore, #tpu.memory_space<semaphore_mem>>
      %dma_start3A_244 = tpu.memref_slice %arg6[%add3A_117] : memref<320000xi32, #tpu.memory_space<hbm>> -> memref<16xi32, #tpu.memory_space<hbm>>
      %dma_start3A_245 = tpu.memref_slice %arg6[%add3A_117] : memref<320000xi32, #tpu.memory_space<hbm>> -> memref<16xi32, #tpu.memory_space<hbm>>
      tpu.enqueue_dma source(%dma_start3A_245 : memref<16xi32, #tpu.memory_space<hbm>>) target(%arg19 : memref<16xi32, #tpu.memory_space<vmem>>) target_semaphore(%run_scoped3A : memref<!tpu.dma_semaphore, #tpu.memory_space<semaphore_mem>>)
      %dma_wait3A_246 = tpu.memref_slice %arg6[%add3A_117] : memref<320000xi32, #tpu.memory_space<hbm>> -> memref<16xi32, #tpu.memory_space<hbm>>
      %dma_wait3A_247 = tpu.memref_slice %arg6[%add3A_117] : memref<320000xi32, #tpu.memory_space<hbm>> -> memref<16xi32, #tpu.memory_space<hbm>>
      tpu.wait_dma2 semaphore(%run_scoped3A : memref<!tpu.dma_semaphore, #tpu.memory_space<semaphore_mem>>) src(%dma_wait3A_247 : memref<16xi32, #tpu.memory_space<hbm>>) dst(%arg19 : memref<16xi32, #tpu.memory_space<vmem>>)
      tpu.yield
    }) : () -> ()
    %dma_start3A_118 = arith.constant 0 : i32
    %dma_start3A_119 = arith.constant 0 : i32
    %dma_start3A_120 = tpu.memref_slice %arg10[%dma_start3A_118, %dma_start3A_119] : memref<64x128xf32, #tpu.memory_space<vmem>> -> memref<16x128xf32, #tpu.memory_space<vmem>>
    %dma_start3A_121 = arith.constant 0 : i32
    %dma_start3A_122 = arith.constant 0 : i32
    %dma_start3A_123 = tpu.memref_slice %arg2[%dma_start3A_121, %dma_start3A_122] : memref<10000x128xf32, #tpu.memory_space<hbm>> -> memref<10000x128xf32, #tpu.memory_space<hbm>>
    tpu.enqueue_indirect_dma source(%dma_start3A_123 : memref<10000x128xf32, #tpu.memory_space<hbm>>) target(%dma_start3A_120 : memref<16x128xf32, #tpu.memory_space<vmem>>) offsets(%arg18 : memref<16xi32, #tpu.memory_space<vmem>>) semaphore(%arg21 : memref<!tpu.dma_semaphore, #tpu.memory_space<semaphore_mem>>)
    %dma_start3A_124 = arith.constant 0 : i32
    %dma_start3A_125 = arith.constant 0 : i32
    %dma_start3A_126 = tpu.memref_slice %arg11[%dma_start3A_124, %dma_start3A_125] : memref<64x128xf32, #tpu.memory_space<vmem>> -> memref<16x128xf32, #tpu.memory_space<vmem>>
    %dma_start3A_127 = arith.constant 0 : i32
    %dma_start3A_128 = arith.constant 0 : i32
    %dma_start3A_129 = tpu.memref_slice %arg3[%dma_start3A_127, %dma_start3A_128] : memref<10000x128xf32, #tpu.memory_space<hbm>> -> memref<10000x128xf32, #tpu.memory_space<hbm>>
    tpu.enqueue_indirect_dma source(%dma_start3A_129 : memref<10000x128xf32, #tpu.memory_space<hbm>>) target(%dma_start3A_126 : memref<16x128xf32, #tpu.memory_space<vmem>>) offsets(%arg19 : memref<16xi32, #tpu.memory_space<vmem>>) semaphore(%arg22 : memref<!tpu.dma_semaphore, #tpu.memory_space<semaphore_mem>>)
    %dma_start3A_130 = arith.constant 0 : i32
    %dma_start3A_131 = arith.constant 0 : i32
    %dma_start3A_132 = tpu.memref_slice %arg12[%dma_start3A_130, %dma_start3A_131] : memref<64x128xf32, #tpu.memory_space<vmem>> -> memref<16x128xf32, #tpu.memory_space<vmem>>
    %dma_start3A_133 = arith.constant 0 : i32
    %dma_start3A_134 = tpu.memref_slice %arg4[%add3A_117, %dma_start3A_133] : memref<320000x128xf32, #tpu.memory_space<hbm>> -> memref<16x128xf32, #tpu.memory_space<hbm>>
    %dma_start3A_135 = arith.constant 0 : i32
    %dma_start3A_136 = arith.constant 0 : i32
    %dma_start3A_137 = tpu.memref_slice %arg12[%dma_start3A_135, %dma_start3A_136] : memref<64x128xf32, #tpu.memory_space<vmem>> -> memref<16x128xf32, #tpu.memory_space<vmem>>
    %dma_start3A_138 = arith.constant 0 : i32
    %dma_start3A_139 = tpu.memref_slice %arg4[%add3A_117, %dma_start3A_138] : memref<320000x128xf32, #tpu.memory_space<hbm>> -> memref<16x128xf32, #tpu.memory_space<hbm>>
    tpu.enqueue_dma source(%dma_start3A_139 : memref<16x128xf32, #tpu.memory_space<hbm>>) target(%dma_start3A_137 : memref<16x128xf32, #tpu.memory_space<vmem>>) target_semaphore(%arg23 : memref<!tpu.dma_semaphore, #tpu.memory_space<semaphore_mem>>)
    %dma_wait3A_140 = arith.constant 0 : i32
    %dma_wait3A_141 = arith.constant 0 : i32
    %dma_wait3A_142 = tpu.memref_slice %arg10[%dma_wait3A_140, %dma_wait3A_141] : memref<64x128xf32, #tpu.memory_space<vmem>> -> memref<16x128xf32, #tpu.memory_space<vmem>>
    %dma_wait3A_143 = arith.constant 0 : i32
    %dma_wait3A_144 = arith.constant 0 : i32
    %dma_wait3A_145 = tpu.memref_slice %arg2[%dma_wait3A_143, %dma_wait3A_144] : memref<10000x128xf32, #tpu.memory_space<hbm>> -> memref<10000x128xf32, #tpu.memory_space<hbm>>
    tpu.wait_indirect_dma semaphore(%arg21 : memref<!tpu.dma_semaphore, #tpu.memory_space<semaphore_mem>>) src(%dma_wait3A_145 : memref<10000x128xf32, #tpu.memory_space<hbm>>) dst(%dma_wait3A_142 : memref<16x128xf32, #tpu.memory_space<vmem>>)
    %dma_wait3A_146 = arith.constant 0 : i32
    %dma_wait3A_147 = arith.constant 0 : i32
    %dma_wait3A_148 = tpu.memref_slice %arg11[%dma_wait3A_146, %dma_wait3A_147] : memref<64x128xf32, #tpu.memory_space<vmem>> -> memref<16x128xf32, #tpu.memory_space<vmem>>
    %dma_wait3A_149 = arith.constant 0 : i32
    %dma_wait3A_150 = arith.constant 0 : i32
    %dma_wait3A_151 = tpu.memref_slice %arg3[%dma_wait3A_149, %dma_wait3A_150] : memref<10000x128xf32, #tpu.memory_space<hbm>> -> memref<10000x128xf32, #tpu.memory_space<hbm>>
    tpu.wait_indirect_dma semaphore(%arg22 : memref<!tpu.dma_semaphore, #tpu.memory_space<semaphore_mem>>) src(%dma_wait3A_151 : memref<10000x128xf32, #tpu.memory_space<hbm>>) dst(%dma_wait3A_148 : memref<16x128xf32, #tpu.memory_space<vmem>>)
    %dma_wait3A_152 = arith.constant 0 : i32
    %dma_wait3A_153 = arith.constant 0 : i32
    %dma_wait3A_154 = tpu.memref_slice %arg12[%dma_wait3A_152, %dma_wait3A_153] : memref<64x128xf32, #tpu.memory_space<vmem>> -> memref<16x128xf32, #tpu.memory_space<vmem>>
    %dma_wait3A_155 = arith.constant 0 : i32
    %dma_wait3A_156 = tpu.memref_slice %arg4[%add3A_117, %dma_wait3A_155] : memref<320000x128xf32, #tpu.memory_space<hbm>> -> memref<16x128xf32, #tpu.memory_space<hbm>>
    %dma_wait3A_157 = arith.constant 0 : i32
    %dma_wait3A_158 = arith.constant 0 : i32
    %dma_wait3A_159 = tpu.memref_slice %arg12[%dma_wait3A_157, %dma_wait3A_158] : memref<64x128xf32, #tpu.memory_space<vmem>> -> memref<16x128xf32, #tpu.memory_space<vmem>>
    %dma_wait3A_160 = arith.constant 0 : i32
    %dma_wait3A_161 = tpu.memref_slice %arg4[%add3A_117, %dma_wait3A_160] : memref<320000x128xf32, #tpu.memory_space<hbm>> -> memref<16x128xf32, #tpu.memory_space<hbm>>
    tpu.wait_dma2 semaphore(%arg23 : memref<!tpu.dma_semaphore, #tpu.memory_space<semaphore_mem>>) src(%dma_wait3A_161 : memref<16x128xf32, #tpu.memory_space<hbm>>) dst(%dma_wait3A_159 : memref<16x128xf32, #tpu.memory_space<vmem>>)
    %scan3A_162 = arith.constant 0 : i32
    %scan3A_163 = arith.constant 0 : i32
    %scan3A_164 = arith.constant 16 : i32
    %scan3A_165 = arith.addi %scan3A_163, %scan3A_164 : i32
    %scan3A_166 = arith.constant 1 : i32
    scf.for %scan3A_244 = %scan3A_163 to %scan3A_165 step %scan3A_166  : i32 {
      %get3A = arith.index_cast %scan3A_244 : i32 to index
      %get3A_245 = arith.constant 0 : index
      %get3A_246 = tpu.vector_load %arg10[%get3A, %get3A_245] {strides = array<i32>} : memref<64x128xf32, #tpu.memory_space<vmem>>, vector<1x16xf32>,
      %get3A_247 = vector.shape_cast %get3A_246 : vector<1x16xf32> to vector<16xf32>
      %get3A_248 = arith.index_cast %scan3A_244 : i32 to index
      %get3A_249 = arith.constant 0 : index
      %get3A_250 = tpu.vector_load %arg11[%get3A_248, %get3A_249] {strides = array<i32>} : memref<64x128xf32, #tpu.memory_space<vmem>>, vector<1x16xf32>,
      %get3A_251 = vector.shape_cast %get3A_250 : vector<1x16xf32> to vector<16xf32>
      %add3A_252 = arith.addf %get3A_247, %get3A_251 : vector<16xf32>
      %get3A_253 = arith.index_cast %scan3A_244 : i32 to index
      %get3A_254 = arith.constant 0 : index
      %get3A_255 = tpu.vector_load %arg12[%get3A_253, %get3A_254] {strides = array<i32>} : memref<64x128xf32, #tpu.memory_space<vmem>>, vector<1x16xf32>,
      %get3A_256 = vector.shape_cast %get3A_255 : vector<1x16xf32> to vector<16xf32>
      %add3A_257 = arith.addf %add3A_252, %get3A_256 : vector<16xf32>
      %max3A = arith.constant 0.000000e+00 : f32
      %max3A_258 = vector.broadcast %max3A : f32 to vector<16xf32>
      %max3A_259 = arith.maximumf %add3A_257, %max3A_258 : vector<16xf32>
      %swap3A = arith.index_cast %scan3A_244 : i32 to index
      %swap3A_260 = arith.constant 0 : index
      %swap3A_261 = tpu.vector_load %arg12[%swap3A, %swap3A_260] {strides = array<i32>} : memref<64x128xf32, #tpu.memory_space<vmem>>, vector<1x16xf32>,
      %swap3A_262 = vector.shape_cast %swap3A_261 : vector<1x16xf32> to vector<16xf32>
      %swap3A_263 = vector.shape_cast %max3A_259 : vector<16xf32> to vector<1x16xf32>
      tpu.vector_store %arg12[%swap3A, %swap3A_260], %swap3A_263 {strides = array<i32>} : memref<64x128xf32, #tpu.memory_space<vmem>>, vector<1x16xf32>,
      %get3A_264 = arith.index_cast %scan3A_244 : i32 to index
      %get3A_265 = arith.constant 16 : index
      %get3A_266 = tpu.vector_load %arg10[%get3A_264, %get3A_265] {strides = array<i32>} : memref<64x128xf32, #tpu.memory_space<vmem>>, vector<1x16xf32>,
      %get3A_267 = vector.shape_cast %get3A_266 : vector<1x16xf32> to vector<16xf32>
      %get3A_268 = arith.index_cast %scan3A_244 : i32 to index
      %get3A_269 = arith.constant 16 : index
      %get3A_270 = tpu.vector_load %arg11[%get3A_268, %get3A_269] {strides = array<i32>} : memref<64x128xf32, #tpu.memory_space<vmem>>, vector<1x16xf32>,
      %get3A_271 = vector.shape_cast %get3A_270 : vector<1x16xf32> to vector<16xf32>
      %add3A_272 = arith.addf %get3A_267, %get3A_271 : vector<16xf32>
      %get3A_273 = arith.index_cast %scan3A_244 : i32 to index
      %get3A_274 = arith.constant 16 : index
      %get3A_275 = tpu.vector_load %arg12[%get3A_273, %get3A_274] {strides = array<i32>} : memref<64x128xf32, #tpu.memory_space<vmem>>, vector<1x16xf32>,
      %get3A_276 = vector.shape_cast %get3A_275 : vector<1x16xf32> to vector<16xf32>
      %add3A_277 = arith.addf %add3A_272, %get3A_276 : vector<16xf32>
      %max3A_278 = arith.constant 0.000000e+00 : f32
      %max3A_279 = vector.broadcast %max3A_278 : f32 to vector<16xf32>
      %max3A_280 = arith.maximumf %add3A_277, %max3A_279 : vector<16xf32>
      %swap3A_281 = arith.index_cast %scan3A_244 : i32 to index
      %swap3A_282 = arith.constant 16 : index
      %swap3A_283 = tpu.vector_load %arg12[%swap3A_281, %swap3A_282] {strides = array<i32>} : memref<64x128xf32, #tpu.memory_space<vmem>>, vector<1x16xf32>,
      %swap3A_284 = vector.shape_cast %swap3A_283 : vector<1x16xf32> to vector<16xf32>
      %swap3A_285 = vector.shape_cast %max3A_280 : vector<16xf32> to vector<1x16xf32>
      tpu.vector_store %arg12[%swap3A_281, %swap3A_282], %swap3A_285 {strides = array<i32>} : memref<64x128xf32, #tpu.memory_space<vmem>>, vector<1x16xf32>,
      %get3A_286 = arith.index_cast %scan3A_244 : i32 to index
      %get3A_287 = arith.constant 32 : index
      %get3A_288 = tpu.vector_load %arg10[%get3A_286, %get3A_287] {strides = array<i32>} : memref<64x128xf32, #tpu.memory_space<vmem>>, vector<1x16xf32>,
      %get3A_289 = vector.shape_cast %get3A_288 : vector<1x16xf32> to vector<16xf32>
      %get3A_290 = arith.index_cast %scan3A_244 : i32 to index
      %get3A_291 = arith.constant 32 : index
      %get3A_292 = tpu.vector_load %arg11[%get3A_290, %get3A_291] {strides = array<i32>} : memref<64x128xf32, #tpu.memory_space<vmem>>, vector<1x16xf32>,
      %get3A_293 = vector.shape_cast %get3A_292 : vector<1x16xf32> to vector<16xf32>
      %add3A_294 = arith.addf %get3A_289, %get3A_293 : vector<16xf32>
      %get3A_295 = arith.index_cast %scan3A_244 : i32 to index
      %get3A_296 = arith.constant 32 : index
      %get3A_297 = tpu.vector_load %arg12[%get3A_295, %get3A_296] {strides = array<i32>} : memref<64x128xf32, #tpu.memory_space<vmem>>, vector<1x16xf32>,
      %get3A_298 = vector.shape_cast %get3A_297 : vector<1x16xf32> to vector<16xf32>
      %add3A_299 = arith.addf %add3A_294, %get3A_298 : vector<16xf32>
      %max3A_300 = arith.constant 0.000000e+00 : f32
      %max3A_301 = vector.broadcast %max3A_300 : f32 to vector<16xf32>
      %max3A_302 = arith.maximumf %add3A_299, %max3A_301 : vector<16xf32>
      %swap3A_303 = arith.index_cast %scan3A_244 : i32 to index
      %swap3A_304 = arith.constant 32 : index
      %swap3A_305 = tpu.vector_load %arg12[%swap3A_303, %swap3A_304] {strides = array<i32>} : memref<64x128xf32, #tpu.memory_space<vmem>>, vector<1x16xf32>,
      %swap3A_306 = vector.shape_cast %swap3A_305 : vector<1x16xf32> to vector<16xf32>
      %swap3A_307 = vector.shape_cast %max3A_302 : vector<16xf32> to vector<1x16xf32>
      tpu.vector_store %arg12[%swap3A_303, %swap3A_304], %swap3A_307 {strides = array<i32>} : memref<64x128xf32, #tpu.memory_space<vmem>>, vector<1x16xf32>,
      %get3A_308 = arith.index_cast %scan3A_244 : i32 to index
      %get3A_309 = arith.constant 48 : index
      %get3A_310 = tpu.vector_load %arg10[%get3A_308, %get3A_309] {strides = array<i32>} : memref<64x128xf32, #tpu.memory_space<vmem>>, vector<1x16xf32>,
      %get3A_311 = vector.shape_cast %get3A_310 : vector<1x16xf32> to vector<16xf32>
      %get3A_312 = arith.index_cast %scan3A_244 : i32 to index
      %get3A_313 = arith.constant 48 : index
      %get3A_314 = tpu.vector_load %arg11[%get3A_312, %get3A_313] {strides = array<i32>} : memref<64x128xf32, #tpu.memory_space<vmem>>, vector<1x16xf32>,
      %get3A_315 = vector.shape_cast %get3A_314 : vector<1x16xf32> to vector<16xf32>
      %add3A_316 = arith.addf %get3A_311, %get3A_315 : vector<16xf32>
      %get3A_317 = arith.index_cast %scan3A_244 : i32 to index
      %get3A_318 = arith.constant 48 : index
      %get3A_319 = tpu.vector_load %arg12[%get3A_317, %get3A_318] {strides = array<i32>} : memref<64x128xf32, #tpu.memory_space<vmem>>, vector<1x16xf32>,
      %get3A_320 = vector.shape_cast %get3A_319 : vector<1x16xf32> to vector<16xf32>
      %add3A_321 = arith.addf %add3A_316, %get3A_320 : vector<16xf32>
      %max3A_322 = arith.constant 0.000000e+00 : f32
      %max3A_323 = vector.broadcast %max3A_322 : f32 to vector<16xf32>
      %max3A_324 = arith.maximumf %add3A_321, %max3A_323 : vector<16xf32>
      %swap3A_325 = arith.index_cast %scan3A_244 : i32 to index
      %swap3A_326 = arith.constant 48 : index
      %swap3A_327 = tpu.vector_load %arg12[%swap3A_325, %swap3A_326] {strides = array<i32>} : memref<64x128xf32, #tpu.memory_space<vmem>>, vector<1x16xf32>,
      %swap3A_328 = vector.shape_cast %swap3A_327 : vector<1x16xf32> to vector<16xf32>
      %swap3A_329 = vector.shape_cast %max3A_324 : vector<16xf32> to vector<1x16xf32>
      tpu.vector_store %arg12[%swap3A_325, %swap3A_326], %swap3A_329 {strides = array<i32>} : memref<64x128xf32, #tpu.memory_space<vmem>>, vector<1x16xf32>,
      %get3A_330 = arith.index_cast %scan3A_244 : i32 to index
      %get3A_331 = arith.constant 64 : index
      %get3A_332 = tpu.vector_load %arg10[%get3A_330, %get3A_331] {strides = array<i32>} : memref<64x128xf32, #tpu.memory_space<vmem>>, vector<1x16xf32>,
      %get3A_333 = vector.shape_cast %get3A_332 : vector<1x16xf32> to vector<16xf32>
      %get3A_334 = arith.index_cast %scan3A_244 : i32 to index
      %get3A_335 = arith.constant 64 : index
      %get3A_336 = tpu.vector_load %arg11[%get3A_334, %get3A_335] {strides = array<i32>} : memref<64x128xf32, #tpu.memory_space<vmem>>, vector<1x16xf32>,
      %get3A_337 = vector.shape_cast %get3A_336 : vector<1x16xf32> to vector<16xf32>
      %add3A_338 = arith.addf %get3A_333, %get3A_337 : vector<16xf32>
      %get3A_339 = arith.index_cast %scan3A_244 : i32 to index
      %get3A_340 = arith.constant 64 : index
      %get3A_341 = tpu.vector_load %arg12[%get3A_339, %get3A_340] {strides = array<i32>} : memref<64x128xf32, #tpu.memory_space<vmem>>, vector<1x16xf32>,
      %get3A_342 = vector.shape_cast %get3A_341 : vector<1x16xf32> to vector<16xf32>
      %add3A_343 = arith.addf %add3A_338, %get3A_342 : vector<16xf32>
      %max3A_344 = arith.constant 0.000000e+00 : f32
      %max3A_345 = vector.broadcast %max3A_344 : f32 to vector<16xf32>
      %max3A_346 = arith.maximumf %add3A_343, %max3A_345 : vector<16xf32>
      %swap3A_347 = arith.index_cast %scan3A_244 : i32 to index
      %swap3A_348 = arith.constant 64 : index
      %swap3A_349 = tpu.vector_load %arg12[%swap3A_347, %swap3A_348] {strides = array<i32>} : memref<64x128xf32, #tpu.memory_space<vmem>>, vector<1x16xf32>,
      %swap3A_350 = vector.shape_cast %swap3A_349 : vector<1x16xf32> to vector<16xf32>
      %swap3A_351 = vector.shape_cast %max3A_346 : vector<16xf32> to vector<1x16xf32>
      tpu.vector_store %arg12[%swap3A_347, %swap3A_348], %swap3A_351 {strides = array<i32>} : memref<64x128xf32, #tpu.memory_space<vmem>>, vector<1x16xf32>,
      %get3A_352 = arith.index_cast %scan3A_244 : i32 to index
      %get3A_353 = arith.constant 80 : index
      %get3A_354 = tpu.vector_load %arg10[%get3A_352, %get3A_353] {strides = array<i32>} : memref<64x128xf32, #tpu.memory_space<vmem>>, vector<1x16xf32>,
      %get3A_355 = vector.shape_cast %get3A_354 : vector<1x16xf32> to vector<16xf32>
      %get3A_356 = arith.index_cast %scan3A_244 : i32 to index
      %get3A_357 = arith.constant 80 : index
      %get3A_358 = tpu.vector_load %arg11[%get3A_356, %get3A_357] {strides = array<i32>} : memref<64x128xf32, #tpu.memory_space<vmem>>, vector<1x16xf32>,
      %get3A_359 = vector.shape_cast %get3A_358 : vector<1x16xf32> to vector<16xf32>
      %add3A_360 = arith.addf %get3A_355, %get3A_359 : vector<16xf32>
      %get3A_361 = arith.index_cast %scan3A_244 : i32 to index
      %get3A_362 = arith.constant 80 : index
      %get3A_363 = tpu.vector_load %arg12[%get3A_361, %get3A_362] {strides = array<i32>} : memref<64x128xf32, #tpu.memory_space<vmem>>, vector<1x16xf32>,
      %get3A_364 = vector.shape_cast %get3A_363 : vector<1x16xf32> to vector<16xf32>
      %add3A_365 = arith.addf %add3A_360, %get3A_364 : vector<16xf32>
      %max3A_366 = arith.constant 0.000000e+00 : f32
      %max3A_367 = vector.broadcast %max3A_366 : f32 to vector<16xf32>
      %max3A_368 = arith.maximumf %add3A_365, %max3A_367 : vector<16xf32>
      %swap3A_369 = arith.index_cast %scan3A_244 : i32 to index
      %swap3A_370 = arith.constant 80 : index
      %swap3A_371 = tpu.vector_load %arg12[%swap3A_369, %swap3A_370] {strides = array<i32>} : memref<64x128xf32, #tpu.memory_space<vmem>>, vector<1x16xf32>,
      %swap3A_372 = vector.shape_cast %swap3A_371 : vector<1x16xf32> to vector<16xf32>
      %swap3A_373 = vector.shape_cast %max3A_368 : vector<16xf32> to vector<1x16xf32>
      tpu.vector_store %arg12[%swap3A_369, %swap3A_370], %swap3A_373 {strides = array<i32>} : memref<64x128xf32, #tpu.memory_space<vmem>>, vector<1x16xf32>,
      %get3A_374 = arith.index_cast %scan3A_244 : i32 to index
      %get3A_375 = arith.constant 96 : index
      %get3A_376 = tpu.vector_load %arg10[%get3A_374, %get3A_375] {strides = array<i32>} : memref<64x128xf32, #tpu.memory_space<vmem>>, vector<1x16xf32>,
      %get3A_377 = vector.shape_cast %get3A_376 : vector<1x16xf32> to vector<16xf32>
      %get3A_378 = arith.index_cast %scan3A_244 : i32 to index
      %get3A_379 = arith.constant 96 : index
      %get3A_380 = tpu.vector_load %arg11[%get3A_378, %get3A_379] {strides = array<i32>} : memref<64x128xf32, #tpu.memory_space<vmem>>, vector<1x16xf32>,
      %get3A_381 = vector.shape_cast %get3A_380 : vector<1x16xf32> to vector<16xf32>
      %add3A_382 = arith.addf %get3A_377, %get3A_381 : vector<16xf32>
      %get3A_383 = arith.index_cast %scan3A_244 : i32 to index
      %get3A_384 = arith.constant 96 : index
      %get3A_385 = tpu.vector_load %arg12[%get3A_383, %get3A_384] {strides = array<i32>} : memref<64x128xf32, #tpu.memory_space<vmem>>, vector<1x16xf32>,
      %get3A_386 = vector.shape_cast %get3A_385 : vector<1x16xf32> to vector<16xf32>
      %add3A_387 = arith.addf %add3A_382, %get3A_386 : vector<16xf32>
      %max3A_388 = arith.constant 0.000000e+00 : f32
      %max3A_389 = vector.broadcast %max3A_388 : f32 to vector<16xf32>
      %max3A_390 = arith.maximumf %add3A_387, %max3A_389 : vector<16xf32>
      %swap3A_391 = arith.index_cast %scan3A_244 : i32 to index
      %swap3A_392 = arith.constant 96 : index
      %swap3A_393 = tpu.vector_load %arg12[%swap3A_391, %swap3A_392] {strides = array<i32>} : memref<64x128xf32, #tpu.memory_space<vmem>>, vector<1x16xf32>,
      %swap3A_394 = vector.shape_cast %swap3A_393 : vector<1x16xf32> to vector<16xf32>
      %swap3A_395 = vector.shape_cast %max3A_390 : vector<16xf32> to vector<1x16xf32>
      tpu.vector_store %arg12[%swap3A_391, %swap3A_392], %swap3A_395 {strides = array<i32>} : memref<64x128xf32, #tpu.memory_space<vmem>>, vector<1x16xf32>,
      %get3A_396 = arith.index_cast %scan3A_244 : i32 to index
      %get3A_397 = arith.constant 112 : index
      %get3A_398 = tpu.vector_load %arg10[%get3A_396, %get3A_397] {strides = array<i32>} : memref<64x128xf32, #tpu.memory_space<vmem>>, vector<1x16xf32>,
      %get3A_399 = vector.shape_cast %get3A_398 : vector<1x16xf32> to vector<16xf32>
      %get3A_400 = arith.index_cast %scan3A_244 : i32 to index
      %get3A_401 = arith.constant 112 : index
      %get3A_402 = tpu.vector_load %arg11[%get3A_400, %get3A_401] {strides = array<i32>} : memref<64x128xf32, #tpu.memory_space<vmem>>, vector<1x16xf32>,
      %get3A_403 = vector.shape_cast %get3A_402 : vector<1x16xf32> to vector<16xf32>
      %add3A_404 = arith.addf %get3A_399, %get3A_403 : vector<16xf32>
      %get3A_405 = arith.index_cast %scan3A_244 : i32 to index
      %get3A_406 = arith.constant 112 : index
      %get3A_407 = tpu.vector_load %arg12[%get3A_405, %get3A_406] {strides = array<i32>} : memref<64x128xf32, #tpu.memory_space<vmem>>, vector<1x16xf32>,
      %get3A_408 = vector.shape_cast %get3A_407 : vector<1x16xf32> to vector<16xf32>
      %add3A_409 = arith.addf %add3A_404, %get3A_408 : vector<16xf32>
      %max3A_410 = arith.constant 0.000000e+00 : f32
      %max3A_411 = vector.broadcast %max3A_410 : f32 to vector<16xf32>
      %max3A_412 = arith.maximumf %add3A_409, %max3A_411 : vector<16xf32>
      %swap3A_413 = arith.index_cast %scan3A_244 : i32 to index
      %swap3A_414 = arith.constant 112 : index
      %swap3A_415 = tpu.vector_load %arg12[%swap3A_413, %swap3A_414] {strides = array<i32>} : memref<64x128xf32, #tpu.memory_space<vmem>>, vector<1x16xf32>,
      %swap3A_416 = vector.shape_cast %swap3A_415 : vector<1x16xf32> to vector<16xf32>
      %swap3A_417 = vector.shape_cast %max3A_412 : vector<16xf32> to vector<1x16xf32>
      tpu.vector_store %arg12[%swap3A_413, %swap3A_414], %swap3A_417 {strides = array<i32>} : memref<64x128xf32, #tpu.memory_space<vmem>>, vector<1x16xf32>,
    }
    %scan3A_167 = arith.constant 16 : i32
    "tpu.region"() ({
      %run_scoped3A = tpu.sem_alloc : memref<!tpu.dma_semaphore, #tpu.memory_space<semaphore_mem>>
      %dma_start3A_244 = arith.constant 0 : i32
      %dma_start3A_245 = arith.constant 0 : i32
      %dma_start3A_246 = tpu.memref_slice %arg12[%dma_start3A_244, %dma_start3A_245] : memref<64x128xf32, #tpu.memory_space<vmem>> -> memref<16x128xf32, #tpu.memory_space<vmem>>
      %dma_start3A_247 = arith.constant 0 : i32
      %dma_start3A_248 = arith.constant 0 : i32
      %dma_start3A_249 = tpu.memref_slice %arg20[%dma_start3A_247, %dma_start3A_248] : memref<10000x128xf32, #tpu.memory_space<vmem_shared>> -> memref<10000x128xf32, #tpu.memory_space<vmem_shared>>
      tpu.enqueue_indirect_dma source(%dma_start3A_246 : memref<16x128xf32, #tpu.memory_space<vmem>>) target(%dma_start3A_249 : memref<10000x128xf32, #tpu.memory_space<vmem_shared>>) offsets(%arg19 : memref<16xi32, #tpu.memory_space<vmem>>) semaphore(%run_scoped3A : memref<!tpu.dma_semaphore, #tpu.memory_space<semaphore_mem>>) {add = true}
      %dma_wait3A_250 = arith.constant 0 : i32
      %dma_wait3A_251 = arith.constant 0 : i32
      %dma_wait3A_252 = tpu.memref_slice %arg12[%dma_wait3A_250, %dma_wait3A_251] : memref<64x128xf32, #tpu.memory_space<vmem>> -> memref<16x128xf32, #tpu.memory_space<vmem>>
      %dma_wait3A_253 = arith.constant 0 : i32
      %dma_wait3A_254 = arith.constant 0 : i32
      %dma_wait3A_255 = tpu.memref_slice %arg20[%dma_wait3A_253, %dma_wait3A_254] : memref<10000x128xf32, #tpu.memory_space<vmem_shared>> -> memref<10000x128xf32, #tpu.memory_space<vmem_shared>>
      tpu.wait_indirect_dma semaphore(%run_scoped3A : memref<!tpu.dma_semaphore, #tpu.memory_space<semaphore_mem>>) src(%dma_wait3A_252 : memref<16x128xf32, #tpu.memory_space<vmem>>) dst(%dma_wait3A_255 : memref<10000x128xf32, #tpu.memory_space<vmem_shared>>)
      tpu.yield
    }) : () -> ()
    %barrier3A_168 = arith.constant 0 : index
    tpu.barrier barrier_id(%barrier3A_168)
    %add3A_169 = arith.constant 0 : i32
    %add3A_170 = arith.addi %arg1, %add3A_169 : i32
    %lt3A_171 = arith.constant 156 : i32
    %lt3A_172 = arith.cmpi slt, %add3A_170, %lt3A_171 : i32
    %convert_element_type3A_173 = arith.extui %lt3A_172 : i1 to i32
    %cond3A_174 = arith.constant 0 : i32
    %cond3A_175 = arith.cmpi ne, %convert_element_type3A_173, %cond3A_174 : i32
    scf.if %cond3A_175 {
      %mul3A_244 = arith.constant 64 : i32
      %mul3A_245 = arith.muli %add3A_170, %mul3A_244 : i32
      %mul3A_246 = arith.constant 64 : i32
      %mul3A_247 = arith.muli %add3A_170, %mul3A_246 : i32
      "tpu.region"() ({
        %run_scoped3A = tpu.sem_alloc : memref<!tpu.dma_semaphore, #tpu.memory_space<semaphore_mem>>
        %dma_start3A_248 = arith.constant 0 : i32
        %dma_start3A_249 = tpu.memref_slice %arg7[%arg0, %mul3A_247, %dma_start3A_248] : memref<2x10000x128xf32, #tpu.memory_space<hbm>> -> memref<1x64x128xf32, #tpu.memory_space<hbm>>
        %dma_start3A_250 = tpu.memref_squeeze %dma_start3A_249 : memref<1x64x128xf32, #tpu.memory_space<hbm>> -> memref<64x128xf32, #tpu.memory_space<hbm>>
        %dma_start3A_251 = arith.constant 0 : i32
        %dma_start3A_252 = tpu.memref_slice %arg20[%mul3A_245, %dma_start3A_251] : memref<10000x128xf32, #tpu.memory_space<vmem_shared>> -> memref<64x128xf32, #tpu.memory_space<vmem_shared>>
        tpu.enqueue_dma source(%dma_start3A_252 : memref<64x128xf32, #tpu.memory_space<vmem_shared>>) target(%dma_start3A_250 : memref<64x128xf32, #tpu.memory_space<hbm>>) target_semaphore(%run_scoped3A : memref<!tpu.dma_semaphore, #tpu.memory_space<semaphore_mem>>)
        %dma_wait3A_253 = arith.constant 0 : i32
        %dma_wait3A_254 = tpu.memref_slice %arg7[%arg0, %mul3A_247, %dma_wait3A_253] : memref<2x10000x128xf32, #tpu.memory_space<hbm>> -> memref<1x64x128xf32, #tpu.memory_space<hbm>>
        %dma_wait3A_255 = tpu.memref_squeeze %dma_wait3A_254 : memref<1x64x128xf32, #tpu.memory_space<hbm>> -> memref<64x128xf32, #tpu.memory_space<hbm>>
        %dma_wait3A_256 = arith.constant 0 : i32
        %dma_wait3A_257 = tpu.memref_slice %arg20[%mul3A_245, %dma_wait3A_256] : memref<10000x128xf32, #tpu.memory_space<vmem_shared>> -> memref<64x128xf32, #tpu.memory_space<vmem_shared>>
        tpu.wait_dma2 semaphore(%run_scoped3A : memref<!tpu.dma_semaphore, #tpu.memory_space<semaphore_mem>>) src(%dma_wait3A_257 : memref<64x128xf32, #tpu.memory_space<vmem_shared>>) dst(%dma_wait3A_255 : memref<64x128xf32, #tpu.memory_space<hbm>>)
        tpu.yield
      }) : () -> ()
    } else {
    }
    %add3A_176 = arith.constant 16 : i32
    %add3A_177 = arith.addi %arg1, %add3A_176 : i32
    %lt3A_178 = arith.constant 156 : i32
    %lt3A_179 = arith.cmpi slt, %add3A_177, %lt3A_178 : i32
    %convert_element_type3A_180 = arith.extui %lt3A_179 : i1 to i32
    %cond3A_181 = arith.constant 0 : i32
    %cond3A_182 = arith.cmpi ne, %convert_element_type3A_180, %cond3A_181 : i32
    scf.if %cond3A_182 {
      %mul3A_244 = arith.constant 64 : i32
      %mul3A_245 = arith.muli %add3A_177, %mul3A_244 : i32
      %mul3A_246 = arith.constant 64 : i32
      %mul3A_247 = arith.muli %add3A_177, %mul3A_246 : i32
      "tpu.region"() ({
        %run_scoped3A = tpu.sem_alloc : memref<!tpu.dma_semaphore, #tpu.memory_space<semaphore_mem>>
        %dma_start3A_248 = arith.constant 0 : i32
        %dma_start3A_249 = tpu.memref_slice %arg7[%arg0, %mul3A_247, %dma_start3A_248] : memref<2x10000x128xf32, #tpu.memory_space<hbm>> -> memref<1x64x128xf32, #tpu.memory_space<hbm>>
        %dma_start3A_250 = tpu.memref_squeeze %dma_start3A_249 : memref<1x64x128xf32, #tpu.memory_space<hbm>> -> memref<64x128xf32, #tpu.memory_space<hbm>>
        %dma_start3A_251 = arith.constant 0 : i32
        %dma_start3A_252 = tpu.memref_slice %arg20[%mul3A_245, %dma_start3A_251] : memref<10000x128xf32, #tpu.memory_space<vmem_shared>> -> memref<64x128xf32, #tpu.memory_space<vmem_shared>>
        tpu.enqueue_dma source(%dma_start3A_252 : memref<64x128xf32, #tpu.memory_space<vmem_shared>>) target(%dma_start3A_250 : memref<64x128xf32, #tpu.memory_space<hbm>>) target_semaphore(%run_scoped3A : memref<!tpu.dma_semaphore, #tpu.memory_space<semaphore_mem>>)
        %dma_wait3A_253 = arith.constant 0 : i32
        %dma_wait3A_254 = tpu.memref_slice %arg7[%arg0, %mul3A_247, %dma_wait3A_253] : memref<2x10000x128xf32, #tpu.memory_space<hbm>> -> memref<1x64x128xf32, #tpu.memory_space<hbm>>
        %dma_wait3A_255 = tpu.memref_squeeze %dma_wait3A_254 : memref<1x64x128xf32, #tpu.memory_space<hbm>> -> memref<64x128xf32, #tpu.memory_space<hbm>>
        %dma_wait3A_256 = arith.constant 0 : i32
        %dma_wait3A_257 = tpu.memref_slice %arg20[%mul3A_245, %dma_wait3A_256] : memref<10000x128xf32, #tpu.memory_space<vmem_shared>> -> memref<64x128xf32, #tpu.memory_space<vmem_shared>>
        tpu.wait_dma2 semaphore(%run_scoped3A : memref<!tpu.dma_semaphore, #tpu.memory_space<semaphore_mem>>) src(%dma_wait3A_257 : memref<64x128xf32, #tpu.memory_space<vmem_shared>>) dst(%dma_wait3A_255 : memref<64x128xf32, #tpu.memory_space<hbm>>)
        tpu.yield
      }) : () -> ()
    } else {
    }
    %add3A_183 = arith.constant 32 : i32
    %add3A_184 = arith.addi %arg1, %add3A_183 : i32
    %lt3A_185 = arith.constant 156 : i32
    %lt3A_186 = arith.cmpi slt, %add3A_184, %lt3A_185 : i32
    %convert_element_type3A_187 = arith.extui %lt3A_186 : i1 to i32
    %cond3A_188 = arith.constant 0 : i32
    %cond3A_189 = arith.cmpi ne, %convert_element_type3A_187, %cond3A_188 : i32
    scf.if %cond3A_189 {
      %mul3A_244 = arith.constant 64 : i32
      %mul3A_245 = arith.muli %add3A_184, %mul3A_244 : i32
      %mul3A_246 = arith.constant 64 : i32
      %mul3A_247 = arith.muli %add3A_184, %mul3A_246 : i32
      "tpu.region"() ({
        %run_scoped3A = tpu.sem_alloc : memref<!tpu.dma_semaphore, #tpu.memory_space<semaphore_mem>>
        %dma_start3A_248 = arith.constant 0 : i32
        %dma_start3A_249 = tpu.memref_slice %arg7[%arg0, %mul3A_247, %dma_start3A_248] : memref<2x10000x128xf32, #tpu.memory_space<hbm>> -> memref<1x64x128xf32, #tpu.memory_space<hbm>>
        %dma_start3A_250 = tpu.memref_squeeze %dma_start3A_249 : memref<1x64x128xf32, #tpu.memory_space<hbm>> -> memref<64x128xf32, #tpu.memory_space<hbm>>
        %dma_start3A_251 = arith.constant 0 : i32
        %dma_start3A_252 = tpu.memref_slice %arg20[%mul3A_245, %dma_start3A_251] : memref<10000x128xf32, #tpu.memory_space<vmem_shared>> -> memref<64x128xf32, #tpu.memory_space<vmem_shared>>
        tpu.enqueue_dma source(%dma_start3A_252 : memref<64x128xf32, #tpu.memory_space<vmem_shared>>) target(%dma_start3A_250 : memref<64x128xf32, #tpu.memory_space<hbm>>) target_semaphore(%run_scoped3A : memref<!tpu.dma_semaphore, #tpu.memory_space<semaphore_mem>>)
        %dma_wait3A_253 = arith.constant 0 : i32
        %dma_wait3A_254 = tpu.memref_slice %arg7[%arg0, %mul3A_247, %dma_wait3A_253] : memref<2x10000x128xf32, #tpu.memory_space<hbm>> -> memref<1x64x128xf32, #tpu.memory_space<hbm>>
        %dma_wait3A_255 = tpu.memref_squeeze %dma_wait3A_254 : memref<1x64x128xf32, #tpu.memory_space<hbm>> -> memref<64x128xf32, #tpu.memory_space<hbm>>
        %dma_wait3A_256 = arith.constant 0 : i32
        %dma_wait3A_257 = tpu.memref_slice %arg20[%mul3A_245, %dma_wait3A_256] : memref<10000x128xf32, #tpu.memory_space<vmem_shared>> -> memref<64x128xf32, #tpu.memory_space<vmem_shared>>
        tpu.wait_dma2 semaphore(%run_scoped3A : memref<!tpu.dma_semaphore, #tpu.memory_space<semaphore_mem>>) src(%dma_wait3A_257 : memref<64x128xf32, #tpu.memory_space<vmem_shared>>) dst(%dma_wait3A_255 : memref<64x128xf32, #tpu.memory_space<hbm>>)
        tpu.yield
      }) : () -> ()
    } else {
    }
    %add3A_190 = arith.constant 48 : i32
    %add3A_191 = arith.addi %arg1, %add3A_190 : i32
    %lt3A_192 = arith.constant 156 : i32
    %lt3A_193 = arith.cmpi slt, %add3A_191, %lt3A_192 : i32
    %convert_element_type3A_194 = arith.extui %lt3A_193 : i1 to i32
    %cond3A_195 = arith.constant 0 : i32
    %cond3A_196 = arith.cmpi ne, %convert_element_type3A_194, %cond3A_195 : i32
    scf.if %cond3A_196 {
      %mul3A_244 = arith.constant 64 : i32
      %mul3A_245 = arith.muli %add3A_191, %mul3A_244 : i32
      %mul3A_246 = arith.constant 64 : i32
      %mul3A_247 = arith.muli %add3A_191, %mul3A_246 : i32
      "tpu.region"() ({
        %run_scoped3A = tpu.sem_alloc : memref<!tpu.dma_semaphore, #tpu.memory_space<semaphore_mem>>
        %dma_start3A_248 = arith.constant 0 : i32
        %dma_start3A_249 = tpu.memref_slice %arg7[%arg0, %mul3A_247, %dma_start3A_248] : memref<2x10000x128xf32, #tpu.memory_space<hbm>> -> memref<1x64x128xf32, #tpu.memory_space<hbm>>
        %dma_start3A_250 = tpu.memref_squeeze %dma_start3A_249 : memref<1x64x128xf32, #tpu.memory_space<hbm>> -> memref<64x128xf32, #tpu.memory_space<hbm>>
        %dma_start3A_251 = arith.constant 0 : i32
        %dma_start3A_252 = tpu.memref_slice %arg20[%mul3A_245, %dma_start3A_251] : memref<10000x128xf32, #tpu.memory_space<vmem_shared>> -> memref<64x128xf32, #tpu.memory_space<vmem_shared>>
        tpu.enqueue_dma source(%dma_start3A_252 : memref<64x128xf32, #tpu.memory_space<vmem_shared>>) target(%dma_start3A_250 : memref<64x128xf32, #tpu.memory_space<hbm>>) target_semaphore(%run_scoped3A : memref<!tpu.dma_semaphore, #tpu.memory_space<semaphore_mem>>)
        %dma_wait3A_253 = arith.constant 0 : i32
        %dma_wait3A_254 = tpu.memref_slice %arg7[%arg0, %mul3A_247, %dma_wait3A_253] : memref<2x10000x128xf32, #tpu.memory_space<hbm>> -> memref<1x64x128xf32, #tpu.memory_space<hbm>>
        %dma_wait3A_255 = tpu.memref_squeeze %dma_wait3A_254 : memref<1x64x128xf32, #tpu.memory_space<hbm>> -> memref<64x128xf32, #tpu.memory_space<hbm>>
        %dma_wait3A_256 = arith.constant 0 : i32
        %dma_wait3A_257 = tpu.memref_slice %arg20[%mul3A_245, %dma_wait3A_256] : memref<10000x128xf32, #tpu.memory_space<vmem_shared>> -> memref<64x128xf32, #tpu.memory_space<vmem_shared>>
        tpu.wait_dma2 semaphore(%run_scoped3A : memref<!tpu.dma_semaphore, #tpu.memory_space<semaphore_mem>>) src(%dma_wait3A_257 : memref<64x128xf32, #tpu.memory_space<vmem_shared>>) dst(%dma_wait3A_255 : memref<64x128xf32, #tpu.memory_space<hbm>>)
        tpu.yield
      }) : () -> ()
    } else {
    }
    %add3A_197 = arith.constant 64 : i32
    %add3A_198 = arith.addi %arg1, %add3A_197 : i32
    %lt3A_199 = arith.constant 156 : i32
    %lt3A_200 = arith.cmpi slt, %add3A_198, %lt3A_199 : i32
    %convert_element_type3A_201 = arith.extui %lt3A_200 : i1 to i32
    %cond3A_202 = arith.constant 0 : i32
    %cond3A_203 = arith.cmpi ne, %convert_element_type3A_201, %cond3A_202 : i32
    scf.if %cond3A_203 {
      %mul3A_244 = arith.constant 64 : i32
      %mul3A_245 = arith.muli %add3A_198, %mul3A_244 : i32
      %mul3A_246 = arith.constant 64 : i32
      %mul3A_247 = arith.muli %add3A_198, %mul3A_246 : i32
      "tpu.region"() ({
        %run_scoped3A = tpu.sem_alloc : memref<!tpu.dma_semaphore, #tpu.memory_space<semaphore_mem>>
        %dma_start3A_248 = arith.constant 0 : i32
        %dma_start3A_249 = tpu.memref_slice %arg7[%arg0, %mul3A_247, %dma_start3A_248] : memref<2x10000x128xf32, #tpu.memory_space<hbm>> -> memref<1x64x128xf32, #tpu.memory_space<hbm>>
        %dma_start3A_250 = tpu.memref_squeeze %dma_start3A_249 : memref<1x64x128xf32, #tpu.memory_space<hbm>> -> memref<64x128xf32, #tpu.memory_space<hbm>>
        %dma_start3A_251 = arith.constant 0 : i32
        %dma_start3A_252 = tpu.memref_slice %arg20[%mul3A_245, %dma_start3A_251] : memref<10000x128xf32, #tpu.memory_space<vmem_shared>> -> memref<64x128xf32, #tpu.memory_space<vmem_shared>>
        tpu.enqueue_dma source(%dma_start3A_252 : memref<64x128xf32, #tpu.memory_space<vmem_shared>>) target(%dma_start3A_250 : memref<64x128xf32, #tpu.memory_space<hbm>>) target_semaphore(%run_scoped3A : memref<!tpu.dma_semaphore, #tpu.memory_space<semaphore_mem>>)
        %dma_wait3A_253 = arith.constant 0 : i32
        %dma_wait3A_254 = tpu.memref_slice %arg7[%arg0, %mul3A_247, %dma_wait3A_253] : memref<2x10000x128xf32, #tpu.memory_space<hbm>> -> memref<1x64x128xf32, #tpu.memory_space<hbm>>
        %dma_wait3A_255 = tpu.memref_squeeze %dma_wait3A_254 : memref<1x64x128xf32, #tpu.memory_space<hbm>> -> memref<64x128xf32, #tpu.memory_space<hbm>>
        %dma_wait3A_256 = arith.constant 0 : i32
        %dma_wait3A_257 = tpu.memref_slice %arg20[%mul3A_245, %dma_wait3A_256] : memref<10000x128xf32, #tpu.memory_space<vmem_shared>> -> memref<64x128xf32, #tpu.memory_space<vmem_shared>>
        tpu.wait_dma2 semaphore(%run_scoped3A : memref<!tpu.dma_semaphore, #tpu.memory_space<semaphore_mem>>) src(%dma_wait3A_257 : memref<64x128xf32, #tpu.memory_space<vmem_shared>>) dst(%dma_wait3A_255 : memref<64x128xf32, #tpu.memory_space<hbm>>)
        tpu.yield
      }) : () -> ()
    } else {
    }
    %add3A_204 = arith.constant 80 : i32
    %add3A_205 = arith.addi %arg1, %add3A_204 : i32
    %lt3A_206 = arith.constant 156 : i32
    %lt3A_207 = arith.cmpi slt, %add3A_205, %lt3A_206 : i32
    %convert_element_type3A_208 = arith.extui %lt3A_207 : i1 to i32
    %cond3A_209 = arith.constant 0 : i32
    %cond3A_210 = arith.cmpi ne, %convert_element_type3A_208, %cond3A_209 : i32
    scf.if %cond3A_210 {
      %mul3A_244 = arith.constant 64 : i32
      %mul3A_245 = arith.muli %add3A_205, %mul3A_244 : i32
      %mul3A_246 = arith.constant 64 : i32
      %mul3A_247 = arith.muli %add3A_205, %mul3A_246 : i32
      "tpu.region"() ({
        %run_scoped3A = tpu.sem_alloc : memref<!tpu.dma_semaphore, #tpu.memory_space<semaphore_mem>>
        %dma_start3A_248 = arith.constant 0 : i32
        %dma_start3A_249 = tpu.memref_slice %arg7[%arg0, %mul3A_247, %dma_start3A_248] : memref<2x10000x128xf32, #tpu.memory_space<hbm>> -> memref<1x64x128xf32, #tpu.memory_space<hbm>>
        %dma_start3A_250 = tpu.memref_squeeze %dma_start3A_249 : memref<1x64x128xf32, #tpu.memory_space<hbm>> -> memref<64x128xf32, #tpu.memory_space<hbm>>
        %dma_start3A_251 = arith.constant 0 : i32
        %dma_start3A_252 = tpu.memref_slice %arg20[%mul3A_245, %dma_start3A_251] : memref<10000x128xf32, #tpu.memory_space<vmem_shared>> -> memref<64x128xf32, #tpu.memory_space<vmem_shared>>
        tpu.enqueue_dma source(%dma_start3A_252 : memref<64x128xf32, #tpu.memory_space<vmem_shared>>) target(%dma_start3A_250 : memref<64x128xf32, #tpu.memory_space<hbm>>) target_semaphore(%run_scoped3A : memref<!tpu.dma_semaphore, #tpu.memory_space<semaphore_mem>>)
        %dma_wait3A_253 = arith.constant 0 : i32
        %dma_wait3A_254 = tpu.memref_slice %arg7[%arg0, %mul3A_247, %dma_wait3A_253] : memref<2x10000x128xf32, #tpu.memory_space<hbm>> -> memref<1x64x128xf32, #tpu.memory_space<hbm>>
        %dma_wait3A_255 = tpu.memref_squeeze %dma_wait3A_254 : memref<1x64x128xf32, #tpu.memory_space<hbm>> -> memref<64x128xf32, #tpu.memory_space<hbm>>
        %dma_wait3A_256 = arith.constant 0 : i32
        %dma_wait3A_257 = tpu.memref_slice %arg20[%mul3A_245, %dma_wait3A_256] : memref<10000x128xf32, #tpu.memory_space<vmem_shared>> -> memref<64x128xf32, #tpu.memory_space<vmem_shared>>
        tpu.wait_dma2 semaphore(%run_scoped3A : memref<!tpu.dma_semaphore, #tpu.memory_space<semaphore_mem>>) src(%dma_wait3A_257 : memref<64x128xf32, #tpu.memory_space<vmem_shared>>) dst(%dma_wait3A_255 : memref<64x128xf32, #tpu.memory_space<hbm>>)
        tpu.yield
      }) : () -> ()
    } else {
    }
    %add3A_211 = arith.constant 96 : i32
    %add3A_212 = arith.addi %arg1, %add3A_211 : i32
    %lt3A_213 = arith.constant 156 : i32
    %lt3A_214 = arith.cmpi slt, %add3A_212, %lt3A_213 : i32
    %convert_element_type3A_215 = arith.extui %lt3A_214 : i1 to i32
    %cond3A_216 = arith.constant 0 : i32
    %cond3A_217 = arith.cmpi ne, %convert_element_type3A_215, %cond3A_216 : i32
    scf.if %cond3A_217 {
      %mul3A_244 = arith.constant 64 : i32
      %mul3A_245 = arith.muli %add3A_212, %mul3A_244 : i32
      %mul3A_246 = arith.constant 64 : i32
      %mul3A_247 = arith.muli %add3A_212, %mul3A_246 : i32
      "tpu.region"() ({
        %run_scoped3A = tpu.sem_alloc : memref<!tpu.dma_semaphore, #tpu.memory_space<semaphore_mem>>
        %dma_start3A_248 = arith.constant 0 : i32
        %dma_start3A_249 = tpu.memref_slice %arg7[%arg0, %mul3A_247, %dma_start3A_248] : memref<2x10000x128xf32, #tpu.memory_space<hbm>> -> memref<1x64x128xf32, #tpu.memory_space<hbm>>
        %dma_start3A_250 = tpu.memref_squeeze %dma_start3A_249 : memref<1x64x128xf32, #tpu.memory_space<hbm>> -> memref<64x128xf32, #tpu.memory_space<hbm>>
        %dma_start3A_251 = arith.constant 0 : i32
        %dma_start3A_252 = tpu.memref_slice %arg20[%mul3A_245, %dma_start3A_251] : memref<10000x128xf32, #tpu.memory_space<vmem_shared>> -> memref<64x128xf32, #tpu.memory_space<vmem_shared>>
        tpu.enqueue_dma source(%dma_start3A_252 : memref<64x128xf32, #tpu.memory_space<vmem_shared>>) target(%dma_start3A_250 : memref<64x128xf32, #tpu.memory_space<hbm>>) target_semaphore(%run_scoped3A : memref<!tpu.dma_semaphore, #tpu.memory_space<semaphore_mem>>)
        %dma_wait3A_253 = arith.constant 0 : i32
        %dma_wait3A_254 = tpu.memref_slice %arg7[%arg0, %mul3A_247, %dma_wait3A_253] : memref<2x10000x128xf32, #tpu.memory_space<hbm>> -> memref<1x64x128xf32, #tpu.memory_space<hbm>>
        %dma_wait3A_255 = tpu.memref_squeeze %dma_wait3A_254 : memref<1x64x128xf32, #tpu.memory_space<hbm>> -> memref<64x128xf32, #tpu.memory_space<hbm>>
        %dma_wait3A_256 = arith.constant 0 : i32
        %dma_wait3A_257 = tpu.memref_slice %arg20[%mul3A_245, %dma_wait3A_256] : memref<10000x128xf32, #tpu.memory_space<vmem_shared>> -> memref<64x128xf32, #tpu.memory_space<vmem_shared>>
        tpu.wait_dma2 semaphore(%run_scoped3A : memref<!tpu.dma_semaphore, #tpu.memory_space<semaphore_mem>>) src(%dma_wait3A_257 : memref<64x128xf32, #tpu.memory_space<vmem_shared>>) dst(%dma_wait3A_255 : memref<64x128xf32, #tpu.memory_space<hbm>>)
        tpu.yield
      }) : () -> ()
    } else {
    }
    %add3A_218 = arith.constant 112 : i32
    %add3A_219 = arith.addi %arg1, %add3A_218 : i32
    %lt3A_220 = arith.constant 156 : i32
    %lt3A_221 = arith.cmpi slt, %add3A_219, %lt3A_220 : i32
    %convert_element_type3A_222 = arith.extui %lt3A_221 : i1 to i32
    %cond3A_223 = arith.constant 0 : i32
    %cond3A_224 = arith.cmpi ne, %convert_element_type3A_222, %cond3A_223 : i32
    scf.if %cond3A_224 {
      %mul3A_244 = arith.constant 64 : i32
      %mul3A_245 = arith.muli %add3A_219, %mul3A_244 : i32
      %mul3A_246 = arith.constant 64 : i32
      %mul3A_247 = arith.muli %add3A_219, %mul3A_246 : i32
      "tpu.region"() ({
        %run_scoped3A = tpu.sem_alloc : memref<!tpu.dma_semaphore, #tpu.memory_space<semaphore_mem>>
        %dma_start3A_248 = arith.constant 0 : i32
        %dma_start3A_249 = tpu.memref_slice %arg7[%arg0, %mul3A_247, %dma_start3A_248] : memref<2x10000x128xf32, #tpu.memory_space<hbm>> -> memref<1x64x128xf32, #tpu.memory_space<hbm>>
        %dma_start3A_250 = tpu.memref_squeeze %dma_start3A_249 : memref<1x64x128xf32, #tpu.memory_space<hbm>> -> memref<64x128xf32, #tpu.memory_space<hbm>>
        %dma_start3A_251 = arith.constant 0 : i32
        %dma_start3A_252 = tpu.memref_slice %arg20[%mul3A_245, %dma_start3A_251] : memref<10000x128xf32, #tpu.memory_space<vmem_shared>> -> memref<64x128xf32, #tpu.memory_space<vmem_shared>>
        tpu.enqueue_dma source(%dma_start3A_252 : memref<64x128xf32, #tpu.memory_space<vmem_shared>>) target(%dma_start3A_250 : memref<64x128xf32, #tpu.memory_space<hbm>>) target_semaphore(%run_scoped3A : memref<!tpu.dma_semaphore, #tpu.memory_space<semaphore_mem>>)
        %dma_wait3A_253 = arith.constant 0 : i32
        %dma_wait3A_254 = tpu.memref_slice %arg7[%arg0, %mul3A_247, %dma_wait3A_253] : memref<2x10000x128xf32, #tpu.memory_space<hbm>> -> memref<1x64x128xf32, #tpu.memory_space<hbm>>
        %dma_wait3A_255 = tpu.memref_squeeze %dma_wait3A_254 : memref<1x64x128xf32, #tpu.memory_space<hbm>> -> memref<64x128xf32, #tpu.memory_space<hbm>>
        %dma_wait3A_256 = arith.constant 0 : i32
        %dma_wait3A_257 = tpu.memref_slice %arg20[%mul3A_245, %dma_wait3A_256] : memref<10000x128xf32, #tpu.memory_space<vmem_shared>> -> memref<64x128xf32, #tpu.memory_space<vmem_shared>>
        tpu.wait_dma2 semaphore(%run_scoped3A : memref<!tpu.dma_semaphore, #tpu.memory_space<semaphore_mem>>) src(%dma_wait3A_257 : memref<64x128xf32, #tpu.memory_space<vmem_shared>>) dst(%dma_wait3A_255 : memref<64x128xf32, #tpu.memory_space<hbm>>)
        tpu.yield
      }) : () -> ()
    } else {
    }
    %add3A_225 = arith.constant 128 : i32
    %add3A_226 = arith.addi %arg1, %add3A_225 : i32
    %lt3A_227 = arith.constant 156 : i32
    %lt3A_228 = arith.cmpi slt, %add3A_226, %lt3A_227 : i32
    %convert_element_type3A_229 = arith.extui %lt3A_228 : i1 to i32
    %cond3A_230 = arith.constant 0 : i32
    %cond3A_231 = arith.cmpi ne, %convert_element_type3A_229, %cond3A_230 : i32
    scf.if %cond3A_231 {
      %mul3A_244 = arith.constant 64 : i32
      %mul3A_245 = arith.muli %add3A_226, %mul3A_244 : i32
      %mul3A_246 = arith.constant 64 : i32
      %mul3A_247 = arith.muli %add3A_226, %mul3A_246 : i32
      "tpu.region"() ({
        %run_scoped3A = tpu.sem_alloc : memref<!tpu.dma_semaphore, #tpu.memory_space<semaphore_mem>>
        %dma_start3A_248 = arith.constant 0 : i32
        %dma_start3A_249 = tpu.memref_slice %arg7[%arg0, %mul3A_247, %dma_start3A_248] : memref<2x10000x128xf32, #tpu.memory_space<hbm>> -> memref<1x64x128xf32, #tpu.memory_space<hbm>>
        %dma_start3A_250 = tpu.memref_squeeze %dma_start3A_249 : memref<1x64x128xf32, #tpu.memory_space<hbm>> -> memref<64x128xf32, #tpu.memory_space<hbm>>
        %dma_start3A_251 = arith.constant 0 : i32
        %dma_start3A_252 = tpu.memref_slice %arg20[%mul3A_245, %dma_start3A_251] : memref<10000x128xf32, #tpu.memory_space<vmem_shared>> -> memref<64x128xf32, #tpu.memory_space<vmem_shared>>
        tpu.enqueue_dma source(%dma_start3A_252 : memref<64x128xf32, #tpu.memory_space<vmem_shared>>) target(%dma_start3A_250 : memref<64x128xf32, #tpu.memory_space<hbm>>) target_semaphore(%run_scoped3A : memref<!tpu.dma_semaphore, #tpu.memory_space<semaphore_mem>>)
        %dma_wait3A_253 = arith.constant 0 : i32
        %dma_wait3A_254 = tpu.memref_slice %arg7[%arg0, %mul3A_247, %dma_wait3A_253] : memref<2x10000x128xf32, #tpu.memory_space<hbm>> -> memref<1x64x128xf32, #tpu.memory_space<hbm>>
        %dma_wait3A_255 = tpu.memref_squeeze %dma_wait3A_254 : memref<1x64x128xf32, #tpu.memory_space<hbm>> -> memref<64x128xf32, #tpu.memory_space<hbm>>
        %dma_wait3A_256 = arith.constant 0 : i32
        %dma_wait3A_257 = tpu.memref_slice %arg20[%mul3A_245, %dma_wait3A_256] : memref<10000x128xf32, #tpu.memory_space<vmem_shared>> -> memref<64x128xf32, #tpu.memory_space<vmem_shared>>
        tpu.wait_dma2 semaphore(%run_scoped3A : memref<!tpu.dma_semaphore, #tpu.memory_space<semaphore_mem>>) src(%dma_wait3A_257 : memref<64x128xf32, #tpu.memory_space<vmem_shared>>) dst(%dma_wait3A_255 : memref<64x128xf32, #tpu.memory_space<hbm>>)
        tpu.yield
      }) : () -> ()
    } else {
    }
    %add3A_232 = arith.constant 144 : i32
    %add3A_233 = arith.addi %arg1, %add3A_232 : i32
    %lt3A_234 = arith.constant 156 : i32
    %lt3A_235 = arith.cmpi slt, %add3A_233, %lt3A_234 : i32
    %convert_element_type3A_236 = arith.extui %lt3A_235 : i1 to i32
    %cond3A_237 = arith.constant 0 : i32
    %cond3A_238 = arith.cmpi ne, %convert_element_type3A_236, %cond3A_237 : i32
    scf.if %cond3A_238 {
      %mul3A_244 = arith.constant 64 : i32
      %mul3A_245 = arith.muli %add3A_233, %mul3A_244 : i32
      %mul3A_246 = arith.constant 64 : i32
      %mul3A_247 = arith.muli %add3A_233, %mul3A_246 : i32
      "tpu.region"() ({
        %run_scoped3A = tpu.sem_alloc : memref<!tpu.dma_semaphore, #tpu.memory_space<semaphore_mem>>
        %dma_start3A_248 = arith.constant 0 : i32
        %dma_start3A_249 = tpu.memref_slice %arg7[%arg0, %mul3A_247, %dma_start3A_248] : memref<2x10000x128xf32, #tpu.memory_space<hbm>> -> memref<1x64x128xf32, #tpu.memory_space<hbm>>
        %dma_start3A_250 = tpu.memref_squeeze %dma_start3A_249 : memref<1x64x128xf32, #tpu.memory_space<hbm>> -> memref<64x128xf32, #tpu.memory_space<hbm>>
        %dma_start3A_251 = arith.constant 0 : i32
        %dma_start3A_252 = tpu.memref_slice %arg20[%mul3A_245, %dma_start3A_251] : memref<10000x128xf32, #tpu.memory_space<vmem_shared>> -> memref<64x128xf32, #tpu.memory_space<vmem_shared>>
        tpu.enqueue_dma source(%dma_start3A_252 : memref<64x128xf32, #tpu.memory_space<vmem_shared>>) target(%dma_start3A_250 : memref<64x128xf32, #tpu.memory_space<hbm>>) target_semaphore(%run_scoped3A : memref<!tpu.dma_semaphore, #tpu.memory_space<semaphore_mem>>)
        %dma_wait3A_253 = arith.constant 0 : i32
        %dma_wait3A_254 = tpu.memref_slice %arg7[%arg0, %mul3A_247, %dma_wait3A_253] : memref<2x10000x128xf32, #tpu.memory_space<hbm>> -> memref<1x64x128xf32, #tpu.memory_space<hbm>>
        %dma_wait3A_255 = tpu.memref_squeeze %dma_wait3A_254 : memref<1x64x128xf32, #tpu.memory_space<hbm>> -> memref<64x128xf32, #tpu.memory_space<hbm>>
        %dma_wait3A_256 = arith.constant 0 : i32
        %dma_wait3A_257 = tpu.memref_slice %arg20[%mul3A_245, %dma_wait3A_256] : memref<10000x128xf32, #tpu.memory_space<vmem_shared>> -> memref<64x128xf32, #tpu.memory_space<vmem_shared>>
        tpu.wait_dma2 semaphore(%run_scoped3A : memref<!tpu.dma_semaphore, #tpu.memory_space<semaphore_mem>>) src(%dma_wait3A_257 : memref<64x128xf32, #tpu.memory_space<vmem_shared>>) dst(%dma_wait3A_255 : memref<64x128xf32, #tpu.memory_space<hbm>>)
        tpu.yield
      }) : () -> ()
    } else {
    }
    %eq3A_239 = arith.constant 0 : i32
    %eq3A_240 = arith.cmpi eq, %arg1, %eq3A_239 : i32
    %convert_element_type3A_241 = arith.extui %eq3A_240 : i1 to i32
    %cond3A_242 = arith.constant 0 : i32
    %cond3A_243 = arith.cmpi ne, %convert_element_type3A_241, %cond3A_242 : i32
    scf.if %cond3A_243 {
      "tpu.region"() ({
        %run_scoped3A = tpu.sem_alloc : memref<!tpu.dma_semaphore, #tpu.memory_space<semaphore_mem>>
        %dma_start3A_244 = arith.constant 9984 : i32
        %dma_start3A_245 = arith.constant 0 : i32
        %dma_start3A_246 = tpu.memref_slice %arg7[%arg0, %dma_start3A_244, %dma_start3A_245] : memref<2x10000x128xf32, #tpu.memory_space<hbm>> -> memref<1x16x128xf32, #tpu.memory_space<hbm>>
        %dma_start3A_247 = tpu.memref_squeeze %dma_start3A_246 : memref<1x16x128xf32, #tpu.memory_space<hbm>> -> memref<16x128xf32, #tpu.memory_space<hbm>>
        %dma_start3A_248 = arith.constant 9984 : i32
        %dma_start3A_249 = arith.constant 0 : i32
        %dma_start3A_250 = tpu.memref_slice %arg20[%dma_start3A_248, %dma_start3A_249] : memref<10000x128xf32, #tpu.memory_space<vmem_shared>> -> memref<16x128xf32, #tpu.memory_space<vmem_shared>>
        tpu.enqueue_dma source(%dma_start3A_250 : memref<16x128xf32, #tpu.memory_space<vmem_shared>>) target(%dma_start3A_247 : memref<16x128xf32, #tpu.memory_space<hbm>>) target_semaphore(%run_scoped3A : memref<!tpu.dma_semaphore, #tpu.memory_space<semaphore_mem>>)
        %dma_wait3A_251 = arith.constant 9984 : i32
        %dma_wait3A_252 = arith.constant 0 : i32
        %dma_wait3A_253 = tpu.memref_slice %arg7[%arg0, %dma_wait3A_251, %dma_wait3A_252] : memref<2x10000x128xf32, #tpu.memory_space<hbm>> -> memref<1x16x128xf32, #tpu.memory_space<hbm>>
        %dma_wait3A_254 = tpu.memref_squeeze %dma_wait3A_253 : memref<1x16x128xf32, #tpu.memory_space<hbm>> -> memref<16x128xf32, #tpu.memory_space<hbm>>
        %dma_wait3A_255 = arith.constant 9984 : i32
        %dma_wait3A_256 = arith.constant 0 : i32
        %dma_wait3A_257 = tpu.memref_slice %arg20[%dma_wait3A_255, %dma_wait3A_256] : memref<10000x128xf32, #tpu.memory_space<vmem_shared>> -> memref<16x128xf32, #tpu.memory_space<vmem_shared>>
        tpu.wait_dma2 semaphore(%run_scoped3A : memref<!tpu.dma_semaphore, #tpu.memory_space<semaphore_mem>>) src(%dma_wait3A_257 : memref<16x128xf32, #tpu.memory_space<vmem_shared>>) dst(%dma_wait3A_254 : memref<16x128xf32, #tpu.memory_space<hbm>>)
        tpu.yield
      }) : () -> ()
    } else {
    }
    return
  }
}

module attributes {stable_mosaic.version = 14 : i64} {
  func.func @_tc_edgefeat(%arg0: i32, %arg1: memref<16x6400xf32, #tpu.memory_space<vmem>>, %arg2: memref<16x128xf32, #tpu.memory_space<vmem>>, %arg3: memref<6400x128xf32, #tpu.memory_space<vmem>>) attributes {dimension_semantics = [#tpu.dimension_semantics<arbitrary>], iteration_bounds = array<i64: 50>, scalar_prefetch = 0 : i64, scratch_operands = 0 : i64, tpu.core_type = #tpu.core_type<tc>, window_params = [{transform_indices = @transform_0, window_bounds = array<i64: 16, 6400>}, {pipeline_mode = #tpu.pipeline_mode<synchronous>, transform_indices = @transform_1, window_bounds = array<i64: 16, 128>}, {transform_indices = @transform_2, window_bounds = array<i64: 6400, 128>}]} {
    %get3A = arith.constant 0 : index
    %get3A_0 = arith.constant 0 : index
    %get3A_1 = vector.load %arg1[%get3A, %get3A_0] : memref<16x6400xf32, #tpu.memory_space<vmem>>, vector<16x6400xf32>
    %get3A_2 = arith.constant 0 : index
    %get3A_3 = arith.constant 0 : index
    %get3A_4 = vector.load %arg2[%get3A_2, %get3A_3] : memref<16x128xf32, #tpu.memory_space<vmem>>, vector<16x128xf32>
    %dot_general3A = arith.constant dense<0.000000e+00> : vector<6400x128xf32>
    %dot_general3A_5 = tpu.matmul %get3A_1, %get3A_4, %dot_general3A {dimension_numbers = #tpu.dot_dimension_numbers<[0], [0], [1], [1], [0, 1, 1, 1], [], []>, transpose_lhs_hint = false} : vector<16x6400xf32>, vector<16x128xf32>, vector<6400x128xf32> -> vector<6400x128xf32>
    %swap3A = arith.constant 0 : index
    %swap3A_6 = arith.constant 0 : index
    %swap3A_7 = vector.load %arg3[%swap3A, %swap3A_6] : memref<6400x128xf32, #tpu.memory_space<vmem>>, vector<6400x128xf32>
    tpu.vector_store %arg3[%swap3A, %swap3A_6], %dot_general3A_5 {strides = array<i32>} : memref<6400x128xf32, #tpu.memory_space<vmem>>, vector<6400x128xf32>,
    return
  }
  func.func @transform_0(%arg0: i32) -> (i32, i32) {
    %c0_i32 = arith.constant 0 : i32
    %c0_i32_0 = arith.constant 0 : i32
    return %c0_i32, %arg0 : i32, i32
  }
  func.func @transform_1(%arg0: i32) -> (i32, i32) {
    %c0_i32 = arith.constant 0 : i32
    %c0_i32_0 = arith.constant 0 : i32
    %c0_i32_1 = arith.constant 0 : i32
    return %c0_i32, %c0_i32_0 : i32, i32
  }
  func.func @transform_2(%arg0: i32) -> (i32, i32) {
    %c0_i32 = arith.constant 0 : i32
    %c0_i32_0 = arith.constant 0 : i32
    return %arg0, %c0_i32 : i32, i32
  }
}

module attributes {stable_mosaic.version = 14 : i64} {
  func.func @_tc_nodes(%arg0: i32, %arg1: memref<1000x8xf32, #tpu.memory_space<vmem>>, %arg2: memref<8x128xf32, #tpu.memory_space<vmem>>, %arg3: memref<1x128xf32, #tpu.memory_space<vmem>>, %arg4: memref<128x128xf32, #tpu.memory_space<vmem>>, %arg5: memref<128x128xf32, #tpu.memory_space<vmem>>, %arg6: memref<1x128xf32, #tpu.memory_space<vmem>>, %arg7: memref<1000x128xf32, #tpu.memory_space<vmem>>, %arg8: memref<1000x128xf32, #tpu.memory_space<vmem>>, %arg9: memref<1000x128xf32, #tpu.memory_space<vmem>>) attributes {dimension_semantics = [#tpu.dimension_semantics<arbitrary>], iteration_bounds = array<i64: 10>, scalar_prefetch = 0 : i64, scratch_operands = 0 : i64, tpu.core_type = #tpu.core_type<tc>, window_params = [{transform_indices = @transform_0, window_bounds = array<i64: 1000, 8>}, {pipeline_mode = #tpu.pipeline_mode<synchronous>, transform_indices = @transform_1, window_bounds = array<i64: 8, 128>}, {pipeline_mode = #tpu.pipeline_mode<synchronous>, transform_indices = @transform_2, window_bounds = array<i64: 1, 128>}, {pipeline_mode = #tpu.pipeline_mode<synchronous>, transform_indices = @transform_3, window_bounds = array<i64: 128, 128>}, {pipeline_mode = #tpu.pipeline_mode<synchronous>, transform_indices = @transform_4, window_bounds = array<i64: 128, 128>}, {pipeline_mode = #tpu.pipeline_mode<synchronous>, transform_indices = @transform_5, window_bounds = array<i64: 1, 128>}, {transform_indices = @transform_6, window_bounds = array<i64: 1000, 128>}, {transform_indices = @transform_7, window_bounds = array<i64: 1000, 128>}, {transform_indices = @transform_8, window_bounds = array<i64: 1000, 128>}]} {
    %get3A = arith.constant 0 : index
    %get3A_0 = arith.constant 0 : index
    %get3A_1 = vector.load %arg1[%get3A, %get3A_0] : memref<1000x8xf32, #tpu.memory_space<vmem>>, vector<1000x8xf32>
    %get3A_2 = arith.constant 0 : index
    %get3A_3 = arith.constant 0 : index
    %get3A_4 = vector.load %arg2[%get3A_2, %get3A_3] : memref<8x128xf32, #tpu.memory_space<vmem>>, vector<8x128xf32>
    %dot_general3A = arith.constant dense<0.000000e+00> : vector<1000x128xf32>
    %dot_general3A_5 = tpu.matmul %get3A_1, %get3A_4, %dot_general3A {dimension_numbers = #tpu.dot_dimension_numbers<[1], [0], [0], [1], [0, 0, 1, 1], [], []>, transpose_lhs_hint = false} : vector<1000x8xf32>, vector<8x128xf32>, vector<1000x128xf32> -> vector<1000x128xf32>
    %get3A_6 = arith.constant 0 : index
    %get3A_7 = arith.constant 0 : index
    %get3A_8 = vector.load %arg3[%get3A_6, %get3A_7] : memref<1x128xf32, #tpu.memory_space<vmem>>, vector<1x128xf32>
    %add3A = vector.broadcast %get3A_8 : vector<1x128xf32> to vector<1000x128xf32>
    %add3A_9 = arith.addf %dot_general3A_5, %add3A : vector<1000x128xf32>
    %max3A = arith.constant 0.000000e+00 : f32
    %max3A_10 = vector.broadcast %max3A : f32 to vector<1000x128xf32>
    %max3A_11 = arith.maximumf %add3A_9, %max3A_10 : vector<1000x128xf32>
    %swap3A = arith.constant 0 : index
    %swap3A_12 = arith.constant 0 : index
    %swap3A_13 = vector.load %arg7[%swap3A, %swap3A_12] : memref<1000x128xf32, #tpu.memory_space<vmem>>, vector<1000x128xf32>
    tpu.vector_store %arg7[%swap3A, %swap3A_12], %max3A_11 {strides = array<i32>} : memref<1000x128xf32, #tpu.memory_space<vmem>>, vector<1000x128xf32>,
    %get3A_14 = arith.constant 0 : index
    %get3A_15 = arith.constant 0 : index
    %get3A_16 = vector.load %arg4[%get3A_14, %get3A_15] : memref<128x128xf32, #tpu.memory_space<vmem>>, vector<128x128xf32>
    %dot_general3A_17 = arith.constant dense<0.000000e+00> : vector<1000x128xf32>
    %dot_general3A_18 = tpu.matmul %max3A_11, %get3A_16, %dot_general3A_17 {dimension_numbers = #tpu.dot_dimension_numbers<[1], [0], [0], [1], [0, 0, 1, 1], [], []>, transpose_lhs_hint = false} : vector<1000x128xf32>, vector<128x128xf32>, vector<1000x128xf32> -> vector<1000x128xf32>
    %swap3A_19 = arith.constant 0 : index
    %swap3A_20 = arith.constant 0 : index
    %swap3A_21 = vector.load %arg8[%swap3A_19, %swap3A_20] : memref<1000x128xf32, #tpu.memory_space<vmem>>, vector<1000x128xf32>
    tpu.vector_store %arg8[%swap3A_19, %swap3A_20], %dot_general3A_18 {strides = array<i32>} : memref<1000x128xf32, #tpu.memory_space<vmem>>, vector<1000x128xf32>,
    %get3A_22 = arith.constant 0 : index
    %get3A_23 = arith.constant 0 : index
    %get3A_24 = vector.load %arg5[%get3A_22, %get3A_23] : memref<128x128xf32, #tpu.memory_space<vmem>>, vector<128x128xf32>
    %dot_general3A_25 = arith.constant dense<0.000000e+00> : vector<1000x128xf32>
    %dot_general3A_26 = tpu.matmul %max3A_11, %get3A_24, %dot_general3A_25 {dimension_numbers = #tpu.dot_dimension_numbers<[1], [0], [0], [1], [0, 0, 1, 1], [], []>, transpose_lhs_hint = false} : vector<1000x128xf32>, vector<128x128xf32>, vector<1000x128xf32> -> vector<1000x128xf32>
    %get3A_27 = arith.constant 0 : index
    %get3A_28 = arith.constant 0 : index
    %get3A_29 = vector.load %arg6[%get3A_27, %get3A_28] : memref<1x128xf32, #tpu.memory_space<vmem>>, vector<1x128xf32>
    %add3A_30 = vector.broadcast %get3A_29 : vector<1x128xf32> to vector<1000x128xf32>
    %add3A_31 = arith.addf %dot_general3A_26, %add3A_30 : vector<1000x128xf32>
    %swap3A_32 = arith.constant 0 : index
    %swap3A_33 = arith.constant 0 : index
    %swap3A_34 = vector.load %arg9[%swap3A_32, %swap3A_33] : memref<1000x128xf32, #tpu.memory_space<vmem>>, vector<1000x128xf32>
    tpu.vector_store %arg9[%swap3A_32, %swap3A_33], %add3A_31 {strides = array<i32>} : memref<1000x128xf32, #tpu.memory_space<vmem>>, vector<1000x128xf32>,
    return
  }
  func.func @transform_0(%arg0: i32) -> (i32, i32) {
    %c0_i32 = arith.constant 0 : i32
    %c0_i32_0 = arith.constant 0 : i32
    return %arg0, %c0_i32 : i32, i32
  }
  func.func @transform_1(%arg0: i32) -> (i32, i32) {
    %c0_i32 = arith.constant 0 : i32
    %c0_i32_0 = arith.constant 0 : i32
    %c0_i32_1 = arith.constant 0 : i32
    return %c0_i32, %c0_i32_0 : i32, i32
  }
  func.func @transform_2(%arg0: i32) -> (i32, i32) {
    %c0_i32 = arith.constant 0 : i32
    %c0_i32_0 = arith.constant 0 : i32
    %c0_i32_1 = arith.constant 0 : i32
    return %c0_i32, %c0_i32_0 : i32, i32
  }
  func.func @transform_3(%arg0: i32) -> (i32, i32) {
    %c0_i32 = arith.constant 0 : i32
    %c0_i32_0 = arith.constant 0 : i32
    %c0_i32_1 = arith.constant 0 : i32
    return %c0_i32, %c0_i32_0 : i32, i32
  }
  func.func @transform_4(%arg0: i32) -> (i32, i32) {
    %c0_i32 = arith.constant 0 : i32
    %c0_i32_0 = arith.constant 0 : i32
    %c0_i32_1 = arith.constant 0 : i32
    return %c0_i32, %c0_i32_0 : i32, i32
  }
  func.func @transform_5(%arg0: i32) -> (i32, i32) {
    %c0_i32 = arith.constant 0 : i32
    %c0_i32_0 = arith.constant 0 : i32
    %c0_i32_1 = arith.constant 0 : i32
    return %c0_i32, %c0_i32_0 : i32, i32
  }
  func.func @transform_6(%arg0: i32) -> (i32, i32) {
    %c0_i32 = arith.constant 0 : i32
    %c0_i32_0 = arith.constant 0 : i32
    return %arg0, %c0_i32 : i32, i32
  }
  func.func @transform_7(%arg0: i32) -> (i32, i32) {
    %c0_i32 = arith.constant 0 : i32
    %c0_i32_0 = arith.constant 0 : i32
    return %arg0, %c0_i32 : i32, i32
  }
  func.func @transform_8(%arg0: i32) -> (i32, i32) {
    %c0_i32 = arith.constant 0 : i32
    %c0_i32_0 = arith.constant 0 : i32
    return %arg0, %c0_i32 : i32, i32
  }
}

module attributes {stable_mosaic.version = 14 : i64} {
  func.func @_tc_out(%arg0: i32, %arg1: memref<1000x128xf32, #tpu.memory_space<vmem>>, %arg2: memref<1000x128xf32, #tpu.memory_space<vmem>>, %arg3: memref<1000x128xf32, #tpu.memory_space<vmem>>, %arg4: memref<128x128xf32, #tpu.memory_space<vmem>>, %arg5: memref<128x128xf32, #tpu.memory_space<vmem>>, %arg6: memref<1x128xf32, #tpu.memory_space<vmem>>, %arg7: memref<128x21xf32, #tpu.memory_space<vmem>>, %arg8: memref<1x21xf32, #tpu.memory_space<vmem>>, %arg9: memref<1000x21xf32, #tpu.memory_space<vmem>>) attributes {dimension_semantics = [#tpu.dimension_semantics<arbitrary>], iteration_bounds = array<i64: 10>, scalar_prefetch = 0 : i64, scratch_operands = 0 : i64, tpu.core_type = #tpu.core_type<tc>, window_params = [{transform_indices = @transform_0, window_bounds = array<i64: 1000, 128>}, {transform_indices = @transform_1, window_bounds = array<i64: 1000, 128>}, {transform_indices = @transform_2, window_bounds = array<i64: 1000, 128>}, {pipeline_mode = #tpu.pipeline_mode<synchronous>, transform_indices = @transform_3, window_bounds = array<i64: 128, 128>}, {pipeline_mode = #tpu.pipeline_mode<synchronous>, transform_indices = @transform_4, window_bounds = array<i64: 128, 128>}, {pipeline_mode = #tpu.pipeline_mode<synchronous>, transform_indices = @transform_5, window_bounds = array<i64: 1, 128>}, {pipeline_mode = #tpu.pipeline_mode<synchronous>, transform_indices = @transform_6, window_bounds = array<i64: 128, 21>}, {pipeline_mode = #tpu.pipeline_mode<synchronous>, transform_indices = @transform_7, window_bounds = array<i64: 1, 21>}, {transform_indices = @transform_8, window_bounds = array<i64: 1000, 21>}]} {
    %get3A = arith.constant 0 : index
    %get3A_0 = arith.constant 0 : index
    %get3A_1 = vector.load %arg2[%get3A, %get3A_0] : memref<1000x128xf32, #tpu.memory_space<vmem>>, vector<1000x128xf32>
    %get3A_2 = arith.constant 0 : index
    %get3A_3 = arith.constant 0 : index
    %get3A_4 = vector.load %arg3[%get3A_2, %get3A_3] : memref<1000x128xf32, #tpu.memory_space<vmem>>, vector<1000x128xf32>
    %add3A = arith.addf %get3A_1, %get3A_4 : vector<1000x128xf32>
    %get3A_5 = arith.constant 0 : index
    %get3A_6 = arith.constant 0 : index
    %get3A_7 = vector.load %arg1[%get3A_5, %get3A_6] : memref<1000x128xf32, #tpu.memory_space<vmem>>, vector<1000x128xf32>
    %get3A_8 = arith.constant 0 : index
    %get3A_9 = arith.constant 0 : index
    %get3A_10 = vector.load %arg4[%get3A_8, %get3A_9] : memref<128x128xf32, #tpu.memory_space<vmem>>, vector<128x128xf32>
    %dot_general3A = arith.constant dense<0.000000e+00> : vector<1000x128xf32>
    %dot_general3A_11 = tpu.matmul %get3A_7, %get3A_10, %dot_general3A {dimension_numbers = #tpu.dot_dimension_numbers<[1], [0], [0], [1], [0, 0, 1, 1], [], []>, transpose_lhs_hint = false} : vector<1000x128xf32>, vector<128x128xf32>, vector<1000x128xf32> -> vector<1000x128xf32>
    %get3A_12 = arith.constant 0 : index
    %get3A_13 = arith.constant 0 : index
    %get3A_14 = vector.load %arg5[%get3A_12, %get3A_13] : memref<128x128xf32, #tpu.memory_space<vmem>>, vector<128x128xf32>
    %dot_general3A_15 = arith.constant dense<0.000000e+00> : vector<1000x128xf32>
    %dot_general3A_16 = tpu.matmul %add3A, %get3A_14, %dot_general3A_15 {dimension_numbers = #tpu.dot_dimension_numbers<[1], [0], [0], [1], [0, 0, 1, 1], [], []>, transpose_lhs_hint = false} : vector<1000x128xf32>, vector<128x128xf32>, vector<1000x128xf32> -> vector<1000x128xf32>
    %add3A_17 = arith.addf %dot_general3A_11, %dot_general3A_16 : vector<1000x128xf32>
    %get3A_18 = arith.constant 0 : index
    %get3A_19 = arith.constant 0 : index
    %get3A_20 = vector.load %arg6[%get3A_18, %get3A_19] : memref<1x128xf32, #tpu.memory_space<vmem>>, vector<1x128xf32>
    %add3A_21 = vector.broadcast %get3A_20 : vector<1x128xf32> to vector<1000x128xf32>
    %add3A_22 = arith.addf %add3A_17, %add3A_21 : vector<1000x128xf32>
    %max3A = arith.constant 0.000000e+00 : f32
    %max3A_23 = vector.broadcast %max3A : f32 to vector<1000x128xf32>
    %max3A_24 = arith.maximumf %add3A_22, %max3A_23 : vector<1000x128xf32>
    %get3A_25 = arith.constant 0 : index
    %get3A_26 = arith.constant 0 : index
    %get3A_27 = vector.load %arg7[%get3A_25, %get3A_26] : memref<128x21xf32, #tpu.memory_space<vmem>>, vector<128x21xf32>
    %dot_general3A_28 = arith.constant dense<0.000000e+00> : vector<1000x21xf32>
    %dot_general3A_29 = tpu.matmul %max3A_24, %get3A_27, %dot_general3A_28 {dimension_numbers = #tpu.dot_dimension_numbers<[1], [0], [0], [1], [0, 0, 1, 1], [], []>, transpose_lhs_hint = false} : vector<1000x128xf32>, vector<128x21xf32>, vector<1000x21xf32> -> vector<1000x21xf32>
    %get3A_30 = arith.constant 0 : index
    %get3A_31 = arith.constant 0 : index
    %get3A_32 = vector.load %arg8[%get3A_30, %get3A_31] : memref<1x21xf32, #tpu.memory_space<vmem>>, vector<1x21xf32>
    %add3A_33 = vector.broadcast %get3A_32 : vector<1x21xf32> to vector<1000x21xf32>
    %add3A_34 = arith.addf %dot_general3A_29, %add3A_33 : vector<1000x21xf32>
    %mul3A = arith.constant 1.000000e+01 : f32
    %mul3A_35 = vector.broadcast %mul3A : f32 to vector<1000x21xf32>
    %mul3A_36 = arith.mulf %add3A_34, %mul3A_35 : vector<1000x21xf32>
    %swap3A = arith.constant 0 : index
    %swap3A_37 = arith.constant 0 : index
    %swap3A_38 = vector.load %arg9[%swap3A, %swap3A_37] : memref<1000x21xf32, #tpu.memory_space<vmem>>, vector<1000x21xf32>
    tpu.vector_store %arg9[%swap3A, %swap3A_37], %mul3A_36 {strides = array<i32>} : memref<1000x21xf32, #tpu.memory_space<vmem>>, vector<1000x21xf32>,
    return
  }
  func.func @transform_0(%arg0: i32) -> (i32, i32) {
    %c0_i32 = arith.constant 0 : i32
    %c0_i32_0 = arith.constant 0 : i32
    return %arg0, %c0_i32 : i32, i32
  }
  func.func @transform_1(%arg0: i32) -> (i32, i32) {
    %c0_i32 = arith.constant 0 : i32
    %c0_i32_0 = arith.constant 0 : i32
    return %arg0, %c0_i32 : i32, i32
  }
  func.func @transform_2(%arg0: i32) -> (i32, i32) {
    %c0_i32 = arith.constant 0 : i32
    %c0_i32_0 = arith.constant 0 : i32
    return %arg0, %c0_i32 : i32, i32
  }
  func.func @transform_3(%arg0: i32) -> (i32, i32) {
    %c0_i32 = arith.constant 0 : i32
    %c0_i32_0 = arith.constant 0 : i32
    %c0_i32_1 = arith.constant 0 : i32
    return %c0_i32, %c0_i32_0 : i32, i32
  }
  func.func @transform_4(%arg0: i32) -> (i32, i32) {
    %c0_i32 = arith.constant 0 : i32
    %c0_i32_0 = arith.constant 0 : i32
    %c0_i32_1 = arith.constant 0 : i32
    return %c0_i32, %c0_i32_0 : i32, i32
  }
  func.func @transform_5(%arg0: i32) -> (i32, i32) {
    %c0_i32 = arith.constant 0 : i32
    %c0_i32_0 = arith.constant 0 : i32
    %c0_i32_1 = arith.constant 0 : i32
    return %c0_i32, %c0_i32_0 : i32, i32
  }
  func.func @transform_6(%arg0: i32) -> (i32, i32) {
    %c0_i32 = arith.constant 0 : i32
    %c0_i32_0 = arith.constant 0 : i32
    %c0_i32_1 = arith.constant 0 : i32
    return %c0_i32, %c0_i32_0 : i32, i32
  }
  func.func @transform_7(%arg0: i32) -> (i32, i32) {
    %c0_i32 = arith.constant 0 : i32
    %c0_i32_0 = arith.constant 0 : i32
    %c0_i32_1 = arith.constant 0 : i32
    return %c0_i32, %c0_i32_0 : i32, i32
  }
  func.func @transform_8(%arg0: i32) -> (i32, i32) {
    %c0_i32 = arith.constant 0 : i32
    %c0_i32_0 = arith.constant 0 : i32
    return %arg0, %c0_i32 : i32, i32
  }
}

</mosaic_0001>

<sc_bundles>
// kernel: kernel.6.cloned.1.call-start
scs
__scs_entry_jumppad:
0x0: {  	(pc) =	sbr.rel $0x88, $3  }
0x1: {  	(tag) =	ssettag $0x0;
	lr =	simm.s32 $0x1  }
0x2: {  	[smem:$0x3F96] =	sst lr;
	_ =	strace $0xD0000000  }
0x3: {  	_ = 	snop  }
0x4: {  	_ = 	snop  }
0x5: {  	_ = 	snop  }
0x6: {  	_ = 	snop  }
0x7: {  	_ = 	snop  }
__scs_overlays_trampoline_lowered:
0x8: {  	[smem:$0x3FA5] =	sst s0  }
0x9: {  	[smem:$0x3FA6] =	sst s1  }
0xa: {  	[smem:$0x3FA7] =	sst s2  }
0xb: {  	[smem:$0x3FA8] =	sst s3  }
0xc: {  	[smem:$0x3FA9] =	sst s4  }
0xd: {  	[smem:$0x3FAA] =	sst s5  }
0xe: {  	[smem:$0x3FAB] =	sst s6  }
0xf: {  	[smem:$0x3FAC] =	sst s7  }
0x10: {  	[smem:$0x3FAD] =	sst s8  }
0x11: {  	[smem:$0x3FAE] =	sst s9;
	s0 =	simm.s32 @!p0 $0x0  }
0x12: {  	s1 =	sld [smem:$0x3F94];
	s0 =	simm.s32 @p0 $0x1  }
0x13: {  	[smem:$0x3FAF] =	sst s0;
	s0 =	simm.s32 @!p1 $0x0  }
0x14: {  	s2 =	sld [smem:$0x3F93];
	s0 =	simm.s32 @p1 $0x1  }
0x15: {  	[smem:$0x3FB0] =	sst s0;
	s0 =	simm.s32 @!p2 $0x0  }
0x16: {  	s3 =	sld [smem:$0x3FDB];
	s0 =	simm.s32 @p2 $0x1  }
0x17: {  	s4 =	simm.s32 $0x1BF5;
	[smem:$0x3FB2] =	sst s0  }
0x18: {  	s0 =	sld [smem:$0x3F95];
	_ =	swait.ge [sflag:s4], $0x0  }
0x19: {  	s7 =	sld [smem:$0x3F96]  }
0x1a: {  	s8 =	sadd.s32 $0xFFFFE003, lr  }
0x1b: {  	s9 =	sadd.s32 $0xFFFFFEF7, lr;
	s5 =	simm.s32 $0xFFFFFFFF;
	p2 =	slt.u32 s8, $0xFFFFF086  }
0x1c: {  	p1 =	slt.u32 s9, $0xF7A;
	s5 =	simm.s32 @!p2 $0x0  }
0x1d: {  	s5 =	simm.s32 @p1 $0x1;
	p0 =	seq.s32 s7, s2  }
0x1e: {  	s7 =	smul.u32 @!p0 $0xF7A, s2;
	p2 =	seq.s32 @!p0 s5, $0x0  }
0x1f: {  	s9 =	smul.u32 $0xF7A, s1;
	s8 =	simm.s32 @!p0 $0x1BF5;
	p2 =	por !p2, p0  }
0x20: {  	[sflag:s8] =	ssyncset.s32 @!p0 $0xFFFFF086;
	s6 =	sadd.s32 @!p0 s3, s7;
	s7 =	simm.s32 @!p0 $0x108  }
0x21: {  	s3 =	sadd.s32 s3, s9;
	s6 =	sadd.s32 @!p0 $0x88, s6;
	s7 =	simm.s32 @p2 $0x1082  }
0x22: {  	[simem:s7], [sflag:s8] =	dma.local @!p0 [hbm:s6], $0xF7A  }
0x23: {  	s9 =	sor.u32 $0xD0000000, s2;
	s6 =	simm.s32 $0x108;
	_ =	swait.ge @!p0 [sflag:s8], $0x0  }
0x24: {  	s3 =	sadd.s32 $0x88, s3;
	s6 =	simm.s32 @!p1 $0x1082;
	[sflag:s4] =	ssyncset.s32 $0xFFFFF086  }
0x25: {  	[simem:s6], [sflag:s4] =	dma.local [hbm:s3], $0xF7A  }
0x26: {  	[smem:$0x3F96] =	sst s1;
	(tag) =	ssettag s2;
	_ =	strace s9  }
0x27: {  	s1 =	sld [smem:$0x3FA6]  }
0x28: {  	s2 =	sld [smem:$0x3FA7]  }
0x29: {  	s4 =	sld [smem:$0x3FA9]  }
0x2a: {  	p0 =	seq.s32 s5, $0x0;
	s5 =	sld [smem:$0x3FAA]  }
0x2b: {  	s6 =	sld [smem:$0x3FAB]  }
0x2c: {  	s7 =	sld [smem:$0x3FAC]  }
0x2d: {  	s3 =	simm.s32 $0x108;
	s8 =	sld [smem:$0x3FAD]  }
0x2e: {  	s3 =	simm.s32 @!p0 $0x1082;
	s9 =	sld [smem:$0x3FAE]  }
0x2f: {  	lr =	sadd.s32 s0, s3;
	s0 =	sld [smem:$0x3FA5]  }
0x30: {  	s3 =	sld [smem:$0x3FA8]  }
0x31: {  	[smem:$0x3FB1] =	sst s10  }
0x32: {  	s10 =	sld [smem:$0x3FAF];
	_ =	sdelay $0x3  }
0x33: {  	p0 =	seq.s32 s10, $0x1;
	s10 =	sld [smem:$0x3FB1];
	_ =	sdelay $0x3  }
0x34: {  	[smem:$0x3FB1] =	sst s10  }
0x35: {  	s10 =	sld [smem:$0x3FB0];
	_ =	sdelay $0x3  }
0x36: {  	p1 =	seq.s32 s10, $0x1;
	s10 =	sld [smem:$0x3FB1];
	_ =	sdelay $0x3  }
0x37: {  	[smem:$0x3FB1] =	sst s10  }
0x38: {  	s10 =	sld [smem:$0x3FB2]  }
0x39: {  	_ = 	snop;
	(pc) =	sbr.ind lr, $3  }
0x3a: {  	_ = 	snop  }
0x3b: {  	_ = 	snop  }
0x3c: {  	p2 =	seq.s32 s10, $0x1;
	s10 =	sld [smem:$0x3FB1]  }
0x3d: {  	_ =	shalt  }
0x3e: {  	_ =	shalt  }
0x3f: {  	_ =	shalt  }
0x40: {  	_ =	shalt  }
0x41: {  	_ =	shalt  }
0x42: {  	_ =	shalt  }
0x43: {  	_ =	shalt  }
0x44: {  	_ =	shalt  }
0x45: {  	_ =	shalt  }
0x46: {  	_ =	shalt  }
0x47: {  	_ =	shalt  }
0x48: {  	_ =	shalt  }
0x49: {  	_ =	shalt  }
0x4a: {  	_ =	shalt  }
0x4b: {  	_ =	shalt  }
0x4c: {  	_ =	shalt  }
0x4d: {  	_ =	shalt  }
0x4e: {  	_ =	shalt  }
0x4f: {  	_ =	shalt  }
0x50: {  	_ =	shalt  }
0x51: {  	_ =	shalt  }
0x52: {  	_ =	shalt  }
0x53: {  	_ =	shalt  }
0x54: {  	_ =	shalt  }
0x55: {  	_ =	shalt  }
0x56: {  	_ =	shalt  }
0x57: {  	_ =	shalt  }
0x58: {  	_ =	shalt  }
0x59: {  	_ =	shalt  }
0x5a: {  	_ =	shalt  }
0x5b: {  	_ =	shalt  }
0x5c: {  	_ =	shalt  }
0x5d: {  	_ =	shalt  }
0x5e: {  	_ =	shalt  }
0x5f: {  	_ =	shalt  }
0x60: {  	_ =	shalt  }
0x61: {  	_ =	shalt  }
0x62: {  	_ =	shalt  }
0x63: {  	_ =	shalt  }
0x64: {  	_ =	shalt  }
0x65: {  	_ =	shalt  }
0x66: {  	_ =	shalt  }
0x67: {  	_ =	shalt  }
0x68: {  	_ =	shalt  }
0x69: {  	_ =	shalt  }
0x6a: {  	_ =	shalt  }
0x6b: {  	_ =	shalt  }
0x6c: {  	_ =	shalt  }
0x6d: {  	_ =	shalt  }
0x6e: {  	_ =	shalt  }
0x6f: {  	_ =	shalt  }
0x70: {  	_ =	shalt  }
0x71: {  	_ =	shalt  }
0x72: {  	_ =	shalt  }
0x73: {  	_ =	shalt  }
0x74: {  	_ =	shalt  }
0x75: {  	_ =	shalt  }
0x76: {  	_ =	shalt  }
0x77: {  	_ =	shalt  }
0x78: {  	_ =	shalt  }
0x79: {  	_ =	shalt  }
0x7a: {  	_ =	shalt  }
0x7b: {  	_ =	shalt  }
0x7c: {  	_ =	shalt  }
0x7d: {  	_ =	shalt  }
0x7e: {  	_ =	shalt  }
0x7f: {  	_ =	shalt  }
0x80: {  	_ =	shalt  }
0x81: {  	_ =	shalt  }
0x82: {  	_ =	shalt  }
0x83: {  	_ =	shalt  }
0x84: {  	_ =	shalt  }
0x85: {  	_ =	shalt  }
0x86: {  	_ =	shalt  }
0x87: {  	_ =	shalt  }
.Lfunc_end0:
.L_simem_size_0:
called_computation_lowered:
.L_overlay_start_0:
0x88: {  	s2 =	sld [smem:$0x3FD9]  }
0x89: {  	s3 =	sld [smem:$0x3FFE];
	_ =	sdelay $0x1  }
0x8a: {  	s1 =	srdreg.scid  }
0x8b: {  	s0 =	sand.u32 $0x1, s1  }
0x8c: {  	s16 =	sshll.u32 s0, $0xA;
	s2 =	sadd.s32 s3, s2  }
0x8d: {  	s2 =	sadd.s32 s2, s16  }
0x8e: {  	[smem:$0x3FBD] =	sst s2  }
0x8f: {  	_ = 	snop  }
0x90: {  	(tm) =	ssettm $0x1  }
0x91: {  	s17 =	sld [smem:$0x3FFB];
	_ =	sdelay $0x3  }
0x92: {  	_ =	strace s17  }
0x93: {  	s2 =	sld [smem:$0x3FFC];
	_ =	sdelay $0x3  }
0x94: {  	_ =	strace s2  }
0x95: {  	s2 =	sld [smem:$0x3FFD];
	_ =	sdelay $0x3  }
0x96: {  	_ =	strace s2  }
0x97: {  	_ =	strace $0x8FFFFFFF  }
0x98: {  	s18 =	sld [smem:$0x3FDB];
	_ =	sdelay $0x1  }
0x99: {  	s19 =	simm.s32 $_scs_section_size  }
0x9a: {  	s4 =	simm.s32 $_size__tile_overlayer_lowered;
	s5 =	simm.s32 $_tile_overlayer_lowered  }
0x9b: {  	s22 =	simm.s32 $0x1BFF;
	s21 =	sshll.u32 s5, $0x1;
	s2 =	sadd.s32 s19, s18  }
0x9c: {  	s6 =	simm.s32 $0x0;
	s20 =	sshll.u32 s4, $0x1;
	s4 =	sadd.s32 s21, s2  }
0x9d: {  	[timem:s6], [sflag:s22] =	dma.local [hbm:s4], s20  }
0x9e: {  	_ =	swait.ge [sflag:s22], s20  }
0x9f: {  	s3 =	ssub.s32 $0x0, s20;
	[sflag:s22] =	ssyncset.done $0x0  }
0xa0: {  	[sflag:s22] =	ssyncadd.s32 s3;
	_ =	sdelay $0x1  }
0xa1: {  	s23 =	simm.s32 $0x1B8B  }
0xa2: {  	_ =	swait.ge [sflag:s23], $0x1  }
0xa3: {  	[sflag:s23] =	ssyncset.done $0x0  }
0xa4: {  	s25 =	simm.s32 $0x1B8E;
	s24 =	sld [smem:$0x3FFE];
	[sflag:s23] =	ssyncadd.s32 $0xFFFFFFFF  }
0xa5: {  	s26 =	simm.s32 $execute0_lowered;
	[smem:$0x3FD2] =	sst s25  }
0xa6: {  	s4 =	sshll.u32 s26, $0x1;
	_ =	strace $0x80000046;
	[dreg:$0x1] =	wrdreg $0xFFFFFFFF  }
0xa7: {  	s28 =	simm.s32 $_size_execute0_lowered;
	s2 =	sadd.s32 s2, s4;
	[dreg:$0x0] =	wrdreg $0x0  }
0xa8: {  	s4 =	sshll.u32 s28, $0x1;
	[dreg:$0x2] =	wrdreg s2  }
0xa9: {  	[dreg:$0x3] =	wrdreg s4  }
0xaa: {  	[dreg:$0x4] =	wrdreg $0xC0  }
0xab: {  	_ =	task [dreg:s6], $0x5FFFF  }
0xac: {  	[dreg:$0x1] =	wrdreg $0xFFFFFFFF  }
0xad: {  	[dreg:$0x0] =	wrdreg $0x60  }
0xae: {  	[dreg:$0x2] =	wrdreg s24  }
0xaf: {  	[dreg:$0x3] =	wrdreg $0xC3000  }
0xb0: {  	[dreg:$0x4] =	wrdreg $0x9  }
0xb1: {  	_ =	task.clear_ibuf [dreg:s6], $0x5FFFF;
	_ =	strace $0x90000046  }
0xb2: {  	s29 =	simm.s32 $0x9;
	_ =	strace $0x80000048  }
0xb3: {  	_ =	swait.ge [sflag:s29], $0x1  }
0xb4: {  	[sflag:s29] =	ssyncadd.s32 $0xFFFFFFFF  }
0xb5: {  	_ =	strace $0x90000048  }
0xb6: {  	_ =	sfence  }
0xb7: {  	s30 =	sld [smem:$0x0];
	_ =	sdelay $0x2  }
0xb8: {  	s31 =	sshll.u32 s1, $0xD;
	s1 =	sshrl.u32 s1, $0x2  }
0xb9: {  	s3 =	sand.u32 $0x4000, s31;
	s1 =	sadd.s32 s1, s30  }
0xba: {  	s0 =	sor.u32 s3, s0;
	s1 =	sshll.u32 s1, $0x11  }
0xbb: {  	s0 =	sor.u32 s1, s0  }
0xbc: {  	s0 =	sadd.s32 $0x8F2B, s0  }
0xbd: {  	[sflag:s0] =	ssyncadd.remote.s32 $0x1  }
0xbe: {  	_ =	sfence.sel $0xFFFF  }
0xbf: {  	[dreg:$0x0] =	wrdreg $0xFFFFFFFF;
	(pc) =	sbr.abs _section_cstart, $3  }
0xc0: {  	[dreg:$0x1] =	wrdreg $0xFFFFFFFF  }
0xc1: {  	_ =	task.clear_ibuf [dreg:s6], $0x2FFFF;
	_ =	strace $0x9FFFFFFF  }
0xc2: {  	(tm) =	ssettm $0x7FFFFFFF  }
0xc3: {  	_ =	shalt  }
tec
execute0_lowered:
.L_overlay_start_1:
0x0: {  	(tag) =	ssettag $0x1  }
0x1: {  	s0 =	srdreg.scid;
	s3 =	rddreg [dreg:$0x0];
	s1 =	simm.s32 $0x0  }
0x2: {  	s22 =	stileid.u32;
	s31 =	simm.s32 $0x9;
	s30 =	simm.s32 $0x80  }
0x3: {  	s2 =	sand.u32 $0x1, s0;
	[smem:$0x7FF] =	sst s1;
	s5 =	sadd.s32 $0x56D400, s3  }
0x4: {  	p0 =	sgt.u32 s22, $0xB;
	s0 =	ssub.s32 $0x2, s2;
	s11 =	smul.u32 $0x138800, s2  }
0x5: {  	s2 =	sshll.u32 s2, $0x4;
	p2 =	sne.s32 @!p0 s22, $0x0;
	s4 =	sshrl.u32 s0, $0x1  }
0x6: {  	s2 =	sor.u32 s22, s2;
	p1 =	por p2, p0;
	p2 =	por !p2, p0  }
0x7: {  	s0 =	ssub.s32 s0, s4;
	s4 =	sshll.u32 s22, $0xD;
	s22 =	simm.s32 $0x3  }
0x8: {  	s6 =	sor.u32 $0x20000, s4;
	s7 =	sor.u32 $0x40000, s4;
	s8 =	sor.u32 $0x60000, s4  }
0x9: {  	s9 =	sor.u32 $0x80000, s4;
	s10 =	sor.u32 $0xA0000, s4;
	s13 =	sor.u32 $0xC0000, s4  }
0xa: {  	s19 =	sor.u32 $0xE0000, s4;
	s20 =	sor.u32 $0x100000, s4;
	s21 =	sor.u32 $0x120000, s4  }
0xb: {  	s12 =	sadd.s32 s4, s11;
	s0 =	smax.u32 s0, $0x1;
	s14 =	sadd.s32 s11, s6  }
0xc: {  	s12 =	sshrl.u32 s12, $0x3;
	s15 =	sadd.s32 s11, s7;
	s24 =	sadd.s32 s11, s8  }
0xd: {  	s25 =	sadd.s32 s11, s9;
	s26 =	sadd.s32 s11, s10;
	s17 =	sadd.s32 s11, s13  }
0xe: {  	s14 =	sshrl.u32 s14, $0x3;
	s12 =	sadd.s32 s5, s12;
	s23 =	sshrl.u32 s15, $0x3  }
0xf: {  	s16 =	sshrl.u32 s26, $0x3;
	s26 =	sadd.s32 s11, s21;
	s15 =	sadd.s32 $0x51F000, s3  }
0x10: {  	[dreg:$0x3] =	wrdreg s12;
	s18 =	sadd.s32 s5, s14;
	s12 =	sadd.s32 s5, s23  }
0x11: {  	s14 =	sshrl.u32 s25, $0x3;
	s23 =	sadd.s32 s11, s20;
	[dreg:$0x4] =	wrdreg s18  }
0x12: {  	[dreg:$0x5] =	wrdreg s12;
	s12 =	sshrl.u32 s24, $0x3;
	s14 =	sadd.s32 s5, s14  }
0x13: {  	s18 =	sadd.s32 s11, s19;
	s12 =	sadd.s32 s5, s12;
	[dreg:$0x7] =	wrdreg s14  }
0x14: {  	s14 =	sshrl.u32 s18, $0x3;
	[dreg:$0x6] =	wrdreg s12;
	s12 =	sadd.s32 s5, s16  }
0x15: {  	s24 =	sadd.s32 s5, s14;
	s14 =	sshrl.u32 s26, $0x3;
	[dreg:$0x8] =	wrdreg s12  }
0x16: {  	s12 =	sshrl.u32 s17, $0x3;
	[dreg:$0xa] =	wrdreg s24;
	s14 =	sadd.s32 s5, s14  }
0x17: {  	s25 =	sshrl.u32 s23, $0x3;
	s12 =	sadd.s32 s5, s12;
	[dreg:$0xc] =	wrdreg s14  }
0x18: {  	s11 =	sshrl.u32 s11, $0x3;
	[dreg:$0x9] =	wrdreg s12;
	s12 =	sadd.s32 s5, s25  }
0x19: {  	s11 =	sadd.s32 s5, s11;
	s18 =	sadd.s32 $0x2200, s3;
	[dreg:$0xb] =	wrdreg s12  }
0x1a: {  	s16 =	sadd.s32 $0x15E00, s3;
	s17 =	sadd.s32 $0xC000, s3;
	s12 =	rddreg [dreg:$0x1]  }
0x1b: {  	_ =	strace $0x80000047;
	s8 =	sadd.s32 s8, s12;
	[smem:$0x7FC] =	sst s0  }
0x1c: {  	s14 =	sadd.s32 $0x4F7E00, s3;
	s9 =	sadd.s32 s9, s12;
	[dreg:$0x10] =	wrdreg s8  }
0x1d: {  	s5 =	smul.u32 $0x2710, s2;
	s10 =	sadd.s32 s10, s12;
	[dreg:$0x11] =	wrdreg s9  }
0x1e: {  	s26 =	sadd.s32 s4, s12;
	s13 =	sadd.s32 s13, s12;
	[dreg:$0x12] =	wrdreg s10  }
0x1f: {  	s28 =	sadd.s32 s6, s12;
	s23 =	sadd.s32 s19, s12;
	[dreg:$0x13] =	wrdreg s13  }
0x20: {  	s29 =	sadd.s32 s7, s12;
	s24 =	sadd.s32 s20, s12;
	[dreg:$0x14] =	wrdreg s23  }
0x21: {  	s25 =	sshrl.u32 s5, $0x3;
	s7 =	sadd.s32 s21, s12;
	[dreg:$0x15] =	wrdreg s24  }
0x22: {  	s19 =	sadd.s32 $0x2700, s5;
	s6 =	simm.s32 $0x6180;
	[dreg:$0x16] =	wrdreg s7  }
0x23: {  	s8 =	sadd.s32 s17, s25;
	s9 =	smul.u32 $0x27100, s2;
	[dreg:$0xd] =	wrdreg s26  }
0x24: {  	s10 =	sadd.s32 s18, s25;
	s3 =	sadd.s32 $0x8, s25;
	[dreg:$0xe] =	wrdreg s28  }
0x25: {  	s2 =	smul.u32 $0x138800, s2;
	s20 =	sshrl.u32 s19, $0x3;
	[dreg:$0xf] =	wrdreg s29  }
0x26: {  	s23 =	sshll.u32 s19, $0x4;
	s24 =	sadd.s32 $0x27000, s11;
	[dreg:$0x17] =	wrdreg s8  }
0x27: {  	s25 =	sadd.s32 $0x138000, s12;
	s11 =	simm.s32 $0x100;
	[dreg:$0x18] =	wrdreg s10  }
0x28: {  	s19 =	simm.s32 $0xA200;
	s13 =	sadd.s32 s17, s3;
	[dreg:$0x1f] =	wrdreg s24  }
0x29: {  	s3 =	sadd.s32 s18, s3;
	s21 =	sadd.s32 s17, s20;
	[smem:$0x7FD] =	sst s25  }
0x2a: {  	s8 =	simm.s32 $0x6100;
	s24 =	simm.s32 $0x5;
	[dreg:$0x1a] =	wrdreg s13  }
0x2b: {  	s25 =	simm.s32 $0x6;
	s10 =	simm.s32 $0x0;
	[dreg:$0x1b] =	wrdreg s3  }
0x2c: {  	s4 =	sadd.s32 s16, s9;
	s3 =	sadd.s32 $0x2000, s2;
	[dreg:$0x1c] =	wrdreg s21  }
0x2d: {  	s2 =	sadd.s32 s18, s20;
	s9 =	simm.s32 $0x8;
	s20 =	simm.s32 $0x1  }
0x2e: {  	s21 =	simm.s32 $0x2;
	[dreg:$0x19] =	wrdreg s4;
	s4 =	sadd.s32 $0x80, s5  }
0x2f: {  	s5 =	sadd.s32 $0xC0, s5;
	[dreg:$0x1d] =	wrdreg s2;
	s2 =	sadd.s32 s16, s23  }
0x30: {  	v0 =	vimm.f32 $0.0e+00;
	s23 =	simm.s32 $0x4;
	[dreg:$0x1e] =	wrdreg s2;
	s2 =	simm.s32 $0x40  }
.LBB2_1:
0x31: {  	[smem:$0x7FB] =	sst s10;
	s0 =	simm.s32 $0x0;
	s13 =	simm.s32 $0x200  }
.LBB2_2:
0x32: {  	p3 =	sne.s32 s13, $0x7E00;
	[tilespmem:s0+$0x4170] =	vst v0  }
0x33: {  	[tilespmem:s0+$0x4100] =	vst v0  }
0x34: {  	[tilespmem:s0+$0x4110] =	vst v0  }
.Ltmp0:
0x35: {  	[tilespmem:s0+$0x4120] =	vst v0;
	(pc) =	sbr.rel @p3 .LBB2_2-.Ltmp0, $4  }
0x36: {  	[tilespmem:s0+$0x4130] =	vst v0  }
0x37: {  	[tilespmem:s0+$0x4140] =	vst v0  }
0x38: {  	[tilespmem:s0+$0x4150] =	vst v0  }
0x39: {  	[tilespmem:s0+$0x4160] =	vst v0;
	s0 =	sshra.s32 s13, $0x2;
	s13 =	sadd.s32 $0x200, s13  }
0x3a: {  	[tilespmem:s0+$0x4170] =	vst v0  }
0x3b: {  	[tilespmem:s0+$0x4100] =	vst v0  }
0x3c: {  	[tilespmem:s0+$0x4110] =	vst v0  }
0x3d: {  	[tilespmem:s0+$0x4120] =	vst v0  }
0x3e: {  	[tilespmem:s0+$0x4130] =	vst v0  }
0x3f: {  	[tilespmem:s0+$0x4140] =	vst v0  }
0x40: {  	[tilespmem:s0+$0x4150] =	vst v0  }
0x41: {  	[tilespmem:s0+$0x4160] =	vst v0;
	s10 =	simm.s32 $0x4100  }
0x42: {  	[spmem:s26] =	stream.linear.scatter [tilespmem:s10], [sflag:$0x9], $0x2000, $0x38;
	[tilespmem:$0x1FB80] =	vst v63  }
0x43: {  	_ =	swait.ge [sflag:s31], $0x2000  }
0x44: {  	[sflag:s31] =	ssyncset.done $0x0  }
0x45: {  	[sflag:s31] =	ssyncadd.s32 $0xFFFFE000  }
0x46: {  	[spmem:s28] =	stream.linear.scatter [tilespmem:s10], [sflag:$0x9], $0x2000, $0x38;
	[tilespmem:$0x1FB80] =	vst v63  }
0x47: {  	_ =	swait.ge [sflag:s31], $0x2000  }
0x48: {  	[sflag:s31] =	ssyncset.done $0x0  }
0x49: {  	[sflag:s31] =	ssyncadd.s32 $0xFFFFE000  }
0x4a: {  	[spmem:s29] =	stream.linear.scatter [tilespmem:s10], [sflag:$0x9], $0x2000, $0x38;
	[tilespmem:$0x1FB80] =	vst v63  }
0x4b: {  	_ =	swait.ge [sflag:s31], $0x2000  }
0x4c: {  	[sflag:s31] =	ssyncset.done $0x0  }
0x4d: {  	s13 =	rddreg [dreg:$0x10];
	[sflag:s31] =	ssyncadd.s32 $0xFFFFE000  }
0x4e: {  	[spmem:s13] =	stream.linear.scatter [tilespmem:s10], [sflag:$0x9], $0x2000, $0x38;
	[tilespmem:$0x1FB80] =	vst v63  }
0x4f: {  	_ =	swait.ge [sflag:s31], $0x2000  }
0x50: {  	[sflag:s31] =	ssyncset.done $0x0  }
0x51: {  	s26 =	rddreg [dreg:$0x11];
	[sflag:s31] =	ssyncadd.s32 $0xFFFFE000  }
0x52: {  	[spmem:s26] =	stream.linear.scatter [tilespmem:s10], [sflag:$0x9], $0x2000, $0x38;
	[tilespmem:$0x1FB80] =	vst v63  }
0x53: {  	_ =	swait.ge [sflag:s31], $0x2000  }
0x54: {  	[sflag:s31] =	ssyncset.done $0x0  }
0x55: {  	s7 =	rddreg [dreg:$0x12];
	[sflag:s31] =	ssyncadd.s32 $0xFFFFE000  }
0x56: {  	[spmem:s7] =	stream.linear.scatter [tilespmem:s10], [sflag:$0x9], $0x2000, $0x38;
	[tilespmem:$0x1FB80] =	vst v63  }
0x57: {  	_ =	swait.ge [sflag:s31], $0x2000  }
0x58: {  	[sflag:s31] =	ssyncset.done $0x0  }
0x59: {  	s13 =	rddreg [dreg:$0x13];
	[sflag:s31] =	ssyncadd.s32 $0xFFFFE000  }
0x5a: {  	[spmem:s13] =	stream.linear.scatter [tilespmem:s10], [sflag:$0x9], $0x2000, $0x38;
	[tilespmem:$0x1FB80] =	vst v63  }
0x5b: {  	_ =	swait.ge [sflag:s31], $0x2000  }
0x5c: {  	[sflag:s31] =	ssyncset.done $0x0  }
0x5d: {  	s26 =	rddreg [dreg:$0x14];
	[sflag:s31] =	ssyncadd.s32 $0xFFFFE000  }
0x5e: {  	[spmem:s26] =	stream.linear.scatter [tilespmem:s10], [sflag:$0x9], $0x2000, $0x38;
	[tilespmem:$0x1FB80] =	vst v63  }
0x5f: {  	_ =	swait.ge [sflag:s31], $0x2000  }
0x60: {  	[sflag:s31] =	ssyncset.done $0x0  }
0x61: {  	s7 =	rddreg [dreg:$0x15];
	[sflag:s31] =	ssyncadd.s32 $0xFFFFE000  }
0x62: {  	[spmem:s7] =	stream.linear.scatter [tilespmem:s10], [sflag:$0x9], $0x2000, $0x38;
	[tilespmem:$0x1FB80] =	vst v63  }
0x63: {  	_ =	swait.ge [sflag:s31], $0x2000  }
0x64: {  	[sflag:s31] =	ssyncset.done $0x0  }
0x65: {  	s0 =	simm.s32 @!p0 $0x4100;
	s7 =	rddreg [dreg:$0x16];
	[sflag:s31] =	ssyncadd.s32 $0xFFFFE000  }
0x66: {  	[spmem:s7] =	stream.linear.scatter @!p0 [tilespmem:s0], [sflag:$0x9], $0x2000, $0x38;
	[tilespmem:$0x1FB80] =	vst v63  }
0x67: {  	s0 =	simm.s32 @!p0 $0x9  }
0x68: {  	_ =	swait.ge @!p0 [sflag:s0], $0x2000  }
0x69: {  	s7 =	sld [smem:$0x7FD]  }
0x6a: {  	[sflag:s0] =	ssyncset.done @!p0 $0x0  }
0x6b: {  	[sflag:s0] =	ssyncadd.s32 @!p0 $0xFFFFE000;
	s0 =	simm.s32 @!p1 $0x4100  }
0x6c: {  	[spmem:s7] =	stream.linear.scatter @!p1 [tilespmem:s0], [sflag:$0x9], $0x800, $0x38;
	[tilespmem:$0x1FB80] =	vst v63  }
0x6d: {  	s0 =	simm.s32 @!p1 $0x9  }
0x6e: {  	_ =	swait.ge @!p1 [sflag:s0], $0x800  }
0x6f: {  	[sflag:s0] =	ssyncset.done @!p1 $0x0  }
0x70: {  	[sflag:s0] =	ssyncadd.s32 @!p1 $0xFFFFF800  }
0x71: {  	[bflag:$0x0] =	sbarrier.arrive $0xFFFF  }
0x72: {  	s28 =	simm.s32 $0x0;
	s13 =	rddreg [dreg:$0x17]  }
0x73: {  	[tilespmem:s28], [sflag:$0x7] =	stream.linear.gather [hbm4b:s13+s28], $0x40, $0x38;
	[tilespmem:$0x1FB80] =	vst v63  }
0x74: {  	s7 =	simm.s32 $0x80;
	s26 =	rddreg [dreg:$0x18];
	s13 =	simm.s32 $0x7  }
0x75: {  	[tilespmem:s7], [sflag:$0x7] =	stream.linear.gather [hbm4b:s26+s28], $0x40, $0x38;
	[tilespmem:$0x1FB80] =	vst v63  }
0x76: {  	_ =	swait.ge [sflag:s13], $0x40  }
0x77: {  	[sflag:s13] =	ssyncset.done $0x0  }
0x78: {  	[sflag:s13] =	ssyncadd.s32 $0xFFFFFFC0  }
0x79: {  	_ =	swait.ge [sflag:s13], $0x40  }
0x7a: {  	[sflag:s13] =	ssyncset.done $0x0  }
0x7b: {  	[sflag:s13] =	ssyncadd.s32 $0xFFFFFFC0  }
0x7c: {  	[tilespmem:s11], [sflag:$0x1] =	stream.indirect.gather [hbm4b:s14+s2], $0x80, s28, s2, $0xb8;
	[tilespmem:$0x1FB80] =	vst v63  }
0x7d: {  	s26 =	simm.s32 $0x2100  }
0x7e: {  	[tilespmem:s26], [sflag:$0x2] =	stream.indirect.gather [hbm4b:s15+s2], $0x80, s7, s2, $0xb8;
	[tilespmem:$0x1FB80] =	vst v63  }
0x7f: {  	p3 =	por @!p0 $0x0, $0x0;
	p4 =	por @!p1 $0x1, $0x1;
	s11 =	rddreg [dreg:$0x19]  }
0x80: {  	[tilespmem:s10], [sflag:$0x3] =	stream.linear.gather [hbm4b:s11+s28], $0x2000, $0x38;
	[tilespmem:$0x1FB80] =	vst v63  }
0x81: {  	p4 =	por @!p2 p3, p3;
	p3 =	por $0x0, $0x0;
	s13 =	rddreg [dreg:$0x1a]  }
0x82: {  	[tilespmem:s8], [sflag:$0x8] =	stream.linear.gather [hbm4b:s13+s28], $0x40, $0x38;
	[tilespmem:$0x1FB80] =	vst v63  }
0x83: {  	p3 =	por @!p0 p4, p4;
	s29 =	simm.s32 $0x0;
	s26 =	rddreg [dreg:$0x1b]  }
0x84: {  	[tilespmem:s6], [sflag:$0x8] =	stream.linear.gather [hbm4b:s26+s28], $0x40, $0x38;
	[tilespmem:$0x1FB80] =	vst v63  }
.LBB2_4:
0x85: {  	_ =	swait.ge [sflag:s9], $0x40  }
0x86: {  	[sflag:s9] =	ssyncset.done $0x0  }
0x87: {  	[sflag:s9] =	ssyncadd.s32 $0xFFFFFFC0  }
0x88: {  	_ =	swait.ge [sflag:s9], $0x40  }
0x89: {  	[sflag:s9] =	ssyncset.done $0x0  }
0x8a: {  	s0 =	simm.s32 $0x6200;
	s26 =	sshll.u32 s29, $0xE;
	[sflag:s9] =	ssyncadd.s32 $0xFFFFFFC0  }
0x8b: {  	[tilespmem:s0], [sflag:$0x4] =	stream.indirect.gather [hbm4b:s14+s2], $0x80, s8, s2, $0xb8;
	[tilespmem:$0x1FB80] =	vst v63  }
0x8c: {  	s0 =	sadd.s32 s26, s3  }
0x8d: {  	s13 =	simm.s32 $0x8200;
	s0 =	sshrl.u32 s0, $0x3  }
0x8e: {  	[tilespmem:s13], [sflag:$0x5] =	stream.indirect.gather [hbm4b:s15+s2], $0x80, s6, s2, $0xb8;
	[tilespmem:$0x1FB80] =	vst v63  }
0x8f: {  	s0 =	sadd.s32 s16, s0  }
0x90: {  	[tilespmem:s19], [sflag:$0x6] =	stream.linear.gather [hbm4b:s0+s28], $0x2000, $0x38;
	[tilespmem:$0x1FB80] =	vst v63  }
0x91: {  	_ =	swait.ge [sflag:s20], $0x2000  }
0x92: {  	[sflag:s20] =	ssyncset.done $0x0  }
0x93: {  	[sflag:s20] =	ssyncadd.s32 $0xFFFFE000  }
0x94: {  	_ =	swait.ge [sflag:s21], $0x2000  }
0x95: {  	[sflag:s21] =	ssyncset.done $0x0  }
0x96: {  	[sflag:s21] =	ssyncadd.s32 $0xFFFFE000  }
0x97: {  	_ =	swait.ge [sflag:s22], $0x2000  }
0x98: {  	[sflag:s22] =	ssyncset.done $0x0  }
0x99: {  	s13 =	simm.s32 $0x0;
	[sflag:s22] =	ssyncadd.s32 $0xFFFFE000  }
0x9a: {  	v13 =	vld [tilespmem:s13+$0x100]  }
0x9b: {  	v18 =	vld [tilespmem:s13+$0x2100]  }
0x9c: {  	v20 =	vld [tilespmem:s13+$0x110]  }
0x9d: {  	v21 =	vld [tilespmem:s13+$0x2110]  }
0x9e: {  	v6 =	vld [tilespmem:s13+$0x120]  }
0x9f: {  	v10 =	vld [tilespmem:s13+$0x2120]  }
0xa0: {  	v8 =	vld [tilespmem:s13+$0x130]  }
0xa1: {  	v12 =	vld [tilespmem:s13+$0x2130]  }
0xa2: {  	v9 =	vld [tilespmem:s13+$0x140]  }
0xa3: {  	v11 =	vld [tilespmem:s13+$0x2140]  }
0xa4: {  	v5 =	vld [tilespmem:s13+$0x150]  }
0xa5: {  	v7 =	vld [tilespmem:s13+$0x2150]  }
0xa6: {  	v3 =	vld [tilespmem:s13+$0x160]  }
0xa7: {  	v4 =	vld [tilespmem:s13+$0x2160]  }
0xa8: {  	v1 =	vld [tilespmem:s13+$0x170]  }
0xa9: {  	v2 =	vld [tilespmem:s13+$0x2170]  }
0xaa: {  	v17 =	vld [tilespmem:s13+$0x4100]  }
0xab: {  	v16 =	vld [tilespmem:s13+$0x4110]  }
0xac: {  	v15 =	vld [tilespmem:s13+$0x4120]  }
0xad: {  	v14 =	vld [tilespmem:s13+$0x4130];
	v19 =	vadd.f32 v18, v13  }
0xae: {  	s0 =	simm.s32 $0x200;
	v18 =	vadd.f32 v21, v20;
	v13 =	vld [tilespmem:s13+$0x4140]  }
.LBB2_5:
0xaf: {  	p4 =	sne.s32 s0, $0x7E00;
	v17 =	vadd.f32 v17, v19;
	v6 =	vadd.f32 v10, v6;
	v10 =	vld [tilespmem:s13+$0x4150]  }
0xb0: {  	v8 =	vadd.f32 v12, v8;
	v16 =	vadd.f32 v16, v18;
	v12 =	vld [tilespmem:s13+$0x4160]  }
0xb1: {  	s26 =	sshra.s32 s0, $0x2;
	v9 =	vadd.f32 v11, v9;
	v17 =	vmax.f32 v17, $0.0e+00;
	v6 =	vadd.f32 v15, v6;
	v11 =	vld [tilespmem:s13+$0x4170]  }
0xb2: {  	v5 =	vadd.f32 v7, v5;
	v18 =	vld [tilespmem:s26+$0x100];
	[tilespmem:s13+$0x4100] =	vst v17;
	v15 =	vmax.f32 v16, $0.0e+00;
	v8 =	vadd.f32 v14, v8  }
0xb3: {  	v3 =	vadd.f32 v4, v3;
	v14 =	vld [tilespmem:s26+$0x2100];
	[tilespmem:s13+$0x4110] =	vst v15;
	v6 =	vmax.f32 v6, $0.0e+00;
	v7 =	vadd.f32 v13, v9  }
0xb4: {  	v1 =	vadd.f32 v2, v1;
	v13 =	vld [tilespmem:s26+$0x110];
	[tilespmem:s13+$0x4120] =	vst v6;
	v4 =	vmax.f32 v8, $0.0e+00;
	v5 =	vadd.f32 v10, v5  }
0xb5: {  	v20 =	vld [tilespmem:s26+$0x2110];
	[tilespmem:s13+$0x4130] =	vst v4;
	v2 =	vmax.f32 v7, $0.0e+00;
	v3 =	vadd.f32 v12, v3  }
0xb6: {  	v6 =	vld [tilespmem:s26+$0x120];
	[tilespmem:s13+$0x4140] =	vst v2;
	v2 =	vmax.f32 v5, $0.0e+00;
	v1 =	vadd.f32 v11, v1  }
0xb7: {  	v10 =	vld [tilespmem:s26+$0x2120];
	[tilespmem:s13+$0x4150] =	vst v2;
	v2 =	vmax.f32 v3, $0.0e+00  }
0xb8: {  	v8 =	vld [tilespmem:s26+$0x130];
	[tilespmem:s13+$0x4160] =	vst v2;
	v1 =	vmax.f32 v1, $0.0e+00  }
0xb9: {  	v12 =	vld [tilespmem:s26+$0x2130];
	[tilespmem:s13+$0x4170] =	vst v1;
	s13 =	smov.u32 s26  }
0xba: {  	v9 =	vld [tilespmem:s13+$0x140]  }
0xbb: {  	v11 =	vld [tilespmem:s13+$0x2140]  }
0xbc: {  	v5 =	vld [tilespmem:s13+$0x150]  }
0xbd: {  	v7 =	vld [tilespmem:s13+$0x2150]  }
0xbe: {  	v3 =	vld [tilespmem:s13+$0x160]  }
0xbf: {  	v4 =	vld [tilespmem:s13+$0x2160]  }
0xc0: {  	v1 =	vld [tilespmem:s13+$0x170]  }
0xc1: {  	v2 =	vld [tilespmem:s13+$0x2170]  }
.Ltmp1:
0xc2: {  	v17 =	vld [tilespmem:s13+$0x4100];
	(pc) =	sbr.rel @p4 .LBB2_5-.Ltmp1, $4  }
0xc3: {  	v16 =	vld [tilespmem:s13+$0x4110]  }
0xc4: {  	v15 =	vld [tilespmem:s13+$0x4120]  }
0xc5: {  	v19 =	vadd.f32 v14, v18;
	v14 =	vld [tilespmem:s13+$0x4130]  }
0xc6: {  	s0 =	sadd.s32 $0x200, s0;
	v18 =	vadd.f32 v20, v13;
	v13 =	vld [tilespmem:s13+$0x4140]  }
0xc7: {  	v17 =	vadd.f32 v17, v19  }
0xc8: {  	v6 =	vadd.f32 v10, v6;
	v10 =	vld [tilespmem:s13+$0x4150];
	v8 =	vadd.f32 v12, v8  }
0xc9: {  	v9 =	vadd.f32 v11, v9;
	v11 =	vld [tilespmem:s13+$0x4170];
	v16 =	vadd.f32 v16, v18  }
0xca: {  	v12 =	vld [tilespmem:s13+$0x4160];
	v17 =	vmax.f32 v17, $0.0e+00;
	v6 =	vadd.f32 v15, v6  }
0xcb: {  	v5 =	vadd.f32 v7, v5;
	[tilespmem:s13+$0x4100] =	vst v17;
	v15 =	vmax.f32 v16, $0.0e+00;
	v8 =	vadd.f32 v14, v8  }
0xcc: {  	v1 =	vadd.f32 v2, v1;
	[tilespmem:s13+$0x4110] =	vst v15;
	v6 =	vmax.f32 v6, $0.0e+00;
	v7 =	vadd.f32 v13, v9  }
0xcd: {  	v3 =	vadd.f32 v4, v3;
	[tilespmem:s13+$0x4120] =	vst v6;
	v4 =	vmax.f32 v8, $0.0e+00;
	v5 =	vadd.f32 v10, v5  }
0xce: {  	v1 =	vadd.f32 v11, v1;
	[tilespmem:s13+$0x4130] =	vst v4;
	v2 =	vmax.f32 v7, $0.0e+00  }
0xcf: {  	v3 =	vadd.f32 v12, v3;
	[tilespmem:s13+$0x4140] =	vst v2;
	v2 =	vmax.f32 v5, $0.0e+00  }
0xd0: {  	v1 =	vmax.f32 v1, $0.0e+00;
	[tilespmem:s13+$0x4150] =	vst v2  }
0xd1: {  	v2 =	vmax.f32 v3, $0.0e+00;
	[tilespmem:s13+$0x4170] =	vst v1  }
0xd2: {  	s0 =	simm.s32 $0x4100;
	p4 =	seq.s32 s29, $0x4D;
	[tilespmem:s13+$0x4160] =	vst v2;
	s13 =	sshll.u32 s29, $0x7  }
0xd3: {  	[spmem:s12] =	stream.indirect.scatter.add.f32 [tilespmem:s0], [sflag:$0x9], $0x80, s30, s2, $0xb8;
	[tilespmem:$0x1FB80] =	vst v63  }
0xd4: {  	s0 =	sadd.s32 @!p4 s13, s4;
	_ =	swait.ge [sflag:s31], $0x2000  }
0xd5: {  	s26 =	sshrl.u32 @!p4 s0, $0x3;
	[sflag:s31] =	ssyncset.done $0x0  }
0xd6: {  	s11 =	simm.s32 @!p4 $0x0;
	s7 =	sadd.s32 @!p4 s17, s26;
	[sflag:s31] =	ssyncadd.s32 $0xFFFFE000  }
0xd7: {  	[tilespmem:s11], [sflag:$0x7] =	stream.linear.gather @!p4 [hbm4b:s7+s11], $0x40, $0x38;
	[tilespmem:$0x1FB80] =	vst v63  }
0xd8: {  	s7 =	sadd.s32 @!p4 s18, s26;
	s26 =	simm.s32 @!p4 $0x80  }
0xd9: {  	[tilespmem:s26], [sflag:$0x7] =	stream.linear.gather @!p4 [hbm4b:s7+s11], $0x40, $0x38;
	[tilespmem:$0x1FB80] =	vst v63  }
0xda: {  	s7 =	simm.s32 @!p4 $0x7  }
0xdb: {  	_ =	swait.ge @!p4 [sflag:s7], $0x40  }
0xdc: {  	[sflag:s7] =	ssyncset.done @!p4 $0x0  }
0xdd: {  	[sflag:s7] =	ssyncadd.s32 @!p4 $0xFFFFFFC0  }
0xde: {  	_ =	swait.ge @!p4 [sflag:s7], $0x40  }
0xdf: {  	[sflag:s7] =	ssyncset.done @!p4 $0x0  }
0xe0: {  	s10 =	simm.s32 @!p4 $0x100;
	[sflag:s7] =	ssyncadd.s32 @!p4 $0xFFFFFFC0;
	s7 =	simm.s32 @!p4 $0x40  }
0xe1: {  	[tilespmem:s10], [sflag:$0x1] =	stream.indirect.gather @!p4 [hbm4b:s14+s7], $0x80, s11, s7, $0xb8;
	[tilespmem:$0x1FB80] =	vst v63  }
0xe2: {  	s0 =	sshll.u32 @!p4 s0, $0x4;
	s10 =	simm.s32 @!p4 $0x2100  }
0xe3: {  	[tilespmem:s10], [sflag:$0x2] =	stream.indirect.gather @!p4 [hbm4b:s15+s7], $0x80, s26, s7, $0xb8;
	[tilespmem:$0x1FB80] =	vst v63  }
0xe4: {  	s0 =	sadd.s32 @!p4 s16, s0;
	s7 =	simm.s32 @!p4 $0x4100  }
0xe5: {  	[tilespmem:s7], [sflag:$0x3] =	stream.linear.gather @!p4 [hbm4b:s0+s11], $0x2000, $0x38;
	[tilespmem:$0x1FB80] =	vst v63  }
0xe6: {  	_ =	swait.ge [sflag:s23], $0x2000  }
0xe7: {  	[sflag:s23] =	ssyncset.done $0x0  }
0xe8: {  	[sflag:s23] =	ssyncadd.s32 $0xFFFFE000  }
0xe9: {  	_ =	swait.ge [sflag:s24], $0x2000  }
0xea: {  	[sflag:s24] =	ssyncset.done $0x0  }
0xeb: {  	[sflag:s24] =	ssyncadd.s32 $0xFFFFE000  }
0xec: {  	_ =	swait.ge [sflag:s25], $0x2000  }
0xed: {  	[sflag:s25] =	ssyncset.done $0x0  }
0xee: {  	s0 =	simm.s32 $0x0;
	[sflag:s25] =	ssyncadd.s32 $0xFFFFE000  }
0xef: {  	v13 =	vld [tilespmem:s0+$0x6200]  }
0xf0: {  	v18 =	vld [tilespmem:s0+$0x8200]  }
0xf1: {  	v20 =	vld [tilespmem:s0+$0x6210]  }
0xf2: {  	v21 =	vld [tilespmem:s0+$0x8210]  }
0xf3: {  	v6 =	vld [tilespmem:s0+$0x6220]  }
0xf4: {  	v10 =	vld [tilespmem:s0+$0x8220]  }
0xf5: {  	v8 =	vld [tilespmem:s0+$0x6230]  }
0xf6: {  	v12 =	vld [tilespmem:s0+$0x8230]  }
0xf7: {  	v9 =	vld [tilespmem:s0+$0x6240]  }
0xf8: {  	v11 =	vld [tilespmem:s0+$0x8240]  }
0xf9: {  	v5 =	vld [tilespmem:s0+$0x6250]  }
0xfa: {  	v7 =	vld [tilespmem:s0+$0x8250]  }
0xfb: {  	v3 =	vld [tilespmem:s0+$0x6260]  }
0xfc: {  	v4 =	vld [tilespmem:s0+$0x8260]  }
0xfd: {  	v1 =	vld [tilespmem:s0+$0x6270]  }
0xfe: {  	v2 =	vld [tilespmem:s0+$0x8270]  }
0xff: {  	v17 =	vld [tilespmem:s0+$0xA200]  }
0x100: {  	v16 =	vld [tilespmem:s0+$0xA210]  }
0x101: {  	v15 =	vld [tilespmem:s0+$0xA220]  }
0x102: {  	v14 =	vld [tilespmem:s0+$0xA230];
	v19 =	vadd.f32 v18, v13  }
0x103: {  	s26 =	simm.s32 $0x200;
	v18 =	vadd.f32 v21, v20;
	v13 =	vld [tilespmem:s0+$0xA240]  }
.LBB2_7:
0x104: {  	p5 =	sne.s32 s26, $0x7E00;
	v17 =	vadd.f32 v17, v19;
	v6 =	vadd.f32 v10, v6;
	v10 =	vld [tilespmem:s0+$0xA250]  }
0x105: {  	v8 =	vadd.f32 v12, v8;
	v16 =	vadd.f32 v16, v18;
	v12 =	vld [tilespmem:s0+$0xA260]  }
0x106: {  	s7 =	sshra.s32 s26, $0x2;
	v9 =	vadd.f32 v11, v9;
	v17 =	vmax.f32 v17, $0.0e+00;
	v6 =	vadd.f32 v15, v6;
	v11 =	vld [tilespmem:s0+$0xA270]  }
0x107: {  	v5 =	vadd.f32 v7, v5;
	v18 =	vld [tilespmem:s7+$0x6200];
	[tilespmem:s0+$0xA200] =	vst v17;
	v15 =	vmax.f32 v16, $0.0e+00;
	v8 =	vadd.f32 v14, v8  }
0x108: {  	v3 =	vadd.f32 v4, v3;
	v14 =	vld [tilespmem:s7+$0x8200];
	[tilespmem:s0+$0xA210] =	vst v15;
	v6 =	vmax.f32 v6, $0.0e+00;
	v7 =	vadd.f32 v13, v9  }
0x109: {  	v1 =	vadd.f32 v2, v1;
	v13 =	vld [tilespmem:s7+$0x6210];
	[tilespmem:s0+$0xA220] =	vst v6;
	v4 =	vmax.f32 v8, $0.0e+00;
	v5 =	vadd.f32 v10, v5  }
0x10a: {  	v20 =	vld [tilespmem:s7+$0x8210];
	[tilespmem:s0+$0xA230] =	vst v4;
	v2 =	vmax.f32 v7, $0.0e+00;
	v3 =	vadd.f32 v12, v3  }
0x10b: {  	v6 =	vld [tilespmem:s7+$0x6220];
	[tilespmem:s0+$0xA240] =	vst v2;
	v2 =	vmax.f32 v5, $0.0e+00;
	v1 =	vadd.f32 v11, v1  }
0x10c: {  	v10 =	vld [tilespmem:s7+$0x8220];
	[tilespmem:s0+$0xA250] =	vst v2;
	v2 =	vmax.f32 v3, $0.0e+00  }
0x10d: {  	v8 =	vld [tilespmem:s7+$0x6230];
	[tilespmem:s0+$0xA260] =	vst v2;
	v1 =	vmax.f32 v1, $0.0e+00  }
0x10e: {  	v12 =	vld [tilespmem:s7+$0x8230];
	[tilespmem:s0+$0xA270] =	vst v1;
	s0 =	smov.u32 s7  }
0x10f: {  	v9 =	vld [tilespmem:s0+$0x6240]  }
0x110: {  	v11 =	vld [tilespmem:s0+$0x8240]  }
0x111: {  	v5 =	vld [tilespmem:s0+$0x6250]  }
0x112: {  	v7 =	vld [tilespmem:s0+$0x8250]  }
0x113: {  	v3 =	vld [tilespmem:s0+$0x6260]  }
0x114: {  	v4 =	vld [tilespmem:s0+$0x8260]  }
0x115: {  	v1 =	vld [tilespmem:s0+$0x6270]  }
0x116: {  	v2 =	vld [tilespmem:s0+$0x8270]  }
.Ltmp2:
0x117: {  	v17 =	vld [tilespmem:s0+$0xA200];
	(pc) =	sbr.rel @p5 .LBB2_7-.Ltmp2, $4  }
0x118: {  	v16 =	vld [tilespmem:s0+$0xA210]  }
0x119: {  	v15 =	vld [tilespmem:s0+$0xA220]  }
0x11a: {  	v19 =	vadd.f32 v14, v18;
	v14 =	vld [tilespmem:s0+$0xA230]  }
0x11b: {  	s26 =	sadd.s32 $0x200, s26;
	v18 =	vadd.f32 v20, v13;
	v13 =	vld [tilespmem:s0+$0xA240]  }
0x11c: {  	v17 =	vadd.f32 v17, v19;
	v6 =	vadd.f32 v10, v6;
	v58 =	vld [tilespmem:s0+$0xA250]  }
0x11d: {  	v8 =	vadd.f32 v12, v8;
	v60 =	vld [tilespmem:s0+$0xA270];
	v16 =	vadd.f32 v16, v18  }
0x11e: {  	v59 =	vld [tilespmem:s0+$0xA260];
	v9 =	vadd.f32 v11, v9;
	v17 =	vmax.f32 v17, $0.0e+00;
	v6 =	vadd.f32 v15, v6  }
0x11f: {  	v5 =	vadd.f32 v7, v5;
	[tilespmem:s0+$0xA200] =	vst v17;
	v61 =	vmax.f32 v16, $0.0e+00;
	v8 =	vadd.f32 v14, v8  }
0x120: {  	v1 =	vadd.f32 v2, v1;
	[tilespmem:s0+$0xA210] =	vst v61;
	v6 =	vmax.f32 v6, $0.0e+00;
	v62 =	vadd.f32 v13, v9  }
0x121: {  	v3 =	vadd.f32 v4, v3;
	[tilespmem:s0+$0xA220] =	vst v6;
	v63 =	vmax.f32 v8, $0.0e+00;
	v5 =	vadd.f32 v58, v5  }
0x122: {  	v1 =	vadd.f32 v60, v1;
	[tilespmem:s0+$0xA230] =	vst v63;
	v2 =	vmax.f32 v62, $0.0e+00  }
0x123: {  	v3 =	vadd.f32 v59, v3;
	[tilespmem:s0+$0xA240] =	vst v2;
	v2 =	vmax.f32 v5, $0.0e+00  }
0x124: {  	v1 =	vmax.f32 v1, $0.0e+00;
	[tilespmem:s0+$0xA250] =	vst v2  }
0x125: {  	v2 =	vmax.f32 v3, $0.0e+00;
	[tilespmem:s0+$0xA270] =	vst v1  }
.Ltmp3:
0x126: {  	[tilespmem:s0+$0xA260] =	vst v2;
	(pc) =	sbr.rel @p4 .LBB2_10-.Ltmp3, $4  }
0x127: {  	[spmem:s12] =	stream.indirect.scatter.add.f32 [tilespmem:s19], [sflag:$0x9], $0x80, s6, s2, $0xb8;
	[tilespmem:$0x1FB80] =	vst v63  }
0x128: {  	_ =	swait.ge [sflag:s31], $0x2000  }
0x129: {  	[sflag:s31] =	ssyncset.done $0x0  }
0x12a: {  	[sflag:s31] =	ssyncadd.s32 $0xFFFFE000  }
0x12b: {  	s0 =	sadd.s32 s13, s5  }
.Ltmp4:
0x12c: {  	s0 =	sshrl.u32 s0, $0x3;
	(pc) =	sbr.rel .LBB2_4-.Ltmp4, $4  }
0x12d: {  	s7 =	sadd.s32 s17, s0  }
0x12e: {  	[tilespmem:s8], [sflag:$0x8] =	stream.linear.gather [hbm4b:s7+s1], $0x40, $0x38;
	[tilespmem:$0x1FB80] =	vst v63  }
0x12f: {  	s29 =	sadd.s32 $0x1, s29;
	s0 =	sadd.s32 s18, s0  }
0x130: {  	[tilespmem:s6], [sflag:$0x8] =	stream.linear.gather [hbm4b:s0+s1], $0x40, $0x38;
	[tilespmem:$0x1FB80] =	vst v63  }
.LBB2_10:
0x131: {  	s0 =	simm.s32 $0x0;
	s7 =	rddreg [dreg:$0x1c];
	s10 =	simm.s32 $0xC200  }
0x132: {  	[tilespmem:s10], [sflag:$0x9] =	stream.linear.gather [hbm4b:s7+s0], $0x10, $0x38;
	[tilespmem:$0x1FB80] =	vst v63  }
0x133: {  	_ =	swait.ge [sflag:s31], $0x10  }
0x134: {  	[sflag:s31] =	ssyncset.done $0x0  }
0x135: {  	s26 =	simm.s32 $0xC280;
	s29 =	rddreg [dreg:$0x1d];
	[sflag:s31] =	ssyncadd.s32 $0xFFFFFFF0  }
0x136: {  	[tilespmem:s26], [sflag:$0x9] =	stream.linear.gather [hbm4b:s29+s0], $0x10, $0x38;
	[tilespmem:$0x1FB80] =	vst v63  }
0x137: {  	_ =	swait.ge [sflag:s31], $0x10  }
0x138: {  	[sflag:s31] =	ssyncset.done $0x0  }
0x139: {  	s11 =	simm.s32 $0x100;
	s28 =	simm.s32 $0x10;
	[sflag:s31] =	ssyncadd.s32 $0xFFFFFFF0  }
0x13a: {  	[tilespmem:s11], [sflag:$0x1] =	stream.indirect.gather [hbm4b:s14+s28], $0x80, s10, s28, $0xb8;
	[tilespmem:$0x1FB80] =	vst v63  }
0x13b: {  	s10 =	simm.s32 $0x2100  }
0x13c: {  	[tilespmem:s10], [sflag:$0x2] =	stream.indirect.gather [hbm4b:s15+s28], $0x80, s26, s28, $0xb8;
	[tilespmem:$0x1FB80] =	vst v63  }
0x13d: {  	s29 =	simm.s32 $0x4100;
	s13 =	rddreg [dreg:$0x1e]  }
0x13e: {  	[tilespmem:s29], [sflag:$0x3] =	stream.linear.gather [hbm4b:s13+s0], $0x800, $0x38;
	[tilespmem:$0x1FB80] =	vst v63  }
0x13f: {  	_ =	swait.ge [sflag:s20], $0x800  }
0x140: {  	[sflag:s20] =	ssyncset.done $0x0  }
0x141: {  	[sflag:s20] =	ssyncadd.s32 $0xFFFFF800  }
0x142: {  	_ =	swait.ge [sflag:s21], $0x800  }
0x143: {  	[sflag:s21] =	ssyncset.done $0x0  }
0x144: {  	[sflag:s21] =	ssyncadd.s32 $0xFFFFF800  }
0x145: {  	_ =	swait.ge [sflag:s22], $0x800  }
0x146: {  	[sflag:s22] =	ssyncset.done $0x0  }
0x147: {  	s0 =	simm.s32 $0x0;
	[sflag:s22] =	ssyncadd.s32 $0xFFFFF800  }
0x148: {  	v13 =	vld [tilespmem:s0+$0x100]  }
0x149: {  	v18 =	vld [tilespmem:s0+$0x2100]  }
0x14a: {  	v20 =	vld [tilespmem:s0+$0x110]  }
0x14b: {  	v21 =	vld [tilespmem:s0+$0x2110]  }
0x14c: {  	v6 =	vld [tilespmem:s0+$0x120]  }
0x14d: {  	v10 =	vld [tilespmem:s0+$0x2120]  }
0x14e: {  	v8 =	vld [tilespmem:s0+$0x130]  }
0x14f: {  	v12 =	vld [tilespmem:s0+$0x2130]  }
0x150: {  	v9 =	vld [tilespmem:s0+$0x140]  }
0x151: {  	v11 =	vld [tilespmem:s0+$0x2140]  }
0x152: {  	v5 =	vld [tilespmem:s0+$0x150]  }
0x153: {  	v7 =	vld [tilespmem:s0+$0x2150]  }
0x154: {  	v3 =	vld [tilespmem:s0+$0x160]  }
0x155: {  	v4 =	vld [tilespmem:s0+$0x2160]  }
0x156: {  	v1 =	vld [tilespmem:s0+$0x170]  }
0x157: {  	v2 =	vld [tilespmem:s0+$0x2170]  }
0x158: {  	v17 =	vld [tilespmem:s0+$0x4100]  }
0x159: {  	v16 =	vld [tilespmem:s0+$0x4110]  }
0x15a: {  	v15 =	vld [tilespmem:s0+$0x4120]  }
0x15b: {  	v14 =	vld [tilespmem:s0+$0x4130];
	v19 =	vadd.f32 v18, v13  }
0x15c: {  	s13 =	simm.s32 $0x200;
	v18 =	vadd.f32 v21, v20;
	v13 =	vld [tilespmem:s0+$0x4140]  }
.LBB2_11:
0x15d: {  	p4 =	sne.s32 s13, $0x1E00;
	v17 =	vadd.f32 v17, v19;
	v6 =	vadd.f32 v10, v6;
	v10 =	vld [tilespmem:s0+$0x4150]  }
0x15e: {  	v8 =	vadd.f32 v12, v8;
	v16 =	vadd.f32 v16, v18;
	v12 =	vld [tilespmem:s0+$0x4160]  }
0x15f: {  	s7 =	sshra.s32 s13, $0x2;
	v9 =	vadd.f32 v11, v9;
	v17 =	vmax.f32 v17, $0.0e+00;
	v6 =	vadd.f32 v15, v6;
	v11 =	vld [tilespmem:s0+$0x4170]  }
0x160: {  	v5 =	vadd.f32 v7, v5;
	v18 =	vld [tilespmem:s7+$0x100];
	[tilespmem:s0+$0x4100] =	vst v17;
	v15 =	vmax.f32 v16, $0.0e+00;
	v8 =	vadd.f32 v14, v8  }
0x161: {  	v3 =	vadd.f32 v4, v3;
	v14 =	vld [tilespmem:s7+$0x2100];
	[tilespmem:s0+$0x4110] =	vst v15;
	v6 =	vmax.f32 v6, $0.0e+00;
	v7 =	vadd.f32 v13, v9  }
0x162: {  	v1 =	vadd.f32 v2, v1;
	v13 =	vld [tilespmem:s7+$0x110];
	[tilespmem:s0+$0x4120] =	vst v6;
	v4 =	vmax.f32 v8, $0.0e+00;
	v5 =	vadd.f32 v10, v5  }
0x163: {  	v20 =	vld [tilespmem:s7+$0x2110];
	[tilespmem:s0+$0x4130] =	vst v4;
	v2 =	vmax.f32 v7, $0.0e+00;
	v3 =	vadd.f32 v12, v3  }
0x164: {  	v6 =	vld [tilespmem:s7+$0x120];
	[tilespmem:s0+$0x4140] =	vst v2;
	v2 =	vmax.f32 v5, $0.0e+00;
	v1 =	vadd.f32 v11, v1  }
0x165: {  	v10 =	vld [tilespmem:s7+$0x2120];
	[tilespmem:s0+$0x4150] =	vst v2;
	v2 =	vmax.f32 v3, $0.0e+00  }
0x166: {  	v8 =	vld [tilespmem:s7+$0x130];
	[tilespmem:s0+$0x4160] =	vst v2;
	v1 =	vmax.f32 v1, $0.0e+00  }
0x167: {  	v12 =	vld [tilespmem:s7+$0x2130];
	[tilespmem:s0+$0x4170] =	vst v1;
	s0 =	smov.u32 s7  }
0x168: {  	v9 =	vld [tilespmem:s0+$0x140]  }
0x169: {  	v11 =	vld [tilespmem:s0+$0x2140]  }
0x16a: {  	v5 =	vld [tilespmem:s0+$0x150]  }
0x16b: {  	v7 =	vld [tilespmem:s0+$0x2150]  }
0x16c: {  	v3 =	vld [tilespmem:s0+$0x160]  }
0x16d: {  	v4 =	vld [tilespmem:s0+$0x2160]  }
0x16e: {  	v1 =	vld [tilespmem:s0+$0x170]  }
0x16f: {  	v2 =	vld [tilespmem:s0+$0x2170]  }
.Ltmp5:
0x170: {  	v17 =	vld [tilespmem:s0+$0x4100];
	(pc) =	sbr.rel @p4 .LBB2_11-.Ltmp5, $4  }
0x171: {  	v16 =	vld [tilespmem:s0+$0x4110]  }
0x172: {  	v15 =	vld [tilespmem:s0+$0x4120]  }
0x173: {  	v19 =	vadd.f32 v14, v18;
	v14 =	vld [tilespmem:s0+$0x4130]  }
0x174: {  	s13 =	sadd.s32 $0x200, s13;
	v18 =	vadd.f32 v20, v13;
	v13 =	vld [tilespmem:s0+$0x4140]  }
0x175: {  	v17 =	vadd.f32 v17, v19;
	v6 =	vadd.f32 v10, v6;
	v58 =	vld [tilespmem:s0+$0x4150]  }
0x176: {  	v8 =	vadd.f32 v12, v8;
	v60 =	vld [tilespmem:s0+$0x4170];
	v16 =	vadd.f32 v16, v18  }
0x177: {  	v59 =	vld [tilespmem:s0+$0x4160];
	v9 =	vadd.f32 v11, v9;
	v17 =	vmax.f32 v17, $0.0e+00;
	v6 =	vadd.f32 v15, v6  }
0x178: {  	v5 =	vadd.f32 v7, v5;
	[tilespmem:s0+$0x4100] =	vst v17;
	v61 =	vmax.f32 v16, $0.0e+00;
	v8 =	vadd.f32 v14, v8  }
0x179: {  	v1 =	vadd.f32 v2, v1;
	[tilespmem:s0+$0x4110] =	vst v61;
	v6 =	vmax.f32 v6, $0.0e+00;
	v62 =	vadd.f32 v13, v9  }
0x17a: {  	v3 =	vadd.f32 v4, v3;
	[tilespmem:s0+$0x4120] =	vst v6;
	v63 =	vmax.f32 v8, $0.0e+00;
	v5 =	vadd.f32 v58, v5  }
0x17b: {  	v1 =	vadd.f32 v60, v1;
	[tilespmem:s0+$0x4130] =	vst v63;
	v2 =	vmax.f32 v62, $0.0e+00  }
0x17c: {  	v3 =	vadd.f32 v59, v3;
	[tilespmem:s0+$0x4140] =	vst v2;
	v2 =	vmax.f32 v5, $0.0e+00  }
0x17d: {  	v1 =	vmax.f32 v1, $0.0e+00;
	[tilespmem:s0+$0x4150] =	vst v2  }
0x17e: {  	v2 =	vmax.f32 v3, $0.0e+00;
	[tilespmem:s0+$0x4170] =	vst v1  }
0x17f: {  	s13 =	simm.s32 $0x4100;
	[tilespmem:s0+$0x4160] =	vst v2  }
0x180: {  	[spmem:s12] =	stream.indirect.scatter.add.f32 [tilespmem:s13], [sflag:$0x9], $0x80, s26, s28, $0xb8;
	[tilespmem:$0x1FB80] =	vst v63  }
0x181: {  	_ =	swait.ge [sflag:s31], $0x800  }
0x182: {  	[sflag:s31] =	ssyncset.done $0x0  }
0x183: {  	[sflag:s31] =	ssyncadd.s32 $0xFFFFF800  }
0x184: {  	s7 =	stileid.u32;
	[bflag:$0x0] =	sbarrier.arrive $0xFFFF  }
0x185: {  	s0 =	sshll.u32 s7, $0x6;
	s26 =	rddreg [dreg:$0xd]  }
0x186: {  	s0 =	sor.u32 $0x1C09, s0;
	s10 =	rddreg [dreg:$0x3];
	s7 =	sshrl.u32 s26, $0x3  }
0x187: {  	[hbm:s10], [sflag:s0] =	dma.local [spmem:s7], $0x400  }
0x188: {  	_ =	swait.ge [sflag:s31], $0x400  }
0x189: {  	[sflag:s31] =	ssyncset.done $0x0;
	s28 =	rddreg [dreg:$0xe]  }
0x18a: {  	s13 =	rddreg [dreg:$0x4];
	[sflag:s31] =	ssyncadd.s32 $0xFFFFFC00;
	s10 =	sshrl.u32 s28, $0x3  }
0x18b: {  	[hbm:s13], [sflag:s0] =	dma.local [spmem:s10], $0x400  }
0x18c: {  	_ =	swait.ge [sflag:s31], $0x400  }
0x18d: {  	[sflag:s31] =	ssyncset.done $0x0;
	s29 =	rddreg [dreg:$0xf]  }
0x18e: {  	s13 =	rddreg [dreg:$0x5];
	[sflag:s31] =	ssyncadd.s32 $0xFFFFFC00;
	s10 =	sshrl.u32 s29, $0x3  }
0x18f: {  	[hbm:s13], [sflag:s0] =	dma.local [spmem:s10], $0x400  }
0x190: {  	_ =	swait.ge [sflag:s31], $0x400  }
0x191: {  	[sflag:s31] =	ssyncset.done $0x0;
	s10 =	rddreg [dreg:$0x10]  }
0x192: {  	s13 =	rddreg [dreg:$0x6];
	[sflag:s31] =	ssyncadd.s32 $0xFFFFFC00;
	s7 =	sshrl.u32 s10, $0x3  }
0x193: {  	[hbm:s13], [sflag:s0] =	dma.local [spmem:s7], $0x400  }
0x194: {  	_ =	swait.ge [sflag:s31], $0x400  }
0x195: {  	[sflag:s31] =	ssyncset.done $0x0;
	s10 =	rddreg [dreg:$0x11]  }
0x196: {  	s13 =	rddreg [dreg:$0x7];
	[sflag:s31] =	ssyncadd.s32 $0xFFFFFC00;
	s7 =	sshrl.u32 s10, $0x3  }
0x197: {  	[hbm:s13], [sflag:s0] =	dma.local [spmem:s7], $0x400  }
0x198: {  	_ =	swait.ge [sflag:s31], $0x400  }
0x199: {  	[sflag:s31] =	ssyncset.done $0x0;
	s10 =	rddreg [dreg:$0x12]  }
0x19a: {  	s13 =	rddreg [dreg:$0x8];
	[sflag:s31] =	ssyncadd.s32 $0xFFFFFC00;
	s7 =	sshrl.u32 s10, $0x3  }
0x19b: {  	[hbm:s13], [sflag:s0] =	dma.local [spmem:s7], $0x400  }
0x19c: {  	_ =	swait.ge [sflag:s31], $0x400  }
0x19d: {  	[sflag:s31] =	ssyncset.done $0x0;
	s10 =	rddreg [dreg:$0x13]  }
0x19e: {  	s13 =	rddreg [dreg:$0x9];
	[sflag:s31] =	ssyncadd.s32 $0xFFFFFC00;
	s7 =	sshrl.u32 s10, $0x3  }
0x19f: {  	[hbm:s13], [sflag:s0] =	dma.local [spmem:s7], $0x400  }
0x1a0: {  	_ =	swait.ge [sflag:s31], $0x400  }
0x1a1: {  	[sflag:s31] =	ssyncset.done $0x0;
	s10 =	rddreg [dreg:$0x14]  }
0x1a2: {  	s13 =	rddreg [dreg:$0xa];
	[sflag:s31] =	ssyncadd.s32 $0xFFFFFC00;
	s7 =	sshrl.u32 s10, $0x3  }
0x1a3: {  	[hbm:s13], [sflag:s0] =	dma.local [spmem:s7], $0x400  }
0x1a4: {  	_ =	swait.ge [sflag:s31], $0x400  }
0x1a5: {  	[sflag:s31] =	ssyncset.done $0x0;
	s10 =	rddreg [dreg:$0x15]  }
0x1a6: {  	s13 =	rddreg [dreg:$0xb];
	[sflag:s31] =	ssyncadd.s32 $0xFFFFFC00;
	s7 =	sshrl.u32 s10, $0x3  }
0x1a7: {  	[hbm:s13], [sflag:s0] =	dma.local [spmem:s7], $0x400  }
0x1a8: {  	_ =	swait.ge [sflag:s31], $0x400  }
0x1a9: {  	[sflag:s31] =	ssyncset.done $0x0;
	s7 =	rddreg [dreg:$0x16]  }
0x1aa: {  	s10 =	rddreg [dreg:$0xc];
	[sflag:s31] =	ssyncadd.s32 $0xFFFFFC00;
	s7 =	sshrl.u32 @!p0 s7, $0x3  }
0x1ab: {  	[hbm:s10], [sflag:s0] =	dma.local @!p0 [spmem:s7], $0x400  }
0x1ac: {  	s7 =	simm.s32 @!p0 $0x9  }
0x1ad: {  	_ =	swait.ge @!p0 [sflag:s7], $0x400  }
0x1ae: {  	[sflag:s7] =	ssyncset.done @!p0 $0x0  }
0x1af: {  	[sflag:s7] =	ssyncadd.s32 @!p0 $0xFFFFFC00;
	s7 =	sld [smem:$0x7FD];
	_ =	sdelay $0x2  }
0x1b0: {  	s10 =	rddreg [dreg:$0x1f];
	s7 =	sshrl.u32 @p3 s7, $0x3  }
0x1b1: {  	[hbm:s10], [sflag:s0] =	dma.local @p3 [spmem:s7], $0x100  }
0x1b2: {  	s0 =	simm.s32 @p3 $0x9  }
0x1b3: {  	_ =	swait.ge @p3 [sflag:s0], $0x100  }
0x1b4: {  	s7 =	sld [smem:$0x7FB]  }
0x1b5: {  	s13 =	sld [smem:$0x7FC];
	_ =	sdelay $0x1  }
0x1b6: {  	s10 =	sadd.s32 $0x1, s7  }
0x1b7: {  	p4 =	sne.s32 s10, s13  }
.Ltmp6:
0x1b8: {  	_ = 	snop;
	(pc) =	sbr.rel @p4 .LBB2_1-.Ltmp6, $3  }
0x1b9: {  	_ =	sdelay $0x1  }
0x1ba: {  	[sflag:s0] =	ssyncset.done @p3 $0x0  }
0x1bb: {  	[sflag:s0] =	ssyncadd.s32 @p3 $0xFFFFFF00  }
0x1bc: {  	_ =	sfence.sel $0x180000  }
0x1bd: {  	[bflag:$0x0] =	sbarrier.arrive $0xFFFF  }
0x1be: {  	_ =	strace $0x90000047  }
0x1bf: {  	s0 =	stileid.u32;
	[bflag:$0x2] =	sbarrier.arrive $0xFFFF  }
0x1c0: {  	p0 =	sne.s32 s0, $0x0;
	s0 =	rddreg [dreg:$0x2]  }
0x1c1: {  	s0 =	sadd.s32 @!p0 $0x100000, s0  }
0x1c2: {  	[sflag:s0] =	ssyncadd.tile.s32 @!p0 $0x1;
	_ =	shalt  }
.Lfunc_end2:
_tile_overlayer_lowered:
.L_overlay_start_2:
0x1c3: {  	(tag) =	ssettag $0x2  }
0x1c4: {  	s0 =	rddreg [dreg:$0x0];
	s2 =	stileid.u32  }
0x1c5: {  	s1 =	rddreg [dreg:$0x1];
	p0 =	sne.s32 s2, $0x0  }
0x1c6: {  	s3 =	rddreg [dreg:$0x2];
	[bflag:$0x3] =	sbarrier.arrive $0xFFFF;
	s2 =	simm.s32 @!p0 $0x1C09  }
0x1c7: {  	[timem:s3], [sflag:s2] =	dma.local @!p0 [hbm:s0], s1  }
0x1c8: {  	s0 =	simm.s32 @!p0 $0x9  }
0x1c9: {  	_ =	swait.ge @!p0 [sflag:s0], s1  }
0x1ca: {  	s1 =	ssub.s32 @!p0 $0x0, s1;
	[sflag:s0] =	ssyncset.done @!p0 $0x0  }
0x1cb: {  	[sflag:s0] =	ssyncadd.s32 @!p0 s1  }
0x1cc: {  	[bflag:$0x3] =	sbarrier.arrive $0xFFFF  }
0x1cd: {  	_ =	shalt  }

</sc_bundles>
